<compile_context>
chip_gen: v7x
topology: tpu7x:2x2x1
jax: 0.10.2.dev20260603
libtpu: 0.0.44.dev20260713+nightly
codegen_flags: <defaults>
</compile_context>

<pallas_src>
import functools
import math

import jax
import jax.numpy as jnp
from jax import lax
from jax.experimental import pallas as pl
from jax.experimental.pallas import tpu as pltpu
from jax.experimental.pallas import tpu_sc as plsc

_NC = 2
_NS = 16
_NW = _NC * _NS
_L = 16

_CHUNK = 128


@functools.lru_cache(maxsize=None)
def _build(B, S, V, D):
    n_tb = B // _CHUNK
    n_s8 = S // 8
    scale = float(math.sqrt(D))
    mesh = plsc.VectorSubcoreMesh(
        core_axis_name="c", subcore_axis_name="s",
        num_cores=_NC, num_subcores=_NS)

    @functools.partial(
        pl.kernel,
        mesh=mesh,
        out_type=jax.ShapeDtypeStruct((S, D // 8, n_tb, 8, _CHUNK),
                                      jnp.float32),
        scratch_types=[
            pltpu.VMEM((n_s8, 1, 8, _CHUNK), jnp.int32),
            pltpu.VMEM((_CHUNK, D), jnp.float32),
            pltpu.VMEM((_CHUNK, D), jnp.float32),
            pltpu.VMEM((_CHUNK, D), jnp.float32),
            pltpu.VMEM((_CHUNK, D), jnp.float32),
            pltpu.VMEM((D // 8, 1, 8, _CHUNK), jnp.float32),
            pltpu.VMEM((D // 8, 1, 8, _CHUNK), jnp.float32),
            pltpu.VMEM((D // 8, 1, 8, _CHUNK), jnp.float32),
            pltpu.VMEM((D // 8, 1, 8, _CHUNK), jnp.float32),
            pltpu.SemaphoreType.DMA,
            pltpu.SemaphoreType.DMA,
        ],
        compiler_params=pltpu.CompilerParams(use_tc_tiling_on_sc=False,
                                             needs_layout_passes=False),
    )
    def gather_tr(tok_hbm, table_hbm, out_hbm, idx_v,
                  in0, in1, in2, in3, tr0, tr1, tr2, tr3, gsem, ssem):
        w = lax.axis_index("s") * _NC + lax.axis_index("c")

        pltpu.sync_copy(tok_hbm.at[:, pl.ds(w, 1)], idx_v)

        lanes = lax.iota(jnp.int32, _L)
        zero = lanes * 0
        rd_flat = []
        wr_flat = []
        for k in range(_L):
            d = lax.rem(lanes + k, _L)
            rd_flat.append(lanes * D + d)
            wr_flat.append(lax.div(d, 8) * (8 * _CHUNK)
                           + lax.rem(d, 8) * _CHUNK + lanes)

        def fire_gather(s, buf):
            return pltpu.async_copy(
                table_hbm.at[idx_v.at[s // 8, 0, s % 8]], buf, gsem)

        def drain_gather(buf):
            pltpu.make_async_copy(
                table_hbm.at[idx_v.at[0, 0, 0]], buf, gsem).wait()

        def transpose_scale(src, dst):
            def body(i, c):
                cb = i // (D // _L)
                eb = lax.rem(i, D // _L)
                rbase = cb * (_L * D) + eb * _L
                wbase = eb * (2 * 8 * _CHUNK) + cb * _L
                vs = [plsc.load_gather(src, [zero, rd_flat[k] + rbase])
                      for k in range(_L)]
                for k in range(_L):
                    plsc.store_scatter(
                        dst, [zero, zero, zero, wr_flat[k] + wbase],
                        vs[k] * scale)
                return c
            lax.fori_loop(0, (_CHUNK // _L) * (D // _L), body, 0)

        def out_slice(s):
            return out_hbm.at[s, pl.ds(0, D // 8), pl.ds(w, 1)]

        def drain_store(buf):
            pltpu.make_async_copy(buf, out_slice(0), ssem).wait()

        ins = (in0, in1, in2, in3)
        trs = (tr0, tr1, tr2, tr3)
        nb = len(ins)
        for b in range(nb):
            fire_gather(b, ins[b])

        def step(s, inb, trb):
            drain_gather(inb)
            @pl.when(s >= nb)
            def _():
                drain_store(trb)
            transpose_scale(inb, trb)
            pltpu.async_copy(trb, out_slice(s), ssem)
            @pl.when(s + nb < S)
            def _():
                fire_gather(s + nb, inb)

        def quad(i, carry):
            s0 = i * nb
            for b in range(nb):
                step(s0 + b, ins[b], trs[b])
            return carry

        lax.fori_loop(0, S // nb, quad, 0)

        for b in range(nb):
            drain_store(trs[b])

    return gather_tr


def kernel(tokens, weight):
    B, S = tokens.shape
    V, D = weight.shape
    tok4d = (tokens.astype(jnp.int32).T
             .reshape(S // 8, 8, B // _CHUNK, _CHUNK)
             .transpose(0, 2, 1, 3))
    out5d = _build(B, S, V, D)(tok4d, weight)
    return out5d.transpose(2, 4, 0, 1, 3).reshape(B, S, D)

# --- scband reference (transcript-rebuilt; emitter-appended) ---
"""Pipeline reference for scband-token-embedding-20435454394750 (READ-ONLY COPY).

The authoritative reference and input builder live on the scoring server;
editing this copy changes nothing except your own understanding.
"""

import jax, jax.numpy as jnp
import numpy as np
import math

VOCAB = 1000000
EMB = 64

def setup_inputs(seed: int = 0) -> dict:
    key = jax.random.key(seed)
    k_tok, k_w = jax.random.split(key)
    tokens = jax.random.randint(k_tok, (4096, 200), 0, VOCAB, dtype=jnp.int64 if jax.config.jax_enable_x64 else jnp.int32)
    # nn.Embedding default init: N(0, 1)
    weight = jax.random.normal(k_w, (VOCAB, EMB), dtype=jnp.float32)
    return {"tokens": tokens, "weight": weight}

def reference(tokens, weight):
    emb = jnp.take(weight, tokens, axis=0)
    return emb * math.sqrt(EMB)

if __name__ == "__main__":
    import jax
    _d = setup_inputs()
    print(jax.jit(kernel)(*tuple(_d.values())))

</pallas_src>

<mosaic_0001>
#map = affine_map<(d0, d1) -> (0, 0, 0, 0)>
#map1 = affine_map<(d0, d1) -> (0, 0)>
#map2 = affine_map<(d0, d1) -> (0, 0, 0, 0, 0)>
module attributes {stable_mosaic.version = 14 : i64} {
  func.func @gather_tr(%arg0: i32, %arg1: i32, %arg2: memref<25x32x8x128xi32, #tpu.memory_space<hbm>>, %arg3: memref<1000000x64xf32, #tpu.memory_space<hbm>>, %arg4: memref<200x8x32x8x128xf32, #tpu.memory_space<hbm>>, %arg5: memref<25x1x8x128xi32, #tpu.memory_space<vmem>>, %arg6: memref<128x64xf32, #tpu.memory_space<vmem>>, %arg7: memref<128x64xf32, #tpu.memory_space<vmem>>, %arg8: memref<128x64xf32, #tpu.memory_space<vmem>>, %arg9: memref<128x64xf32, #tpu.memory_space<vmem>>, %arg10: memref<8x1x8x128xf32, #tpu.memory_space<vmem>>, %arg11: memref<8x1x8x128xf32, #tpu.memory_space<vmem>>, %arg12: memref<8x1x8x128xf32, #tpu.memory_space<vmem>>, %arg13: memref<8x1x8x128xf32, #tpu.memory_space<vmem>>, %arg14: memref<!tpu.dma_semaphore, #tpu.memory_space<semaphore_mem>>, %arg15: memref<!tpu.dma_semaphore, #tpu.memory_space<semaphore_mem>>) attributes {dimension_semantics = [#tpu.dimension_semantics<core_parallel>, #tpu.dimension_semantics<subcore_parallel>], iteration_bounds = array<i64: 2, 16>, scalar_prefetch = 0 : i64, scratch_operands = 11 : i64, tpu.core_type = #tpu.core_type<sc_vector_subcore>, window_params = [{transform_indices = #map}, {transform_indices = #map1}, {transform_indices = #map2}]} {
    %mul3A = arith.constant 2 : i32
    %mul3A_0 = arith.muli %arg1, %mul3A : i32
    %add3A = arith.addi %mul3A_0, %arg0 : i32
    "tpu.region"() ({
      %run_scoped3A = tpu.sem_alloc : memref<!tpu.dma_semaphore, #tpu.memory_space<semaphore_mem>>
      %dma_start3A_469 = arith.constant 0 : i32
      %dma_start3A_470 = arith.constant 0 : i32
      %dma_start3A_471 = arith.constant 0 : i32
      %dma_start3A_472 = tpu.memref_slice %arg2[%dma_start3A_469, %add3A, %dma_start3A_470, %dma_start3A_471] : memref<25x32x8x128xi32, #tpu.memory_space<hbm>> -> memref<25x1x8x128xi32, #tpu.memory_space<hbm>>
      %dma_start3A_473 = arith.constant 0 : i32
      %dma_start3A_474 = arith.constant 0 : i32
      %dma_start3A_475 = arith.constant 0 : i32
      %dma_start3A_476 = tpu.memref_slice %arg2[%dma_start3A_473, %add3A, %dma_start3A_474, %dma_start3A_475] : memref<25x32x8x128xi32, #tpu.memory_space<hbm>> -> memref<25x1x8x128xi32, #tpu.memory_space<hbm>>
      tpu.enqueue_dma source(%dma_start3A_476 : memref<25x1x8x128xi32, #tpu.memory_space<hbm>>) target(%arg5 : memref<25x1x8x128xi32, #tpu.memory_space<vmem>>) target_semaphore(%run_scoped3A : memref<!tpu.dma_semaphore, #tpu.memory_space<semaphore_mem>>)
      %dma_wait3A_477 = arith.constant 0 : i32
      %dma_wait3A_478 = arith.constant 0 : i32
      %dma_wait3A_479 = arith.constant 0 : i32
      %dma_wait3A_480 = tpu.memref_slice %arg2[%dma_wait3A_477, %add3A, %dma_wait3A_478, %dma_wait3A_479] : memref<25x32x8x128xi32, #tpu.memory_space<hbm>> -> memref<25x1x8x128xi32, #tpu.memory_space<hbm>>
      %dma_wait3A_481 = arith.constant 0 : i32
      %dma_wait3A_482 = arith.constant 0 : i32
      %dma_wait3A_483 = arith.constant 0 : i32
      %dma_wait3A_484 = tpu.memref_slice %arg2[%dma_wait3A_481, %add3A, %dma_wait3A_482, %dma_wait3A_483] : memref<25x32x8x128xi32, #tpu.memory_space<hbm>> -> memref<25x1x8x128xi32, #tpu.memory_space<hbm>>
      tpu.wait_dma2 semaphore(%run_scoped3A : memref<!tpu.dma_semaphore, #tpu.memory_space<semaphore_mem>>) src(%dma_wait3A_484 : memref<25x1x8x128xi32, #tpu.memory_space<hbm>>) dst(%arg5 : memref<25x1x8x128xi32, #tpu.memory_space<vmem>>)
      tpu.yield
    }) : () -> ()
    %iota3A = tpu.iota {dimensions = array<i32: 0>} : vector<16xi32>
    %mul3A_1 = arith.constant 0 : i32
    %mul3A_2 = vector.broadcast %mul3A_1 : i32 to vector<16xi32>
    %mul3A_3 = arith.muli %iota3A, %mul3A_2 : vector<16xi32>
    %add3A_4 = arith.constant 0 : i32
    %add3A_5 = vector.broadcast %add3A_4 : i32 to vector<16xi32>
    %add3A_6 = arith.addi %iota3A, %add3A_5 : vector<16xi32>
    %rem3A = arith.constant 16 : i32
    %rem3A_7 = vector.broadcast %rem3A : i32 to vector<16xi32>
    %rem3A_8 = arith.remsi %add3A_6, %rem3A_7 : vector<16xi32>
    %mul3A_9 = arith.constant 64 : i32
    %mul3A_10 = vector.broadcast %mul3A_9 : i32 to vector<16xi32>
    %mul3A_11 = arith.muli %iota3A, %mul3A_10 : vector<16xi32>
    %add3A_12 = arith.addi %mul3A_11, %rem3A_8 : vector<16xi32>
    %div3A = arith.constant 8 : i32
    %div3A_13 = vector.broadcast %div3A : i32 to vector<16xi32>
    %div3A_14 = arith.divsi %rem3A_8, %div3A_13 : vector<16xi32>
    %mul3A_15 = arith.constant 1024 : i32
    %mul3A_16 = vector.broadcast %mul3A_15 : i32 to vector<16xi32>
    %mul3A_17 = arith.muli %div3A_14, %mul3A_16 : vector<16xi32>
    %rem3A_18 = arith.constant 8 : i32
    %rem3A_19 = vector.broadcast %rem3A_18 : i32 to vector<16xi32>
    %rem3A_20 = arith.remsi %rem3A_8, %rem3A_19 : vector<16xi32>
    %mul3A_21 = arith.constant 128 : i32
    %mul3A_22 = vector.broadcast %mul3A_21 : i32 to vector<16xi32>
    %mul3A_23 = arith.muli %rem3A_20, %mul3A_22 : vector<16xi32>
    %add3A_24 = arith.addi %mul3A_17, %mul3A_23 : vector<16xi32>
    %add3A_25 = arith.addi %add3A_24, %iota3A : vector<16xi32>
    %add3A_26 = arith.constant 1 : i32
    %add3A_27 = vector.broadcast %add3A_26 : i32 to vector<16xi32>
    %add3A_28 = arith.addi %iota3A, %add3A_27 : vector<16xi32>
    %rem3A_29 = arith.constant 16 : i32
    %rem3A_30 = vector.broadcast %rem3A_29 : i32 to vector<16xi32>
    %rem3A_31 = arith.remsi %add3A_28, %rem3A_30 : vector<16xi32>
    %mul3A_32 = arith.constant 64 : i32
    %mul3A_33 = vector.broadcast %mul3A_32 : i32 to vector<16xi32>
    %mul3A_34 = arith.muli %iota3A, %mul3A_33 : vector<16xi32>
    %add3A_35 = arith.addi %mul3A_34, %rem3A_31 : vector<16xi32>
    %div3A_36 = arith.constant 8 : i32
    %div3A_37 = vector.broadcast %div3A_36 : i32 to vector<16xi32>
    %div3A_38 = arith.divsi %rem3A_31, %div3A_37 : vector<16xi32>
    %mul3A_39 = arith.constant 1024 : i32
    %mul3A_40 = vector.broadcast %mul3A_39 : i32 to vector<16xi32>
    %mul3A_41 = arith.muli %div3A_38, %mul3A_40 : vector<16xi32>
    %rem3A_42 = arith.constant 8 : i32
    %rem3A_43 = vector.broadcast %rem3A_42 : i32 to vector<16xi32>
    %rem3A_44 = arith.remsi %rem3A_31, %rem3A_43 : vector<16xi32>
    %mul3A_45 = arith.constant 128 : i32
    %mul3A_46 = vector.broadcast %mul3A_45 : i32 to vector<16xi32>
    %mul3A_47 = arith.muli %rem3A_44, %mul3A_46 : vector<16xi32>
    %add3A_48 = arith.addi %mul3A_41, %mul3A_47 : vector<16xi32>
    %add3A_49 = arith.addi %add3A_48, %iota3A : vector<16xi32>
    %add3A_50 = arith.constant 2 : i32
    %add3A_51 = vector.broadcast %add3A_50 : i32 to vector<16xi32>
    %add3A_52 = arith.addi %iota3A, %add3A_51 : vector<16xi32>
    %rem3A_53 = arith.constant 16 : i32
    %rem3A_54 = vector.broadcast %rem3A_53 : i32 to vector<16xi32>
    %rem3A_55 = arith.remsi %add3A_52, %rem3A_54 : vector<16xi32>
    %mul3A_56 = arith.constant 64 : i32
    %mul3A_57 = vector.broadcast %mul3A_56 : i32 to vector<16xi32>
    %mul3A_58 = arith.muli %iota3A, %mul3A_57 : vector<16xi32>
    %add3A_59 = arith.addi %mul3A_58, %rem3A_55 : vector<16xi32>
    %div3A_60 = arith.constant 8 : i32
    %div3A_61 = vector.broadcast %div3A_60 : i32 to vector<16xi32>
    %div3A_62 = arith.divsi %rem3A_55, %div3A_61 : vector<16xi32>
    %mul3A_63 = arith.constant 1024 : i32
    %mul3A_64 = vector.broadcast %mul3A_63 : i32 to vector<16xi32>
    %mul3A_65 = arith.muli %div3A_62, %mul3A_64 : vector<16xi32>
    %rem3A_66 = arith.constant 8 : i32
    %rem3A_67 = vector.broadcast %rem3A_66 : i32 to vector<16xi32>
    %rem3A_68 = arith.remsi %rem3A_55, %rem3A_67 : vector<16xi32>
    %mul3A_69 = arith.constant 128 : i32
    %mul3A_70 = vector.broadcast %mul3A_69 : i32 to vector<16xi32>
    %mul3A_71 = arith.muli %rem3A_68, %mul3A_70 : vector<16xi32>
    %add3A_72 = arith.addi %mul3A_65, %mul3A_71 : vector<16xi32>
    %add3A_73 = arith.addi %add3A_72, %iota3A : vector<16xi32>
    %add3A_74 = arith.constant 3 : i32
    %add3A_75 = vector.broadcast %add3A_74 : i32 to vector<16xi32>
    %add3A_76 = arith.addi %iota3A, %add3A_75 : vector<16xi32>
    %rem3A_77 = arith.constant 16 : i32
    %rem3A_78 = vector.broadcast %rem3A_77 : i32 to vector<16xi32>
    %rem3A_79 = arith.remsi %add3A_76, %rem3A_78 : vector<16xi32>
    %mul3A_80 = arith.constant 64 : i32
    %mul3A_81 = vector.broadcast %mul3A_80 : i32 to vector<16xi32>
    %mul3A_82 = arith.muli %iota3A, %mul3A_81 : vector<16xi32>
    %add3A_83 = arith.addi %mul3A_82, %rem3A_79 : vector<16xi32>
    %div3A_84 = arith.constant 8 : i32
    %div3A_85 = vector.broadcast %div3A_84 : i32 to vector<16xi32>
    %div3A_86 = arith.divsi %rem3A_79, %div3A_85 : vector<16xi32>
    %mul3A_87 = arith.constant 1024 : i32
    %mul3A_88 = vector.broadcast %mul3A_87 : i32 to vector<16xi32>
    %mul3A_89 = arith.muli %div3A_86, %mul3A_88 : vector<16xi32>
    %rem3A_90 = arith.constant 8 : i32
    %rem3A_91 = vector.broadcast %rem3A_90 : i32 to vector<16xi32>
    %rem3A_92 = arith.remsi %rem3A_79, %rem3A_91 : vector<16xi32>
    %mul3A_93 = arith.constant 128 : i32
    %mul3A_94 = vector.broadcast %mul3A_93 : i32 to vector<16xi32>
    %mul3A_95 = arith.muli %rem3A_92, %mul3A_94 : vector<16xi32>
    %add3A_96 = arith.addi %mul3A_89, %mul3A_95 : vector<16xi32>
    %add3A_97 = arith.addi %add3A_96, %iota3A : vector<16xi32>
    %add3A_98 = arith.constant 4 : i32
    %add3A_99 = vector.broadcast %add3A_98 : i32 to vector<16xi32>
    %add3A_100 = arith.addi %iota3A, %add3A_99 : vector<16xi32>
    %rem3A_101 = arith.constant 16 : i32
    %rem3A_102 = vector.broadcast %rem3A_101 : i32 to vector<16xi32>
    %rem3A_103 = arith.remsi %add3A_100, %rem3A_102 : vector<16xi32>
    %mul3A_104 = arith.constant 64 : i32
    %mul3A_105 = vector.broadcast %mul3A_104 : i32 to vector<16xi32>
    %mul3A_106 = arith.muli %iota3A, %mul3A_105 : vector<16xi32>
    %add3A_107 = arith.addi %mul3A_106, %rem3A_103 : vector<16xi32>
    %div3A_108 = arith.constant 8 : i32
    %div3A_109 = vector.broadcast %div3A_108 : i32 to vector<16xi32>
    %div3A_110 = arith.divsi %rem3A_103, %div3A_109 : vector<16xi32>
    %mul3A_111 = arith.constant 1024 : i32
    %mul3A_112 = vector.broadcast %mul3A_111 : i32 to vector<16xi32>
    %mul3A_113 = arith.muli %div3A_110, %mul3A_112 : vector<16xi32>
    %rem3A_114 = arith.constant 8 : i32
    %rem3A_115 = vector.broadcast %rem3A_114 : i32 to vector<16xi32>
    %rem3A_116 = arith.remsi %rem3A_103, %rem3A_115 : vector<16xi32>
    %mul3A_117 = arith.constant 128 : i32
    %mul3A_118 = vector.broadcast %mul3A_117 : i32 to vector<16xi32>
    %mul3A_119 = arith.muli %rem3A_116, %mul3A_118 : vector<16xi32>
    %add3A_120 = arith.addi %mul3A_113, %mul3A_119 : vector<16xi32>
    %add3A_121 = arith.addi %add3A_120, %iota3A : vector<16xi32>
    %add3A_122 = arith.constant 5 : i32
    %add3A_123 = vector.broadcast %add3A_122 : i32 to vector<16xi32>
    %add3A_124 = arith.addi %iota3A, %add3A_123 : vector<16xi32>
    %rem3A_125 = arith.constant 16 : i32
    %rem3A_126 = vector.broadcast %rem3A_125 : i32 to vector<16xi32>
    %rem3A_127 = arith.remsi %add3A_124, %rem3A_126 : vector<16xi32>
    %mul3A_128 = arith.constant 64 : i32
    %mul3A_129 = vector.broadcast %mul3A_128 : i32 to vector<16xi32>
    %mul3A_130 = arith.muli %iota3A, %mul3A_129 : vector<16xi32>
    %add3A_131 = arith.addi %mul3A_130, %rem3A_127 : vector<16xi32>
    %div3A_132 = arith.constant 8 : i32
    %div3A_133 = vector.broadcast %div3A_132 : i32 to vector<16xi32>
    %div3A_134 = arith.divsi %rem3A_127, %div3A_133 : vector<16xi32>
    %mul3A_135 = arith.constant 1024 : i32
    %mul3A_136 = vector.broadcast %mul3A_135 : i32 to vector<16xi32>
    %mul3A_137 = arith.muli %div3A_134, %mul3A_136 : vector<16xi32>
    %rem3A_138 = arith.constant 8 : i32
    %rem3A_139 = vector.broadcast %rem3A_138 : i32 to vector<16xi32>
    %rem3A_140 = arith.remsi %rem3A_127, %rem3A_139 : vector<16xi32>
    %mul3A_141 = arith.constant 128 : i32
    %mul3A_142 = vector.broadcast %mul3A_141 : i32 to vector<16xi32>
    %mul3A_143 = arith.muli %rem3A_140, %mul3A_142 : vector<16xi32>
    %add3A_144 = arith.addi %mul3A_137, %mul3A_143 : vector<16xi32>
    %add3A_145 = arith.addi %add3A_144, %iota3A : vector<16xi32>
    %add3A_146 = arith.constant 6 : i32
    %add3A_147 = vector.broadcast %add3A_146 : i32 to vector<16xi32>
    %add3A_148 = arith.addi %iota3A, %add3A_147 : vector<16xi32>
    %rem3A_149 = arith.constant 16 : i32
    %rem3A_150 = vector.broadcast %rem3A_149 : i32 to vector<16xi32>
    %rem3A_151 = arith.remsi %add3A_148, %rem3A_150 : vector<16xi32>
    %mul3A_152 = arith.constant 64 : i32
    %mul3A_153 = vector.broadcast %mul3A_152 : i32 to vector<16xi32>
    %mul3A_154 = arith.muli %iota3A, %mul3A_153 : vector<16xi32>
    %add3A_155 = arith.addi %mul3A_154, %rem3A_151 : vector<16xi32>
    %div3A_156 = arith.constant 8 : i32
    %div3A_157 = vector.broadcast %div3A_156 : i32 to vector<16xi32>
    %div3A_158 = arith.divsi %rem3A_151, %div3A_157 : vector<16xi32>
    %mul3A_159 = arith.constant 1024 : i32
    %mul3A_160 = vector.broadcast %mul3A_159 : i32 to vector<16xi32>
    %mul3A_161 = arith.muli %div3A_158, %mul3A_160 : vector<16xi32>
    %rem3A_162 = arith.constant 8 : i32
    %rem3A_163 = vector.broadcast %rem3A_162 : i32 to vector<16xi32>
    %rem3A_164 = arith.remsi %rem3A_151, %rem3A_163 : vector<16xi32>
    %mul3A_165 = arith.constant 128 : i32
    %mul3A_166 = vector.broadcast %mul3A_165 : i32 to vector<16xi32>
    %mul3A_167 = arith.muli %rem3A_164, %mul3A_166 : vector<16xi32>
    %add3A_168 = arith.addi %mul3A_161, %mul3A_167 : vector<16xi32>
    %add3A_169 = arith.addi %add3A_168, %iota3A : vector<16xi32>
    %add3A_170 = arith.constant 7 : i32
    %add3A_171 = vector.broadcast %add3A_170 : i32 to vector<16xi32>
    %add3A_172 = arith.addi %iota3A, %add3A_171 : vector<16xi32>
    %rem3A_173 = arith.constant 16 : i32
    %rem3A_174 = vector.broadcast %rem3A_173 : i32 to vector<16xi32>
    %rem3A_175 = arith.remsi %add3A_172, %rem3A_174 : vector<16xi32>
    %mul3A_176 = arith.constant 64 : i32
    %mul3A_177 = vector.broadcast %mul3A_176 : i32 to vector<16xi32>
    %mul3A_178 = arith.muli %iota3A, %mul3A_177 : vector<16xi32>
    %add3A_179 = arith.addi %mul3A_178, %rem3A_175 : vector<16xi32>
    %div3A_180 = arith.constant 8 : i32
    %div3A_181 = vector.broadcast %div3A_180 : i32 to vector<16xi32>
    %div3A_182 = arith.divsi %rem3A_175, %div3A_181 : vector<16xi32>
    %mul3A_183 = arith.constant 1024 : i32
    %mul3A_184 = vector.broadcast %mul3A_183 : i32 to vector<16xi32>
    %mul3A_185 = arith.muli %div3A_182, %mul3A_184 : vector<16xi32>
    %rem3A_186 = arith.constant 8 : i32
    %rem3A_187 = vector.broadcast %rem3A_186 : i32 to vector<16xi32>
    %rem3A_188 = arith.remsi %rem3A_175, %rem3A_187 : vector<16xi32>
    %mul3A_189 = arith.constant 128 : i32
    %mul3A_190 = vector.broadcast %mul3A_189 : i32 to vector<16xi32>
    %mul3A_191 = arith.muli %rem3A_188, %mul3A_190 : vector<16xi32>
    %add3A_192 = arith.addi %mul3A_185, %mul3A_191 : vector<16xi32>
    %add3A_193 = arith.addi %add3A_192, %iota3A : vector<16xi32>
    %add3A_194 = arith.constant 8 : i32
    %add3A_195 = vector.broadcast %add3A_194 : i32 to vector<16xi32>
    %add3A_196 = arith.addi %iota3A, %add3A_195 : vector<16xi32>
    %rem3A_197 = arith.constant 16 : i32
    %rem3A_198 = vector.broadcast %rem3A_197 : i32 to vector<16xi32>
    %rem3A_199 = arith.remsi %add3A_196, %rem3A_198 : vector<16xi32>
    %mul3A_200 = arith.constant 64 : i32
    %mul3A_201 = vector.broadcast %mul3A_200 : i32 to vector<16xi32>
    %mul3A_202 = arith.muli %iota3A, %mul3A_201 : vector<16xi32>
    %add3A_203 = arith.addi %mul3A_202, %rem3A_199 : vector<16xi32>
    %div3A_204 = arith.constant 8 : i32
    %div3A_205 = vector.broadcast %div3A_204 : i32 to vector<16xi32>
    %div3A_206 = arith.divsi %rem3A_199, %div3A_205 : vector<16xi32>
    %mul3A_207 = arith.constant 1024 : i32
    %mul3A_208 = vector.broadcast %mul3A_207 : i32 to vector<16xi32>
    %mul3A_209 = arith.muli %div3A_206, %mul3A_208 : vector<16xi32>
    %rem3A_210 = arith.constant 8 : i32
    %rem3A_211 = vector.broadcast %rem3A_210 : i32 to vector<16xi32>
    %rem3A_212 = arith.remsi %rem3A_199, %rem3A_211 : vector<16xi32>
    %mul3A_213 = arith.constant 128 : i32
    %mul3A_214 = vector.broadcast %mul3A_213 : i32 to vector<16xi32>
    %mul3A_215 = arith.muli %rem3A_212, %mul3A_214 : vector<16xi32>
    %add3A_216 = arith.addi %mul3A_209, %mul3A_215 : vector<16xi32>
    %add3A_217 = arith.addi %add3A_216, %iota3A : vector<16xi32>
    %add3A_218 = arith.constant 9 : i32
    %add3A_219 = vector.broadcast %add3A_218 : i32 to vector<16xi32>
    %add3A_220 = arith.addi %iota3A, %add3A_219 : vector<16xi32>
    %rem3A_221 = arith.constant 16 : i32
    %rem3A_222 = vector.broadcast %rem3A_221 : i32 to vector<16xi32>
    %rem3A_223 = arith.remsi %add3A_220, %rem3A_222 : vector<16xi32>
    %mul3A_224 = arith.constant 64 : i32
    %mul3A_225 = vector.broadcast %mul3A_224 : i32 to vector<16xi32>
    %mul3A_226 = arith.muli %iota3A, %mul3A_225 : vector<16xi32>
    %add3A_227 = arith.addi %mul3A_226, %rem3A_223 : vector<16xi32>
    %div3A_228 = arith.constant 8 : i32
    %div3A_229 = vector.broadcast %div3A_228 : i32 to vector<16xi32>
    %div3A_230 = arith.divsi %rem3A_223, %div3A_229 : vector<16xi32>
    %mul3A_231 = arith.constant 1024 : i32
    %mul3A_232 = vector.broadcast %mul3A_231 : i32 to vector<16xi32>
    %mul3A_233 = arith.muli %div3A_230, %mul3A_232 : vector<16xi32>
    %rem3A_234 = arith.constant 8 : i32
    %rem3A_235 = vector.broadcast %rem3A_234 : i32 to vector<16xi32>
    %rem3A_236 = arith.remsi %rem3A_223, %rem3A_235 : vector<16xi32>
    %mul3A_237 = arith.constant 128 : i32
    %mul3A_238 = vector.broadcast %mul3A_237 : i32 to vector<16xi32>
    %mul3A_239 = arith.muli %rem3A_236, %mul3A_238 : vector<16xi32>
    %add3A_240 = arith.addi %mul3A_233, %mul3A_239 : vector<16xi32>
    %add3A_241 = arith.addi %add3A_240, %iota3A : vector<16xi32>
    %add3A_242 = arith.constant 10 : i32
    %add3A_243 = vector.broadcast %add3A_242 : i32 to vector<16xi32>
    %add3A_244 = arith.addi %iota3A, %add3A_243 : vector<16xi32>
    %rem3A_245 = arith.constant 16 : i32
    %rem3A_246 = vector.broadcast %rem3A_245 : i32 to vector<16xi32>
    %rem3A_247 = arith.remsi %add3A_244, %rem3A_246 : vector<16xi32>
    %mul3A_248 = arith.constant 64 : i32
    %mul3A_249 = vector.broadcast %mul3A_248 : i32 to vector<16xi32>
    %mul3A_250 = arith.muli %iota3A, %mul3A_249 : vector<16xi32>
    %add3A_251 = arith.addi %mul3A_250, %rem3A_247 : vector<16xi32>
    %div3A_252 = arith.constant 8 : i32
    %div3A_253 = vector.broadcast %div3A_252 : i32 to vector<16xi32>
    %div3A_254 = arith.divsi %rem3A_247, %div3A_253 : vector<16xi32>
    %mul3A_255 = arith.constant 1024 : i32
    %mul3A_256 = vector.broadcast %mul3A_255 : i32 to vector<16xi32>
    %mul3A_257 = arith.muli %div3A_254, %mul3A_256 : vector<16xi32>
    %rem3A_258 = arith.constant 8 : i32
    %rem3A_259 = vector.broadcast %rem3A_258 : i32 to vector<16xi32>
    %rem3A_260 = arith.remsi %rem3A_247, %rem3A_259 : vector<16xi32>
    %mul3A_261 = arith.constant 128 : i32
    %mul3A_262 = vector.broadcast %mul3A_261 : i32 to vector<16xi32>
    %mul3A_263 = arith.muli %rem3A_260, %mul3A_262 : vector<16xi32>
    %add3A_264 = arith.addi %mul3A_257, %mul3A_263 : vector<16xi32>
    %add3A_265 = arith.addi %add3A_264, %iota3A : vector<16xi32>
    %add3A_266 = arith.constant 11 : i32
    %add3A_267 = vector.broadcast %add3A_266 : i32 to vector<16xi32>
    %add3A_268 = arith.addi %iota3A, %add3A_267 : vector<16xi32>
    %rem3A_269 = arith.constant 16 : i32
    %rem3A_270 = vector.broadcast %rem3A_269 : i32 to vector<16xi32>
    %rem3A_271 = arith.remsi %add3A_268, %rem3A_270 : vector<16xi32>
    %mul3A_272 = arith.constant 64 : i32
    %mul3A_273 = vector.broadcast %mul3A_272 : i32 to vector<16xi32>
    %mul3A_274 = arith.muli %iota3A, %mul3A_273 : vector<16xi32>
    %add3A_275 = arith.addi %mul3A_274, %rem3A_271 : vector<16xi32>
    %div3A_276 = arith.constant 8 : i32
    %div3A_277 = vector.broadcast %div3A_276 : i32 to vector<16xi32>
    %div3A_278 = arith.divsi %rem3A_271, %div3A_277 : vector<16xi32>
    %mul3A_279 = arith.constant 1024 : i32
    %mul3A_280 = vector.broadcast %mul3A_279 : i32 to vector<16xi32>
    %mul3A_281 = arith.muli %div3A_278, %mul3A_280 : vector<16xi32>
    %rem3A_282 = arith.constant 8 : i32
    %rem3A_283 = vector.broadcast %rem3A_282 : i32 to vector<16xi32>
    %rem3A_284 = arith.remsi %rem3A_271, %rem3A_283 : vector<16xi32>
    %mul3A_285 = arith.constant 128 : i32
    %mul3A_286 = vector.broadcast %mul3A_285 : i32 to vector<16xi32>
    %mul3A_287 = arith.muli %rem3A_284, %mul3A_286 : vector<16xi32>
    %add3A_288 = arith.addi %mul3A_281, %mul3A_287 : vector<16xi32>
    %add3A_289 = arith.addi %add3A_288, %iota3A : vector<16xi32>
    %add3A_290 = arith.constant 12 : i32
    %add3A_291 = vector.broadcast %add3A_290 : i32 to vector<16xi32>
    %add3A_292 = arith.addi %iota3A, %add3A_291 : vector<16xi32>
    %rem3A_293 = arith.constant 16 : i32
    %rem3A_294 = vector.broadcast %rem3A_293 : i32 to vector<16xi32>
    %rem3A_295 = arith.remsi %add3A_292, %rem3A_294 : vector<16xi32>
    %mul3A_296 = arith.constant 64 : i32
    %mul3A_297 = vector.broadcast %mul3A_296 : i32 to vector<16xi32>
    %mul3A_298 = arith.muli %iota3A, %mul3A_297 : vector<16xi32>
    %add3A_299 = arith.addi %mul3A_298, %rem3A_295 : vector<16xi32>
    %div3A_300 = arith.constant 8 : i32
    %div3A_301 = vector.broadcast %div3A_300 : i32 to vector<16xi32>
    %div3A_302 = arith.divsi %rem3A_295, %div3A_301 : vector<16xi32>
    %mul3A_303 = arith.constant 1024 : i32
    %mul3A_304 = vector.broadcast %mul3A_303 : i32 to vector<16xi32>
    %mul3A_305 = arith.muli %div3A_302, %mul3A_304 : vector<16xi32>
    %rem3A_306 = arith.constant 8 : i32
    %rem3A_307 = vector.broadcast %rem3A_306 : i32 to vector<16xi32>
    %rem3A_308 = arith.remsi %rem3A_295, %rem3A_307 : vector<16xi32>
    %mul3A_309 = arith.constant 128 : i32
    %mul3A_310 = vector.broadcast %mul3A_309 : i32 to vector<16xi32>
    %mul3A_311 = arith.muli %rem3A_308, %mul3A_310 : vector<16xi32>
    %add3A_312 = arith.addi %mul3A_305, %mul3A_311 : vector<16xi32>
    %add3A_313 = arith.addi %add3A_312, %iota3A : vector<16xi32>
    %add3A_314 = arith.constant 13 : i32
    %add3A_315 = vector.broadcast %add3A_314 : i32 to vector<16xi32>
    %add3A_316 = arith.addi %iota3A, %add3A_315 : vector<16xi32>
    %rem3A_317 = arith.constant 16 : i32
    %rem3A_318 = vector.broadcast %rem3A_317 : i32 to vector<16xi32>
    %rem3A_319 = arith.remsi %add3A_316, %rem3A_318 : vector<16xi32>
    %mul3A_320 = arith.constant 64 : i32
    %mul3A_321 = vector.broadcast %mul3A_320 : i32 to vector<16xi32>
    %mul3A_322 = arith.muli %iota3A, %mul3A_321 : vector<16xi32>
    %add3A_323 = arith.addi %mul3A_322, %rem3A_319 : vector<16xi32>
    %div3A_324 = arith.constant 8 : i32
    %div3A_325 = vector.broadcast %div3A_324 : i32 to vector<16xi32>
    %div3A_326 = arith.divsi %rem3A_319, %div3A_325 : vector<16xi32>
    %mul3A_327 = arith.constant 1024 : i32
    %mul3A_328 = vector.broadcast %mul3A_327 : i32 to vector<16xi32>
    %mul3A_329 = arith.muli %div3A_326, %mul3A_328 : vector<16xi32>
    %rem3A_330 = arith.constant 8 : i32
    %rem3A_331 = vector.broadcast %rem3A_330 : i32 to vector<16xi32>
    %rem3A_332 = arith.remsi %rem3A_319, %rem3A_331 : vector<16xi32>
    %mul3A_333 = arith.constant 128 : i32
    %mul3A_334 = vector.broadcast %mul3A_333 : i32 to vector<16xi32>
    %mul3A_335 = arith.muli %rem3A_332, %mul3A_334 : vector<16xi32>
    %add3A_336 = arith.addi %mul3A_329, %mul3A_335 : vector<16xi32>
    %add3A_337 = arith.addi %add3A_336, %iota3A : vector<16xi32>
    %add3A_338 = arith.constant 14 : i32
    %add3A_339 = vector.broadcast %add3A_338 : i32 to vector<16xi32>
    %add3A_340 = arith.addi %iota3A, %add3A_339 : vector<16xi32>
    %rem3A_341 = arith.constant 16 : i32
    %rem3A_342 = vector.broadcast %rem3A_341 : i32 to vector<16xi32>
    %rem3A_343 = arith.remsi %add3A_340, %rem3A_342 : vector<16xi32>
    %mul3A_344 = arith.constant 64 : i32
    %mul3A_345 = vector.broadcast %mul3A_344 : i32 to vector<16xi32>
    %mul3A_346 = arith.muli %iota3A, %mul3A_345 : vector<16xi32>
    %add3A_347 = arith.addi %mul3A_346, %rem3A_343 : vector<16xi32>
    %div3A_348 = arith.constant 8 : i32
    %div3A_349 = vector.broadcast %div3A_348 : i32 to vector<16xi32>
    %div3A_350 = arith.divsi %rem3A_343, %div3A_349 : vector<16xi32>
    %mul3A_351 = arith.constant 1024 : i32
    %mul3A_352 = vector.broadcast %mul3A_351 : i32 to vector<16xi32>
    %mul3A_353 = arith.muli %div3A_350, %mul3A_352 : vector<16xi32>
    %rem3A_354 = arith.constant 8 : i32
    %rem3A_355 = vector.broadcast %rem3A_354 : i32 to vector<16xi32>
    %rem3A_356 = arith.remsi %rem3A_343, %rem3A_355 : vector<16xi32>
    %mul3A_357 = arith.constant 128 : i32
    %mul3A_358 = vector.broadcast %mul3A_357 : i32 to vector<16xi32>
    %mul3A_359 = arith.muli %rem3A_356, %mul3A_358 : vector<16xi32>
    %add3A_360 = arith.addi %mul3A_353, %mul3A_359 : vector<16xi32>
    %add3A_361 = arith.addi %add3A_360, %iota3A : vector<16xi32>
    %add3A_362 = arith.constant 15 : i32
    %add3A_363 = vector.broadcast %add3A_362 : i32 to vector<16xi32>
    %add3A_364 = arith.addi %iota3A, %add3A_363 : vector<16xi32>
    %rem3A_365 = arith.constant 16 : i32
    %rem3A_366 = vector.broadcast %rem3A_365 : i32 to vector<16xi32>
    %rem3A_367 = arith.remsi %add3A_364, %rem3A_366 : vector<16xi32>
    %mul3A_368 = arith.constant 64 : i32
    %mul3A_369 = vector.broadcast %mul3A_368 : i32 to vector<16xi32>
    %mul3A_370 = arith.muli %iota3A, %mul3A_369 : vector<16xi32>
    %add3A_371 = arith.addi %mul3A_370, %rem3A_367 : vector<16xi32>
    %div3A_372 = arith.constant 8 : i32
    %div3A_373 = vector.broadcast %div3A_372 : i32 to vector<16xi32>
    %div3A_374 = arith.divsi %rem3A_367, %div3A_373 : vector<16xi32>
    %mul3A_375 = arith.constant 1024 : i32
    %mul3A_376 = vector.broadcast %mul3A_375 : i32 to vector<16xi32>
    %mul3A_377 = arith.muli %div3A_374, %mul3A_376 : vector<16xi32>
    %rem3A_378 = arith.constant 8 : i32
    %rem3A_379 = vector.broadcast %rem3A_378 : i32 to vector<16xi32>
    %rem3A_380 = arith.remsi %rem3A_367, %rem3A_379 : vector<16xi32>
    %mul3A_381 = arith.constant 128 : i32
    %mul3A_382 = vector.broadcast %mul3A_381 : i32 to vector<16xi32>
    %mul3A_383 = arith.muli %rem3A_380, %mul3A_382 : vector<16xi32>
    %add3A_384 = arith.addi %mul3A_377, %mul3A_383 : vector<16xi32>
    %add3A_385 = arith.addi %add3A_384, %iota3A : vector<16xi32>
    %dma_start3A = arith.constant 0 : i32
    %dma_start3A_386 = arith.constant 0 : i32
    %dma_start3A_387 = arith.constant 0 : i32
    %dma_start3A_388 = arith.constant 0 : i32
    %dma_start3A_389 = tpu.memref_slice %arg5[%dma_start3A, %dma_start3A_386, %dma_start3A_387, %dma_start3A_388] : memref<25x1x8x128xi32, #tpu.memory_space<vmem>> -> memref<1x1x1x128xi32, #tpu.memory_space<vmem>>
    %dma_start3A_390 = tpu.memref_squeeze %dma_start3A_389 : memref<1x1x1x128xi32, #tpu.memory_space<vmem>> -> memref<128xi32, #tpu.memory_space<vmem>>
    %dma_start3A_391 = arith.constant 0 : i32
    %dma_start3A_392 = arith.constant 0 : i32
    %dma_start3A_393 = tpu.memref_slice %arg3[%dma_start3A_391, %dma_start3A_392] : memref<1000000x64xf32, #tpu.memory_space<hbm>> -> memref<1000000x64xf32, #tpu.memory_space<hbm>>
    tpu.enqueue_indirect_dma source(%dma_start3A_393 : memref<1000000x64xf32, #tpu.memory_space<hbm>>) target(%arg6 : memref<128x64xf32, #tpu.memory_space<vmem>>) offsets(%dma_start3A_390 : memref<128xi32, #tpu.memory_space<vmem>>) semaphore(%arg14 : memref<!tpu.dma_semaphore, #tpu.memory_space<semaphore_mem>>)
    %dma_start3A_394 = arith.constant 0 : i32
    %dma_start3A_395 = arith.constant 0 : i32
    %dma_start3A_396 = arith.constant 1 : i32
    %dma_start3A_397 = arith.constant 0 : i32
    %dma_start3A_398 = tpu.memref_slice %arg5[%dma_start3A_394, %dma_start3A_395, %dma_start3A_396, %dma_start3A_397] : memref<25x1x8x128xi32, #tpu.memory_space<vmem>> -> memref<1x1x1x128xi32, #tpu.memory_space<vmem>>
    %dma_start3A_399 = tpu.memref_squeeze %dma_start3A_398 : memref<1x1x1x128xi32, #tpu.memory_space<vmem>> -> memref<128xi32, #tpu.memory_space<vmem>>
    %dma_start3A_400 = arith.constant 0 : i32
    %dma_start3A_401 = arith.constant 0 : i32
    %dma_start3A_402 = tpu.memref_slice %arg3[%dma_start3A_400, %dma_start3A_401] : memref<1000000x64xf32, #tpu.memory_space<hbm>> -> memref<1000000x64xf32, #tpu.memory_space<hbm>>
    tpu.enqueue_indirect_dma source(%dma_start3A_402 : memref<1000000x64xf32, #tpu.memory_space<hbm>>) target(%arg7 : memref<128x64xf32, #tpu.memory_space<vmem>>) offsets(%dma_start3A_399 : memref<128xi32, #tpu.memory_space<vmem>>) semaphore(%arg14 : memref<!tpu.dma_semaphore, #tpu.memory_space<semaphore_mem>>)
    %dma_start3A_403 = arith.constant 0 : i32
    %dma_start3A_404 = arith.constant 0 : i32
    %dma_start3A_405 = arith.constant 2 : i32
    %dma_start3A_406 = arith.constant 0 : i32
    %dma_start3A_407 = tpu.memref_slice %arg5[%dma_start3A_403, %dma_start3A_404, %dma_start3A_405, %dma_start3A_406] : memref<25x1x8x128xi32, #tpu.memory_space<vmem>> -> memref<1x1x1x128xi32, #tpu.memory_space<vmem>>
    %dma_start3A_408 = tpu.memref_squeeze %dma_start3A_407 : memref<1x1x1x128xi32, #tpu.memory_space<vmem>> -> memref<128xi32, #tpu.memory_space<vmem>>
    %dma_start3A_409 = arith.constant 0 : i32
    %dma_start3A_410 = arith.constant 0 : i32
    %dma_start3A_411 = tpu.memref_slice %arg3[%dma_start3A_409, %dma_start3A_410] : memref<1000000x64xf32, #tpu.memory_space<hbm>> -> memref<1000000x64xf32, #tpu.memory_space<hbm>>
    tpu.enqueue_indirect_dma source(%dma_start3A_411 : memref<1000000x64xf32, #tpu.memory_space<hbm>>) target(%arg8 : memref<128x64xf32, #tpu.memory_space<vmem>>) offsets(%dma_start3A_408 : memref<128xi32, #tpu.memory_space<vmem>>) semaphore(%arg14 : memref<!tpu.dma_semaphore, #tpu.memory_space<semaphore_mem>>)
    %dma_start3A_412 = arith.constant 0 : i32
    %dma_start3A_413 = arith.constant 0 : i32
    %dma_start3A_414 = arith.constant 3 : i32
    %dma_start3A_415 = arith.constant 0 : i32
    %dma_start3A_416 = tpu.memref_slice %arg5[%dma_start3A_412, %dma_start3A_413, %dma_start3A_414, %dma_start3A_415] : memref<25x1x8x128xi32, #tpu.memory_space<vmem>> -> memref<1x1x1x128xi32, #tpu.memory_space<vmem>>
    %dma_start3A_417 = tpu.memref_squeeze %dma_start3A_416 : memref<1x1x1x128xi32, #tpu.memory_space<vmem>> -> memref<128xi32, #tpu.memory_space<vmem>>
    %dma_start3A_418 = arith.constant 0 : i32
    %dma_start3A_419 = arith.constant 0 : i32
    %dma_start3A_420 = tpu.memref_slice %arg3[%dma_start3A_418, %dma_start3A_419] : memref<1000000x64xf32, #tpu.memory_space<hbm>> -> memref<1000000x64xf32, #tpu.memory_space<hbm>>
    tpu.enqueue_indirect_dma source(%dma_start3A_420 : memref<1000000x64xf32, #tpu.memory_space<hbm>>) target(%arg9 : memref<128x64xf32, #tpu.memory_space<vmem>>) offsets(%dma_start3A_417 : memref<128xi32, #tpu.memory_space<vmem>>) semaphore(%arg14 : memref<!tpu.dma_semaphore, #tpu.memory_space<semaphore_mem>>)
    %scan3A = arith.constant 0 : i32
    %scan3A_421 = arith.constant 0 : i32
    %scan3A_422 = arith.constant 50 : i32
    %scan3A_423 = arith.addi %scan3A_421, %scan3A_422 : i32
    %scan3A_424 = arith.constant 1 : i32
    scf.for %scan3A_469 = %scan3A_421 to %scan3A_423 step %scan3A_424  : i32 {
      %mul3A_470 = arith.constant 4 : i32
      %mul3A_471 = arith.muli %scan3A_469, %mul3A_470 : i32
      %add3A_472 = arith.constant 0 : i32
      %add3A_473 = arith.addi %mul3A_471, %add3A_472 : i32
      %dma_wait3A_474 = arith.constant 0 : i32
      %dma_wait3A_475 = arith.constant 0 : i32
      %dma_wait3A_476 = arith.constant 0 : i32
      %dma_wait3A_477 = arith.constant 0 : i32
      %dma_wait3A_478 = tpu.memref_slice %arg5[%dma_wait3A_474, %dma_wait3A_475, %dma_wait3A_476, %dma_wait3A_477] : memref<25x1x8x128xi32, #tpu.memory_space<vmem>> -> memref<1x1x1x128xi32, #tpu.memory_space<vmem>>
      %dma_wait3A_479 = tpu.memref_squeeze %dma_wait3A_478 : memref<1x1x1x128xi32, #tpu.memory_space<vmem>> -> memref<128xi32, #tpu.memory_space<vmem>>
      %dma_wait3A_480 = arith.constant 0 : i32
      %dma_wait3A_481 = arith.constant 0 : i32
      %dma_wait3A_482 = tpu.memref_slice %arg3[%dma_wait3A_480, %dma_wait3A_481] : memref<1000000x64xf32, #tpu.memory_space<hbm>> -> memref<1000000x64xf32, #tpu.memory_space<hbm>>
      tpu.wait_indirect_dma semaphore(%arg14 : memref<!tpu.dma_semaphore, #tpu.memory_space<semaphore_mem>>) src(%dma_wait3A_482 : memref<1000000x64xf32, #tpu.memory_space<hbm>>) dst(%arg6 : memref<128x64xf32, #tpu.memory_space<vmem>>)
      %ge3A = arith.constant 4 : i32
      %ge3A_483 = arith.cmpi sge, %add3A_473, %ge3A : i32
      %convert_element_type3A = arith.extui %ge3A_483 : i1 to i32
      %cond3A = arith.constant 0 : i32
      %cond3A_484 = arith.cmpi ne, %convert_element_type3A, %cond3A : i32
      scf.if %cond3A_484 {
        %dma_wait3A_624 = arith.constant 0 : i32
        %dma_wait3A_625 = arith.constant 0 : i32
        %dma_wait3A_626 = arith.constant 0 : i32
        %dma_wait3A_627 = arith.constant 0 : i32
        %dma_wait3A_628 = tpu.memref_slice %arg4[%dma_wait3A_624, %dma_wait3A_625, %add3A, %dma_wait3A_626, %dma_wait3A_627] : memref<200x8x32x8x128xf32, #tpu.memory_space<hbm>> -> memref<1x8x1x8x128xf32, #tpu.memory_space<hbm>>
        %dma_wait3A_629 = tpu.memref_squeeze %dma_wait3A_628 : memref<1x8x1x8x128xf32, #tpu.memory_space<hbm>> -> memref<8x1x8x128xf32, #tpu.memory_space<hbm>>
        %dma_wait3A_630 = arith.constant 0 : i32
        %dma_wait3A_631 = arith.constant 0 : i32
        %dma_wait3A_632 = arith.constant 0 : i32
        %dma_wait3A_633 = tpu.memref_slice %arg4[%dma_wait3A_624, %dma_wait3A_630, %add3A, %dma_wait3A_631, %dma_wait3A_632] : memref<200x8x32x8x128xf32, #tpu.memory_space<hbm>> -> memref<1x8x1x8x128xf32, #tpu.memory_space<hbm>>
        %dma_wait3A_634 = tpu.memref_squeeze %dma_wait3A_633 : memref<1x8x1x8x128xf32, #tpu.memory_space<hbm>> -> memref<8x1x8x128xf32, #tpu.memory_space<hbm>>
        tpu.wait_dma2 semaphore(%arg15 : memref<!tpu.dma_semaphore, #tpu.memory_space<semaphore_mem>>) src(%arg10 : memref<8x1x8x128xf32, #tpu.memory_space<vmem>>) dst(%dma_wait3A_634 : memref<8x1x8x128xf32, #tpu.memory_space<hbm>>)
      } else {
      }
      %scan3A_485 = arith.constant 0 : i32
      %scan3A_486 = arith.constant 0 : i32
      %scan3A_487 = arith.constant 32 : i32
      %scan3A_488 = arith.addi %scan3A_486, %scan3A_487 : i32
      %scan3A_489 = arith.constant 1 : i32
      scf.for %scan3A_624 = %scan3A_486 to %scan3A_488 step %scan3A_489  : i32 {
        %jit3A = arith.constant 4 : i32
        %div3A_625 = arith.divsi %scan3A_624, %jit3A : i32
        %sign3A = arith.constant 0 : i32
        %sign3A_626 = arith.cmpi sgt, %scan3A_624, %sign3A : i32
        %sign3A_627 = arith.extui %sign3A_626 : i1 to i32
        %sign3A_628 = arith.constant 0 : i32
        %sign3A_629 = arith.cmpi slt, %scan3A_624, %sign3A_628 : i32
        %sign3A_630 = arith.extui %sign3A_629 : i1 to i32
        %sign3A_631 = arith.subi %sign3A_627, %sign3A_630 : i32
        %sign3A_632 = arith.constant 0 : i32
        %sign3A_633 = arith.cmpi sgt, %jit3A, %sign3A_632 : i32
        %sign3A_634 = arith.extui %sign3A_633 : i1 to i32
        %sign3A_635 = arith.constant 0 : i32
        %sign3A_636 = arith.cmpi slt, %jit3A, %sign3A_635 : i32
        %sign3A_637 = arith.extui %sign3A_636 : i1 to i32
        %sign3A_638 = arith.subi %sign3A_634, %sign3A_637 : i32
        %ne3A = arith.cmpi ne, %sign3A_631, %sign3A_638 : i32
        %rem3A_639 = arith.remsi %scan3A_624, %jit3A : i32
        %ne3A_640 = arith.constant 0 : i32
        %ne3A_641 = arith.cmpi ne, %rem3A_639, %ne3A_640 : i32
        %and3A = arith.andi %ne3A, %ne3A_641 : i1
        %sub3A = arith.constant 1 : i32
        %sub3A_642 = arith.subi %div3A_625, %sub3A : i32
        %select_n3A = arith.select %and3A, %sub3A_642, %div3A_625 : i32
        %rem3A_643 = arith.constant 4 : i32
        %rem3A_644 = arith.remsi %scan3A_624, %rem3A_643 : i32
        %mul3A_645 = arith.constant 1024 : i32
        %mul3A_646 = arith.muli %select_n3A, %mul3A_645 : i32
        %mul3A_647 = arith.constant 16 : i32
        %mul3A_648 = arith.muli %rem3A_644, %mul3A_647 : i32
        %add3A_649 = arith.addi %mul3A_646, %mul3A_648 : i32
        %mul3A_650 = arith.constant 2048 : i32
        %mul3A_651 = arith.muli %rem3A_644, %mul3A_650 : i32
        %mul3A_652 = arith.constant 16 : i32
        %mul3A_653 = arith.muli %select_n3A, %mul3A_652 : i32
        %add3A_654 = arith.addi %mul3A_651, %mul3A_653 : i32
        %add3A_655 = vector.broadcast %add3A_649 : i32 to vector<16xi32>
        %add3A_656 = arith.addi %add3A_12, %add3A_655 : vector<16xi32>
        %gather3A = tpu.vector_load_idx %arg6[%mul3A_3, %add3A_656] : memref<128x64xf32, #tpu.memory_space<vmem>>[vector<16xi32>, vector<16xi32>], vector<16xf32>,
        %add3A_657 = vector.broadcast %add3A_649 : i32 to vector<16xi32>
        %add3A_658 = arith.addi %add3A_35, %add3A_657 : vector<16xi32>
        %gather3A_659 = tpu.vector_load_idx %arg6[%mul3A_3, %add3A_658] : memref<128x64xf32, #tpu.memory_space<vmem>>[vector<16xi32>, vector<16xi32>], vector<16xf32>,
        %add3A_660 = vector.broadcast %add3A_649 : i32 to vector<16xi32>
        %add3A_661 = arith.addi %add3A_59, %add3A_660 : vector<16xi32>
        %gather3A_662 = tpu.vector_load_idx %arg6[%mul3A_3, %add3A_661] : memref<128x64xf32, #tpu.memory_space<vmem>>[vector<16xi32>, vector<16xi32>], vector<16xf32>,
        %add3A_663 = vector.broadcast %add3A_649 : i32 to vector<16xi32>
        %add3A_664 = arith.addi %add3A_83, %add3A_663 : vector<16xi32>
        %gather3A_665 = tpu.vector_load_idx %arg6[%mul3A_3, %add3A_664] : memref<128x64xf32, #tpu.memory_space<vmem>>[vector<16xi32>, vector<16xi32>], vector<16xf32>,
        %add3A_666 = vector.broadcast %add3A_649 : i32 to vector<16xi32>
        %add3A_667 = arith.addi %add3A_107, %add3A_666 : vector<16xi32>
        %gather3A_668 = tpu.vector_load_idx %arg6[%mul3A_3, %add3A_667] : memref<128x64xf32, #tpu.memory_space<vmem>>[vector<16xi32>, vector<16xi32>], vector<16xf32>,
        %add3A_669 = vector.broadcast %add3A_649 : i32 to vector<16xi32>
        %add3A_670 = arith.addi %add3A_131, %add3A_669 : vector<16xi32>
        %gather3A_671 = tpu.vector_load_idx %arg6[%mul3A_3, %add3A_670] : memref<128x64xf32, #tpu.memory_space<vmem>>[vector<16xi32>, vector<16xi32>], vector<16xf32>,
        %add3A_672 = vector.broadcast %add3A_649 : i32 to vector<16xi32>
        %add3A_673 = arith.addi %add3A_155, %add3A_672 : vector<16xi32>
        %gather3A_674 = tpu.vector_load_idx %arg6[%mul3A_3, %add3A_673] : memref<128x64xf32, #tpu.memory_space<vmem>>[vector<16xi32>, vector<16xi32>], vector<16xf32>,
        %add3A_675 = vector.broadcast %add3A_649 : i32 to vector<16xi32>
        %add3A_676 = arith.addi %add3A_179, %add3A_675 : vector<16xi32>
        %gather3A_677 = tpu.vector_load_idx %arg6[%mul3A_3, %add3A_676] : memref<128x64xf32, #tpu.memory_space<vmem>>[vector<16xi32>, vector<16xi32>], vector<16xf32>,
        %add3A_678 = vector.broadcast %add3A_649 : i32 to vector<16xi32>
        %add3A_679 = arith.addi %add3A_203, %add3A_678 : vector<16xi32>
        %gather3A_680 = tpu.vector_load_idx %arg6[%mul3A_3, %add3A_679] : memref<128x64xf32, #tpu.memory_space<vmem>>[vector<16xi32>, vector<16xi32>], vector<16xf32>,
        %add3A_681 = vector.broadcast %add3A_649 : i32 to vector<16xi32>
        %add3A_682 = arith.addi %add3A_227, %add3A_681 : vector<16xi32>
        %gather3A_683 = tpu.vector_load_idx %arg6[%mul3A_3, %add3A_682] : memref<128x64xf32, #tpu.memory_space<vmem>>[vector<16xi32>, vector<16xi32>], vector<16xf32>,
        %add3A_684 = vector.broadcast %add3A_649 : i32 to vector<16xi32>
        %add3A_685 = arith.addi %add3A_251, %add3A_684 : vector<16xi32>
        %gather3A_686 = tpu.vector_load_idx %arg6[%mul3A_3, %add3A_685] : memref<128x64xf32, #tpu.memory_space<vmem>>[vector<16xi32>, vector<16xi32>], vector<16xf32>,
        %add3A_687 = vector.broadcast %add3A_649 : i32 to vector<16xi32>
        %add3A_688 = arith.addi %add3A_275, %add3A_687 : vector<16xi32>
        %gather3A_689 = tpu.vector_load_idx %arg6[%mul3A_3, %add3A_688] : memref<128x64xf32, #tpu.memory_space<vmem>>[vector<16xi32>, vector<16xi32>], vector<16xf32>,
        %add3A_690 = vector.broadcast %add3A_649 : i32 to vector<16xi32>
        %add3A_691 = arith.addi %add3A_299, %add3A_690 : vector<16xi32>
        %gather3A_692 = tpu.vector_load_idx %arg6[%mul3A_3, %add3A_691] : memref<128x64xf32, #tpu.memory_space<vmem>>[vector<16xi32>, vector<16xi32>], vector<16xf32>,
        %add3A_693 = vector.broadcast %add3A_649 : i32 to vector<16xi32>
        %add3A_694 = arith.addi %add3A_323, %add3A_693 : vector<16xi32>
        %gather3A_695 = tpu.vector_load_idx %arg6[%mul3A_3, %add3A_694] : memref<128x64xf32, #tpu.memory_space<vmem>>[vector<16xi32>, vector<16xi32>], vector<16xf32>,
        %add3A_696 = vector.broadcast %add3A_649 : i32 to vector<16xi32>
        %add3A_697 = arith.addi %add3A_347, %add3A_696 : vector<16xi32>
        %gather3A_698 = tpu.vector_load_idx %arg6[%mul3A_3, %add3A_697] : memref<128x64xf32, #tpu.memory_space<vmem>>[vector<16xi32>, vector<16xi32>], vector<16xf32>,
        %add3A_699 = vector.broadcast %add3A_649 : i32 to vector<16xi32>
        %add3A_700 = arith.addi %add3A_371, %add3A_699 : vector<16xi32>
        %gather3A_701 = tpu.vector_load_idx %arg6[%mul3A_3, %add3A_700] : memref<128x64xf32, #tpu.memory_space<vmem>>[vector<16xi32>, vector<16xi32>], vector<16xf32>,
        %add3A_702 = vector.broadcast %add3A_654 : i32 to vector<16xi32>
        %add3A_703 = arith.addi %add3A_25, %add3A_702 : vector<16xi32>
        %mul3A_704 = arith.constant 8.000000e+00 : f32
        %mul3A_705 = vector.broadcast %mul3A_704 : f32 to vector<16xf32>
        %mul3A_706 = arith.mulf %gather3A, %mul3A_705 : vector<16xf32>
        tpu.vector_store_idx %arg10[%mul3A_3, %mul3A_3, %mul3A_3, %add3A_703], %mul3A_706 : memref<8x1x8x128xf32, #tpu.memory_space<vmem>>[vector<16xi32>, vector<16xi32>, vector<16xi32>, vector<16xi32>], vector<16xf32>,
        %add3A_707 = vector.broadcast %add3A_654 : i32 to vector<16xi32>
        %add3A_708 = arith.addi %add3A_49, %add3A_707 : vector<16xi32>
        %mul3A_709 = arith.constant 8.000000e+00 : f32
        %mul3A_710 = vector.broadcast %mul3A_709 : f32 to vector<16xf32>
        %mul3A_711 = arith.mulf %gather3A_659, %mul3A_710 : vector<16xf32>
        tpu.vector_store_idx %arg10[%mul3A_3, %mul3A_3, %mul3A_3, %add3A_708], %mul3A_711 : memref<8x1x8x128xf32, #tpu.memory_space<vmem>>[vector<16xi32>, vector<16xi32>, vector<16xi32>, vector<16xi32>], vector<16xf32>,
        %add3A_712 = vector.broadcast %add3A_654 : i32 to vector<16xi32>
        %add3A_713 = arith.addi %add3A_73, %add3A_712 : vector<16xi32>
        %mul3A_714 = arith.constant 8.000000e+00 : f32
        %mul3A_715 = vector.broadcast %mul3A_714 : f32 to vector<16xf32>
        %mul3A_716 = arith.mulf %gather3A_662, %mul3A_715 : vector<16xf32>
        tpu.vector_store_idx %arg10[%mul3A_3, %mul3A_3, %mul3A_3, %add3A_713], %mul3A_716 : memref<8x1x8x128xf32, #tpu.memory_space<vmem>>[vector<16xi32>, vector<16xi32>, vector<16xi32>, vector<16xi32>], vector<16xf32>,
        %add3A_717 = vector.broadcast %add3A_654 : i32 to vector<16xi32>
        %add3A_718 = arith.addi %add3A_97, %add3A_717 : vector<16xi32>
        %mul3A_719 = arith.constant 8.000000e+00 : f32
        %mul3A_720 = vector.broadcast %mul3A_719 : f32 to vector<16xf32>
        %mul3A_721 = arith.mulf %gather3A_665, %mul3A_720 : vector<16xf32>
        tpu.vector_store_idx %arg10[%mul3A_3, %mul3A_3, %mul3A_3, %add3A_718], %mul3A_721 : memref<8x1x8x128xf32, #tpu.memory_space<vmem>>[vector<16xi32>, vector<16xi32>, vector<16xi32>, vector<16xi32>], vector<16xf32>,
        %add3A_722 = vector.broadcast %add3A_654 : i32 to vector<16xi32>
        %add3A_723 = arith.addi %add3A_121, %add3A_722 : vector<16xi32>
        %mul3A_724 = arith.constant 8.000000e+00 : f32
        %mul3A_725 = vector.broadcast %mul3A_724 : f32 to vector<16xf32>
        %mul3A_726 = arith.mulf %gather3A_668, %mul3A_725 : vector<16xf32>
        tpu.vector_store_idx %arg10[%mul3A_3, %mul3A_3, %mul3A_3, %add3A_723], %mul3A_726 : memref<8x1x8x128xf32, #tpu.memory_space<vmem>>[vector<16xi32>, vector<16xi32>, vector<16xi32>, vector<16xi32>], vector<16xf32>,
        %add3A_727 = vector.broadcast %add3A_654 : i32 to vector<16xi32>
        %add3A_728 = arith.addi %add3A_145, %add3A_727 : vector<16xi32>
        %mul3A_729 = arith.constant 8.000000e+00 : f32
        %mul3A_730 = vector.broadcast %mul3A_729 : f32 to vector<16xf32>
        %mul3A_731 = arith.mulf %gather3A_671, %mul3A_730 : vector<16xf32>
        tpu.vector_store_idx %arg10[%mul3A_3, %mul3A_3, %mul3A_3, %add3A_728], %mul3A_731 : memref<8x1x8x128xf32, #tpu.memory_space<vmem>>[vector<16xi32>, vector<16xi32>, vector<16xi32>, vector<16xi32>], vector<16xf32>,
        %add3A_732 = vector.broadcast %add3A_654 : i32 to vector<16xi32>
        %add3A_733 = arith.addi %add3A_169, %add3A_732 : vector<16xi32>
        %mul3A_734 = arith.constant 8.000000e+00 : f32
        %mul3A_735 = vector.broadcast %mul3A_734 : f32 to vector<16xf32>
        %mul3A_736 = arith.mulf %gather3A_674, %mul3A_735 : vector<16xf32>
        tpu.vector_store_idx %arg10[%mul3A_3, %mul3A_3, %mul3A_3, %add3A_733], %mul3A_736 : memref<8x1x8x128xf32, #tpu.memory_space<vmem>>[vector<16xi32>, vector<16xi32>, vector<16xi32>, vector<16xi32>], vector<16xf32>,
        %add3A_737 = vector.broadcast %add3A_654 : i32 to vector<16xi32>
        %add3A_738 = arith.addi %add3A_193, %add3A_737 : vector<16xi32>
        %mul3A_739 = arith.constant 8.000000e+00 : f32
        %mul3A_740 = vector.broadcast %mul3A_739 : f32 to vector<16xf32>
        %mul3A_741 = arith.mulf %gather3A_677, %mul3A_740 : vector<16xf32>
        tpu.vector_store_idx %arg10[%mul3A_3, %mul3A_3, %mul3A_3, %add3A_738], %mul3A_741 : memref<8x1x8x128xf32, #tpu.memory_space<vmem>>[vector<16xi32>, vector<16xi32>, vector<16xi32>, vector<16xi32>], vector<16xf32>,
        %add3A_742 = vector.broadcast %add3A_654 : i32 to vector<16xi32>
        %add3A_743 = arith.addi %add3A_217, %add3A_742 : vector<16xi32>
        %mul3A_744 = arith.constant 8.000000e+00 : f32
        %mul3A_745 = vector.broadcast %mul3A_744 : f32 to vector<16xf32>
        %mul3A_746 = arith.mulf %gather3A_680, %mul3A_745 : vector<16xf32>
        tpu.vector_store_idx %arg10[%mul3A_3, %mul3A_3, %mul3A_3, %add3A_743], %mul3A_746 : memref<8x1x8x128xf32, #tpu.memory_space<vmem>>[vector<16xi32>, vector<16xi32>, vector<16xi32>, vector<16xi32>], vector<16xf32>,
        %add3A_747 = vector.broadcast %add3A_654 : i32 to vector<16xi32>
        %add3A_748 = arith.addi %add3A_241, %add3A_747 : vector<16xi32>
        %mul3A_749 = arith.constant 8.000000e+00 : f32
        %mul3A_750 = vector.broadcast %mul3A_749 : f32 to vector<16xf32>
        %mul3A_751 = arith.mulf %gather3A_683, %mul3A_750 : vector<16xf32>
        tpu.vector_store_idx %arg10[%mul3A_3, %mul3A_3, %mul3A_3, %add3A_748], %mul3A_751 : memref<8x1x8x128xf32, #tpu.memory_space<vmem>>[vector<16xi32>, vector<16xi32>, vector<16xi32>, vector<16xi32>], vector<16xf32>,
        %add3A_752 = vector.broadcast %add3A_654 : i32 to vector<16xi32>
        %add3A_753 = arith.addi %add3A_265, %add3A_752 : vector<16xi32>
        %mul3A_754 = arith.constant 8.000000e+00 : f32
        %mul3A_755 = vector.broadcast %mul3A_754 : f32 to vector<16xf32>
        %mul3A_756 = arith.mulf %gather3A_686, %mul3A_755 : vector<16xf32>
        tpu.vector_store_idx %arg10[%mul3A_3, %mul3A_3, %mul3A_3, %add3A_753], %mul3A_756 : memref<8x1x8x128xf32, #tpu.memory_space<vmem>>[vector<16xi32>, vector<16xi32>, vector<16xi32>, vector<16xi32>], vector<16xf32>,
        %add3A_757 = vector.broadcast %add3A_654 : i32 to vector<16xi32>
        %add3A_758 = arith.addi %add3A_289, %add3A_757 : vector<16xi32>
        %mul3A_759 = arith.constant 8.000000e+00 : f32
        %mul3A_760 = vector.broadcast %mul3A_759 : f32 to vector<16xf32>
        %mul3A_761 = arith.mulf %gather3A_689, %mul3A_760 : vector<16xf32>
        tpu.vector_store_idx %arg10[%mul3A_3, %mul3A_3, %mul3A_3, %add3A_758], %mul3A_761 : memref<8x1x8x128xf32, #tpu.memory_space<vmem>>[vector<16xi32>, vector<16xi32>, vector<16xi32>, vector<16xi32>], vector<16xf32>,
        %add3A_762 = vector.broadcast %add3A_654 : i32 to vector<16xi32>
        %add3A_763 = arith.addi %add3A_313, %add3A_762 : vector<16xi32>
        %mul3A_764 = arith.constant 8.000000e+00 : f32
        %mul3A_765 = vector.broadcast %mul3A_764 : f32 to vector<16xf32>
        %mul3A_766 = arith.mulf %gather3A_692, %mul3A_765 : vector<16xf32>
        tpu.vector_store_idx %arg10[%mul3A_3, %mul3A_3, %mul3A_3, %add3A_763], %mul3A_766 : memref<8x1x8x128xf32, #tpu.memory_space<vmem>>[vector<16xi32>, vector<16xi32>, vector<16xi32>, vector<16xi32>], vector<16xf32>,
        %add3A_767 = vector.broadcast %add3A_654 : i32 to vector<16xi32>
        %add3A_768 = arith.addi %add3A_337, %add3A_767 : vector<16xi32>
        %mul3A_769 = arith.constant 8.000000e+00 : f32
        %mul3A_770 = vector.broadcast %mul3A_769 : f32 to vector<16xf32>
        %mul3A_771 = arith.mulf %gather3A_695, %mul3A_770 : vector<16xf32>
        tpu.vector_store_idx %arg10[%mul3A_3, %mul3A_3, %mul3A_3, %add3A_768], %mul3A_771 : memref<8x1x8x128xf32, #tpu.memory_space<vmem>>[vector<16xi32>, vector<16xi32>, vector<16xi32>, vector<16xi32>], vector<16xf32>,
        %add3A_772 = vector.broadcast %add3A_654 : i32 to vector<16xi32>
        %add3A_773 = arith.addi %add3A_361, %add3A_772 : vector<16xi32>
        %mul3A_774 = arith.constant 8.000000e+00 : f32
        %mul3A_775 = vector.broadcast %mul3A_774 : f32 to vector<16xf32>
        %mul3A_776 = arith.mulf %gather3A_698, %mul3A_775 : vector<16xf32>
        tpu.vector_store_idx %arg10[%mul3A_3, %mul3A_3, %mul3A_3, %add3A_773], %mul3A_776 : memref<8x1x8x128xf32, #tpu.memory_space<vmem>>[vector<16xi32>, vector<16xi32>, vector<16xi32>, vector<16xi32>], vector<16xf32>,
        %add3A_777 = vector.broadcast %add3A_654 : i32 to vector<16xi32>
        %add3A_778 = arith.addi %add3A_385, %add3A_777 : vector<16xi32>
        %mul3A_779 = arith.constant 8.000000e+00 : f32
        %mul3A_780 = vector.broadcast %mul3A_779 : f32 to vector<16xf32>
        %mul3A_781 = arith.mulf %gather3A_701, %mul3A_780 : vector<16xf32>
        tpu.vector_store_idx %arg10[%mul3A_3, %mul3A_3, %mul3A_3, %add3A_778], %mul3A_781 : memref<8x1x8x128xf32, #tpu.memory_space<vmem>>[vector<16xi32>, vector<16xi32>, vector<16xi32>, vector<16xi32>], vector<16xf32>,
      }
      %scan3A_490 = arith.constant 32 : i32
      %dma_start3A_491 = arith.constant 0 : i32
      %dma_start3A_492 = arith.constant 0 : i32
      %dma_start3A_493 = arith.constant 0 : i32
      %dma_start3A_494 = tpu.memref_slice %arg4[%add3A_473, %dma_start3A_491, %add3A, %dma_start3A_492, %dma_start3A_493] : memref<200x8x32x8x128xf32, #tpu.memory_space<hbm>> -> memref<1x8x1x8x128xf32, #tpu.memory_space<hbm>>
      %dma_start3A_495 = tpu.memref_squeeze %dma_start3A_494 : memref<1x8x1x8x128xf32, #tpu.memory_space<hbm>> -> memref<8x1x8x128xf32, #tpu.memory_space<hbm>>
      %dma_start3A_496 = arith.constant 0 : i32
      %dma_start3A_497 = arith.constant 0 : i32
      %dma_start3A_498 = arith.constant 0 : i32
      %dma_start3A_499 = tpu.memref_slice %arg4[%add3A_473, %dma_start3A_496, %add3A, %dma_start3A_497, %dma_start3A_498] : memref<200x8x32x8x128xf32, #tpu.memory_space<hbm>> -> memref<1x8x1x8x128xf32, #tpu.memory_space<hbm>>
      %dma_start3A_500 = tpu.memref_squeeze %dma_start3A_499 : memref<1x8x1x8x128xf32, #tpu.memory_space<hbm>> -> memref<8x1x8x128xf32, #tpu.memory_space<hbm>>
      tpu.enqueue_dma source(%arg10 : memref<8x1x8x128xf32, #tpu.memory_space<vmem>>) target(%dma_start3A_500 : memref<8x1x8x128xf32, #tpu.memory_space<hbm>>) target_semaphore(%arg15 : memref<!tpu.dma_semaphore, #tpu.memory_space<semaphore_mem>>)
      %add3A_501 = arith.constant 4 : i32
      %add3A_502 = arith.addi %add3A_473, %add3A_501 : i32
      %lt3A = arith.constant 200 : i32
      %lt3A_503 = arith.cmpi slt, %add3A_502, %lt3A : i32
      %convert_element_type3A_504 = arith.extui %lt3A_503 : i1 to i32
      %cond3A_505 = arith.constant 0 : i32
      %cond3A_506 = arith.cmpi ne, %convert_element_type3A_504, %cond3A_505 : i32
      scf.if %cond3A_506 {
        %add3A_624 = arith.constant 4 : i32
        %add3A_625 = arith.addi %add3A_473, %add3A_624 : i32
        %jit3A = arith.constant 8 : i32
        %div3A_626 = arith.divsi %add3A_625, %jit3A : i32
        %sign3A = arith.constant 0 : i32
        %sign3A_627 = arith.cmpi sgt, %add3A_625, %sign3A : i32
        %sign3A_628 = arith.extui %sign3A_627 : i1 to i32
        %sign3A_629 = arith.constant 0 : i32
        %sign3A_630 = arith.cmpi slt, %add3A_625, %sign3A_629 : i32
        %sign3A_631 = arith.extui %sign3A_630 : i1 to i32
        %sign3A_632 = arith.subi %sign3A_628, %sign3A_631 : i32
        %sign3A_633 = arith.constant 0 : i32
        %sign3A_634 = arith.cmpi sgt, %jit3A, %sign3A_633 : i32
        %sign3A_635 = arith.extui %sign3A_634 : i1 to i32
        %sign3A_636 = arith.constant 0 : i32
        %sign3A_637 = arith.cmpi slt, %jit3A, %sign3A_636 : i32
        %sign3A_638 = arith.extui %sign3A_637 : i1 to i32
        %sign3A_639 = arith.subi %sign3A_635, %sign3A_638 : i32
        %ne3A = arith.cmpi ne, %sign3A_632, %sign3A_639 : i32
        %rem3A_640 = arith.remsi %add3A_625, %jit3A : i32
        %ne3A_641 = arith.constant 0 : i32
        %ne3A_642 = arith.cmpi ne, %rem3A_640, %ne3A_641 : i32
        %and3A = arith.andi %ne3A, %ne3A_642 : i1
        %sub3A = arith.constant 1 : i32
        %sub3A_643 = arith.subi %div3A_626, %sub3A : i32
        %select_n3A = arith.select %and3A, %sub3A_643, %div3A_626 : i32
        %jit3A_644 = arith.constant 8 : i32
        %eq3A = arith.constant 0 : i32
        %eq3A_645 = arith.cmpi eq, %jit3A_644, %eq3A : i32
        %jit3A_646 = arith.constant 1 : i32
        %select_n3A_647 = arith.select %eq3A_645, %jit3A_646, %jit3A_644 : i32
        %rem3A_648 = arith.remsi %add3A_625, %select_n3A_647 : i32
        %ne3A_649 = arith.constant 0 : i32
        %ne3A_650 = arith.cmpi ne, %rem3A_648, %ne3A_649 : i32
        %lt3A_651 = arith.constant 0 : i32
        %lt3A_652 = arith.cmpi slt, %rem3A_648, %lt3A_651 : i32
        %lt3A_653 = arith.constant 0 : i32
        %lt3A_654 = arith.cmpi slt, %select_n3A_647, %lt3A_653 : i32
        %ne3A_655 = arith.xori %lt3A_652, %lt3A_654 : i1
        %and3A_656 = arith.andi %ne3A_655, %ne3A_650 : i1
        %add3A_657 = arith.addi %rem3A_648, %select_n3A_647 : i32
        %select_n3A_658 = arith.select %and3A_656, %add3A_657, %rem3A_648 : i32
        %dma_start3A_659 = arith.constant 0 : i32
        %dma_start3A_660 = arith.constant 0 : i32
        %dma_start3A_661 = tpu.memref_slice %arg5[%select_n3A, %dma_start3A_659, %select_n3A_658, %dma_start3A_660] : memref<25x1x8x128xi32, #tpu.memory_space<vmem>> -> memref<1x1x1x128xi32, #tpu.memory_space<vmem>>
        %dma_start3A_662 = tpu.memref_squeeze %dma_start3A_661 : memref<1x1x1x128xi32, #tpu.memory_space<vmem>> -> memref<128xi32, #tpu.memory_space<vmem>>
        %dma_start3A_663 = arith.constant 0 : i32
        %dma_start3A_664 = arith.constant 0 : i32
        %dma_start3A_665 = tpu.memref_slice %arg3[%dma_start3A_663, %dma_start3A_664] : memref<1000000x64xf32, #tpu.memory_space<hbm>> -> memref<1000000x64xf32, #tpu.memory_space<hbm>>
        tpu.enqueue_indirect_dma source(%dma_start3A_665 : memref<1000000x64xf32, #tpu.memory_space<hbm>>) target(%arg6 : memref<128x64xf32, #tpu.memory_space<vmem>>) offsets(%dma_start3A_662 : memref<128xi32, #tpu.memory_space<vmem>>) semaphore(%arg14 : memref<!tpu.dma_semaphore, #tpu.memory_space<semaphore_mem>>)
      } else {
      }
      %add3A_507 = arith.constant 1 : i32
      %add3A_508 = arith.addi %mul3A_471, %add3A_507 : i32
      %dma_wait3A_509 = arith.constant 0 : i32
      %dma_wait3A_510 = arith.constant 0 : i32
      %dma_wait3A_511 = arith.constant 0 : i32
      %dma_wait3A_512 = arith.constant 0 : i32
      %dma_wait3A_513 = tpu.memref_slice %arg5[%dma_wait3A_509, %dma_wait3A_510, %dma_wait3A_511, %dma_wait3A_512] : memref<25x1x8x128xi32, #tpu.memory_space<vmem>> -> memref<1x1x1x128xi32, #tpu.memory_space<vmem>>
      %dma_wait3A_514 = tpu.memref_squeeze %dma_wait3A_513 : memref<1x1x1x128xi32, #tpu.memory_space<vmem>> -> memref<128xi32, #tpu.memory_space<vmem>>
      %dma_wait3A_515 = arith.constant 0 : i32
      %dma_wait3A_516 = arith.constant 0 : i32
      %dma_wait3A_517 = tpu.memref_slice %arg3[%dma_wait3A_515, %dma_wait3A_516] : memref<1000000x64xf32, #tpu.memory_space<hbm>> -> memref<1000000x64xf32, #tpu.memory_space<hbm>>
      tpu.wait_indirect_dma semaphore(%arg14 : memref<!tpu.dma_semaphore, #tpu.memory_space<semaphore_mem>>) src(%dma_wait3A_517 : memref<1000000x64xf32, #tpu.memory_space<hbm>>) dst(%arg7 : memref<128x64xf32, #tpu.memory_space<vmem>>)
      %ge3A_518 = arith.constant 4 : i32
      %ge3A_519 = arith.cmpi sge, %add3A_508, %ge3A_518 : i32
      %convert_element_type3A_520 = arith.extui %ge3A_519 : i1 to i32
      %cond3A_521 = arith.constant 0 : i32
      %cond3A_522 = arith.cmpi ne, %convert_element_type3A_520, %cond3A_521 : i32
      scf.if %cond3A_522 {
        %dma_wait3A_624 = arith.constant 0 : i32
        %dma_wait3A_625 = arith.constant 0 : i32
        %dma_wait3A_626 = arith.constant 0 : i32
        %dma_wait3A_627 = arith.constant 0 : i32
        %dma_wait3A_628 = tpu.memref_slice %arg4[%dma_wait3A_624, %dma_wait3A_625, %add3A, %dma_wait3A_626, %dma_wait3A_627] : memref<200x8x32x8x128xf32, #tpu.memory_space<hbm>> -> memref<1x8x1x8x128xf32, #tpu.memory_space<hbm>>
        %dma_wait3A_629 = tpu.memref_squeeze %dma_wait3A_628 : memref<1x8x1x8x128xf32, #tpu.memory_space<hbm>> -> memref<8x1x8x128xf32, #tpu.memory_space<hbm>>
        %dma_wait3A_630 = arith.constant 0 : i32
        %dma_wait3A_631 = arith.constant 0 : i32
        %dma_wait3A_632 = arith.constant 0 : i32
        %dma_wait3A_633 = tpu.memref_slice %arg4[%dma_wait3A_624, %dma_wait3A_630, %add3A, %dma_wait3A_631, %dma_wait3A_632] : memref<200x8x32x8x128xf32, #tpu.memory_space<hbm>> -> memref<1x8x1x8x128xf32, #tpu.memory_space<hbm>>
        %dma_wait3A_634 = tpu.memref_squeeze %dma_wait3A_633 : memref<1x8x1x8x128xf32, #tpu.memory_space<hbm>> -> memref<8x1x8x128xf32, #tpu.memory_space<hbm>>
        tpu.wait_dma2 semaphore(%arg15 : memref<!tpu.dma_semaphore, #tpu.memory_space<semaphore_mem>>) src(%arg11 : memref<8x1x8x128xf32, #tpu.memory_space<vmem>>) dst(%dma_wait3A_634 : memref<8x1x8x128xf32, #tpu.memory_space<hbm>>)
      } else {
      }
      %scan3A_523 = arith.constant 0 : i32
      %scan3A_524 = arith.constant 0 : i32
      %scan3A_525 = arith.constant 32 : i32
      %scan3A_526 = arith.addi %scan3A_524, %scan3A_525 : i32
      %scan3A_527 = arith.constant 1 : i32
      scf.for %scan3A_624 = %scan3A_524 to %scan3A_526 step %scan3A_527  : i32 {
        %jit3A = arith.constant 4 : i32
        %div3A_625 = arith.divsi %scan3A_624, %jit3A : i32
        %sign3A = arith.constant 0 : i32
        %sign3A_626 = arith.cmpi sgt, %scan3A_624, %sign3A : i32
        %sign3A_627 = arith.extui %sign3A_626 : i1 to i32
        %sign3A_628 = arith.constant 0 : i32
        %sign3A_629 = arith.cmpi slt, %scan3A_624, %sign3A_628 : i32
        %sign3A_630 = arith.extui %sign3A_629 : i1 to i32
        %sign3A_631 = arith.subi %sign3A_627, %sign3A_630 : i32
        %sign3A_632 = arith.constant 0 : i32
        %sign3A_633 = arith.cmpi sgt, %jit3A, %sign3A_632 : i32
        %sign3A_634 = arith.extui %sign3A_633 : i1 to i32
        %sign3A_635 = arith.constant 0 : i32
        %sign3A_636 = arith.cmpi slt, %jit3A, %sign3A_635 : i32
        %sign3A_637 = arith.extui %sign3A_636 : i1 to i32
        %sign3A_638 = arith.subi %sign3A_634, %sign3A_637 : i32
        %ne3A = arith.cmpi ne, %sign3A_631, %sign3A_638 : i32
        %rem3A_639 = arith.remsi %scan3A_624, %jit3A : i32
        %ne3A_640 = arith.constant 0 : i32
        %ne3A_641 = arith.cmpi ne, %rem3A_639, %ne3A_640 : i32
        %and3A = arith.andi %ne3A, %ne3A_641 : i1
        %sub3A = arith.constant 1 : i32
        %sub3A_642 = arith.subi %div3A_625, %sub3A : i32
        %select_n3A = arith.select %and3A, %sub3A_642, %div3A_625 : i32
        %rem3A_643 = arith.constant 4 : i32
        %rem3A_644 = arith.remsi %scan3A_624, %rem3A_643 : i32
        %mul3A_645 = arith.constant 1024 : i32
        %mul3A_646 = arith.muli %select_n3A, %mul3A_645 : i32
        %mul3A_647 = arith.constant 16 : i32
        %mul3A_648 = arith.muli %rem3A_644, %mul3A_647 : i32
        %add3A_649 = arith.addi %mul3A_646, %mul3A_648 : i32
        %mul3A_650 = arith.constant 2048 : i32
        %mul3A_651 = arith.muli %rem3A_644, %mul3A_650 : i32
        %mul3A_652 = arith.constant 16 : i32
        %mul3A_653 = arith.muli %select_n3A, %mul3A_652 : i32
        %add3A_654 = arith.addi %mul3A_651, %mul3A_653 : i32
        %add3A_655 = vector.broadcast %add3A_649 : i32 to vector<16xi32>
        %add3A_656 = arith.addi %add3A_12, %add3A_655 : vector<16xi32>
        %gather3A = tpu.vector_load_idx %arg7[%mul3A_3, %add3A_656] : memref<128x64xf32, #tpu.memory_space<vmem>>[vector<16xi32>, vector<16xi32>], vector<16xf32>,
        %add3A_657 = vector.broadcast %add3A_649 : i32 to vector<16xi32>
        %add3A_658 = arith.addi %add3A_35, %add3A_657 : vector<16xi32>
        %gather3A_659 = tpu.vector_load_idx %arg7[%mul3A_3, %add3A_658] : memref<128x64xf32, #tpu.memory_space<vmem>>[vector<16xi32>, vector<16xi32>], vector<16xf32>,
        %add3A_660 = vector.broadcast %add3A_649 : i32 to vector<16xi32>
        %add3A_661 = arith.addi %add3A_59, %add3A_660 : vector<16xi32>
        %gather3A_662 = tpu.vector_load_idx %arg7[%mul3A_3, %add3A_661] : memref<128x64xf32, #tpu.memory_space<vmem>>[vector<16xi32>, vector<16xi32>], vector<16xf32>,
        %add3A_663 = vector.broadcast %add3A_649 : i32 to vector<16xi32>
        %add3A_664 = arith.addi %add3A_83, %add3A_663 : vector<16xi32>
        %gather3A_665 = tpu.vector_load_idx %arg7[%mul3A_3, %add3A_664] : memref<128x64xf32, #tpu.memory_space<vmem>>[vector<16xi32>, vector<16xi32>], vector<16xf32>,
        %add3A_666 = vector.broadcast %add3A_649 : i32 to vector<16xi32>
        %add3A_667 = arith.addi %add3A_107, %add3A_666 : vector<16xi32>
        %gather3A_668 = tpu.vector_load_idx %arg7[%mul3A_3, %add3A_667] : memref<128x64xf32, #tpu.memory_space<vmem>>[vector<16xi32>, vector<16xi32>], vector<16xf32>,
        %add3A_669 = vector.broadcast %add3A_649 : i32 to vector<16xi32>
        %add3A_670 = arith.addi %add3A_131, %add3A_669 : vector<16xi32>
        %gather3A_671 = tpu.vector_load_idx %arg7[%mul3A_3, %add3A_670] : memref<128x64xf32, #tpu.memory_space<vmem>>[vector<16xi32>, vector<16xi32>], vector<16xf32>,
        %add3A_672 = vector.broadcast %add3A_649 : i32 to vector<16xi32>
        %add3A_673 = arith.addi %add3A_155, %add3A_672 : vector<16xi32>
        %gather3A_674 = tpu.vector_load_idx %arg7[%mul3A_3, %add3A_673] : memref<128x64xf32, #tpu.memory_space<vmem>>[vector<16xi32>, vector<16xi32>], vector<16xf32>,
        %add3A_675 = vector.broadcast %add3A_649 : i32 to vector<16xi32>
        %add3A_676 = arith.addi %add3A_179, %add3A_675 : vector<16xi32>
        %gather3A_677 = tpu.vector_load_idx %arg7[%mul3A_3, %add3A_676] : memref<128x64xf32, #tpu.memory_space<vmem>>[vector<16xi32>, vector<16xi32>], vector<16xf32>,
        %add3A_678 = vector.broadcast %add3A_649 : i32 to vector<16xi32>
        %add3A_679 = arith.addi %add3A_203, %add3A_678 : vector<16xi32>
        %gather3A_680 = tpu.vector_load_idx %arg7[%mul3A_3, %add3A_679] : memref<128x64xf32, #tpu.memory_space<vmem>>[vector<16xi32>, vector<16xi32>], vector<16xf32>,
        %add3A_681 = vector.broadcast %add3A_649 : i32 to vector<16xi32>
        %add3A_682 = arith.addi %add3A_227, %add3A_681 : vector<16xi32>
        %gather3A_683 = tpu.vector_load_idx %arg7[%mul3A_3, %add3A_682] : memref<128x64xf32, #tpu.memory_space<vmem>>[vector<16xi32>, vector<16xi32>], vector<16xf32>,
        %add3A_684 = vector.broadcast %add3A_649 : i32 to vector<16xi32>
        %add3A_685 = arith.addi %add3A_251, %add3A_684 : vector<16xi32>
        %gather3A_686 = tpu.vector_load_idx %arg7[%mul3A_3, %add3A_685] : memref<128x64xf32, #tpu.memory_space<vmem>>[vector<16xi32>, vector<16xi32>], vector<16xf32>,
        %add3A_687 = vector.broadcast %add3A_649 : i32 to vector<16xi32>
        %add3A_688 = arith.addi %add3A_275, %add3A_687 : vector<16xi32>
        %gather3A_689 = tpu.vector_load_idx %arg7[%mul3A_3, %add3A_688] : memref<128x64xf32, #tpu.memory_space<vmem>>[vector<16xi32>, vector<16xi32>], vector<16xf32>,
        %add3A_690 = vector.broadcast %add3A_649 : i32 to vector<16xi32>
        %add3A_691 = arith.addi %add3A_299, %add3A_690 : vector<16xi32>
        %gather3A_692 = tpu.vector_load_idx %arg7[%mul3A_3, %add3A_691] : memref<128x64xf32, #tpu.memory_space<vmem>>[vector<16xi32>, vector<16xi32>], vector<16xf32>,
        %add3A_693 = vector.broadcast %add3A_649 : i32 to vector<16xi32>
        %add3A_694 = arith.addi %add3A_323, %add3A_693 : vector<16xi32>
        %gather3A_695 = tpu.vector_load_idx %arg7[%mul3A_3, %add3A_694] : memref<128x64xf32, #tpu.memory_space<vmem>>[vector<16xi32>, vector<16xi32>], vector<16xf32>,
        %add3A_696 = vector.broadcast %add3A_649 : i32 to vector<16xi32>
        %add3A_697 = arith.addi %add3A_347, %add3A_696 : vector<16xi32>
        %gather3A_698 = tpu.vector_load_idx %arg7[%mul3A_3, %add3A_697] : memref<128x64xf32, #tpu.memory_space<vmem>>[vector<16xi32>, vector<16xi32>], vector<16xf32>,
        %add3A_699 = vector.broadcast %add3A_649 : i32 to vector<16xi32>
        %add3A_700 = arith.addi %add3A_371, %add3A_699 : vector<16xi32>
        %gather3A_701 = tpu.vector_load_idx %arg7[%mul3A_3, %add3A_700] : memref<128x64xf32, #tpu.memory_space<vmem>>[vector<16xi32>, vector<16xi32>], vector<16xf32>,
        %add3A_702 = vector.broadcast %add3A_654 : i32 to vector<16xi32>
        %add3A_703 = arith.addi %add3A_25, %add3A_702 : vector<16xi32>
        %mul3A_704 = arith.constant 8.000000e+00 : f32
        %mul3A_705 = vector.broadcast %mul3A_704 : f32 to vector<16xf32>
        %mul3A_706 = arith.mulf %gather3A, %mul3A_705 : vector<16xf32>
        tpu.vector_store_idx %arg11[%mul3A_3, %mul3A_3, %mul3A_3, %add3A_703], %mul3A_706 : memref<8x1x8x128xf32, #tpu.memory_space<vmem>>[vector<16xi32>, vector<16xi32>, vector<16xi32>, vector<16xi32>], vector<16xf32>,
        %add3A_707 = vector.broadcast %add3A_654 : i32 to vector<16xi32>
        %add3A_708 = arith.addi %add3A_49, %add3A_707 : vector<16xi32>
        %mul3A_709 = arith.constant 8.000000e+00 : f32
        %mul3A_710 = vector.broadcast %mul3A_709 : f32 to vector<16xf32>
        %mul3A_711 = arith.mulf %gather3A_659, %mul3A_710 : vector<16xf32>
        tpu.vector_store_idx %arg11[%mul3A_3, %mul3A_3, %mul3A_3, %add3A_708], %mul3A_711 : memref<8x1x8x128xf32, #tpu.memory_space<vmem>>[vector<16xi32>, vector<16xi32>, vector<16xi32>, vector<16xi32>], vector<16xf32>,
        %add3A_712 = vector.broadcast %add3A_654 : i32 to vector<16xi32>
        %add3A_713 = arith.addi %add3A_73, %add3A_712 : vector<16xi32>
        %mul3A_714 = arith.constant 8.000000e+00 : f32
        %mul3A_715 = vector.broadcast %mul3A_714 : f32 to vector<16xf32>
        %mul3A_716 = arith.mulf %gather3A_662, %mul3A_715 : vector<16xf32>
        tpu.vector_store_idx %arg11[%mul3A_3, %mul3A_3, %mul3A_3, %add3A_713], %mul3A_716 : memref<8x1x8x128xf32, #tpu.memory_space<vmem>>[vector<16xi32>, vector<16xi32>, vector<16xi32>, vector<16xi32>], vector<16xf32>,
        %add3A_717 = vector.broadcast %add3A_654 : i32 to vector<16xi32>
        %add3A_718 = arith.addi %add3A_97, %add3A_717 : vector<16xi32>
        %mul3A_719 = arith.constant 8.000000e+00 : f32
        %mul3A_720 = vector.broadcast %mul3A_719 : f32 to vector<16xf32>
        %mul3A_721 = arith.mulf %gather3A_665, %mul3A_720 : vector<16xf32>
        tpu.vector_store_idx %arg11[%mul3A_3, %mul3A_3, %mul3A_3, %add3A_718], %mul3A_721 : memref<8x1x8x128xf32, #tpu.memory_space<vmem>>[vector<16xi32>, vector<16xi32>, vector<16xi32>, vector<16xi32>], vector<16xf32>,
        %add3A_722 = vector.broadcast %add3A_654 : i32 to vector<16xi32>
        %add3A_723 = arith.addi %add3A_121, %add3A_722 : vector<16xi32>
        %mul3A_724 = arith.constant 8.000000e+00 : f32
        %mul3A_725 = vector.broadcast %mul3A_724 : f32 to vector<16xf32>
        %mul3A_726 = arith.mulf %gather3A_668, %mul3A_725 : vector<16xf32>
        tpu.vector_store_idx %arg11[%mul3A_3, %mul3A_3, %mul3A_3, %add3A_723], %mul3A_726 : memref<8x1x8x128xf32, #tpu.memory_space<vmem>>[vector<16xi32>, vector<16xi32>, vector<16xi32>, vector<16xi32>], vector<16xf32>,
        %add3A_727 = vector.broadcast %add3A_654 : i32 to vector<16xi32>
        %add3A_728 = arith.addi %add3A_145, %add3A_727 : vector<16xi32>
        %mul3A_729 = arith.constant 8.000000e+00 : f32
        %mul3A_730 = vector.broadcast %mul3A_729 : f32 to vector<16xf32>
        %mul3A_731 = arith.mulf %gather3A_671, %mul3A_730 : vector<16xf32>
        tpu.vector_store_idx %arg11[%mul3A_3, %mul3A_3, %mul3A_3, %add3A_728], %mul3A_731 : memref<8x1x8x128xf32, #tpu.memory_space<vmem>>[vector<16xi32>, vector<16xi32>, vector<16xi32>, vector<16xi32>], vector<16xf32>,
        %add3A_732 = vector.broadcast %add3A_654 : i32 to vector<16xi32>
        %add3A_733 = arith.addi %add3A_169, %add3A_732 : vector<16xi32>
        %mul3A_734 = arith.constant 8.000000e+00 : f32
        %mul3A_735 = vector.broadcast %mul3A_734 : f32 to vector<16xf32>
        %mul3A_736 = arith.mulf %gather3A_674, %mul3A_735 : vector<16xf32>
        tpu.vector_store_idx %arg11[%mul3A_3, %mul3A_3, %mul3A_3, %add3A_733], %mul3A_736 : memref<8x1x8x128xf32, #tpu.memory_space<vmem>>[vector<16xi32>, vector<16xi32>, vector<16xi32>, vector<16xi32>], vector<16xf32>,
        %add3A_737 = vector.broadcast %add3A_654 : i32 to vector<16xi32>
        %add3A_738 = arith.addi %add3A_193, %add3A_737 : vector<16xi32>
        %mul3A_739 = arith.constant 8.000000e+00 : f32
        %mul3A_740 = vector.broadcast %mul3A_739 : f32 to vector<16xf32>
        %mul3A_741 = arith.mulf %gather3A_677, %mul3A_740 : vector<16xf32>
        tpu.vector_store_idx %arg11[%mul3A_3, %mul3A_3, %mul3A_3, %add3A_738], %mul3A_741 : memref<8x1x8x128xf32, #tpu.memory_space<vmem>>[vector<16xi32>, vector<16xi32>, vector<16xi32>, vector<16xi32>], vector<16xf32>,
        %add3A_742 = vector.broadcast %add3A_654 : i32 to vector<16xi32>
        %add3A_743 = arith.addi %add3A_217, %add3A_742 : vector<16xi32>
        %mul3A_744 = arith.constant 8.000000e+00 : f32
        %mul3A_745 = vector.broadcast %mul3A_744 : f32 to vector<16xf32>
        %mul3A_746 = arith.mulf %gather3A_680, %mul3A_745 : vector<16xf32>
        tpu.vector_store_idx %arg11[%mul3A_3, %mul3A_3, %mul3A_3, %add3A_743], %mul3A_746 : memref<8x1x8x128xf32, #tpu.memory_space<vmem>>[vector<16xi32>, vector<16xi32>, vector<16xi32>, vector<16xi32>], vector<16xf32>,
        %add3A_747 = vector.broadcast %add3A_654 : i32 to vector<16xi32>
        %add3A_748 = arith.addi %add3A_241, %add3A_747 : vector<16xi32>
        %mul3A_749 = arith.constant 8.000000e+00 : f32
        %mul3A_750 = vector.broadcast %mul3A_749 : f32 to vector<16xf32>
        %mul3A_751 = arith.mulf %gather3A_683, %mul3A_750 : vector<16xf32>
        tpu.vector_store_idx %arg11[%mul3A_3, %mul3A_3, %mul3A_3, %add3A_748], %mul3A_751 : memref<8x1x8x128xf32, #tpu.memory_space<vmem>>[vector<16xi32>, vector<16xi32>, vector<16xi32>, vector<16xi32>], vector<16xf32>,
        %add3A_752 = vector.broadcast %add3A_654 : i32 to vector<16xi32>
        %add3A_753 = arith.addi %add3A_265, %add3A_752 : vector<16xi32>
        %mul3A_754 = arith.constant 8.000000e+00 : f32
        %mul3A_755 = vector.broadcast %mul3A_754 : f32 to vector<16xf32>
        %mul3A_756 = arith.mulf %gather3A_686, %mul3A_755 : vector<16xf32>
        tpu.vector_store_idx %arg11[%mul3A_3, %mul3A_3, %mul3A_3, %add3A_753], %mul3A_756 : memref<8x1x8x128xf32, #tpu.memory_space<vmem>>[vector<16xi32>, vector<16xi32>, vector<16xi32>, vector<16xi32>], vector<16xf32>,
        %add3A_757 = vector.broadcast %add3A_654 : i32 to vector<16xi32>
        %add3A_758 = arith.addi %add3A_289, %add3A_757 : vector<16xi32>
        %mul3A_759 = arith.constant 8.000000e+00 : f32
        %mul3A_760 = vector.broadcast %mul3A_759 : f32 to vector<16xf32>
        %mul3A_761 = arith.mulf %gather3A_689, %mul3A_760 : vector<16xf32>
        tpu.vector_store_idx %arg11[%mul3A_3, %mul3A_3, %mul3A_3, %add3A_758], %mul3A_761 : memref<8x1x8x128xf32, #tpu.memory_space<vmem>>[vector<16xi32>, vector<16xi32>, vector<16xi32>, vector<16xi32>], vector<16xf32>,
        %add3A_762 = vector.broadcast %add3A_654 : i32 to vector<16xi32>
        %add3A_763 = arith.addi %add3A_313, %add3A_762 : vector<16xi32>
        %mul3A_764 = arith.constant 8.000000e+00 : f32
        %mul3A_765 = vector.broadcast %mul3A_764 : f32 to vector<16xf32>
        %mul3A_766 = arith.mulf %gather3A_692, %mul3A_765 : vector<16xf32>
        tpu.vector_store_idx %arg11[%mul3A_3, %mul3A_3, %mul3A_3, %add3A_763], %mul3A_766 : memref<8x1x8x128xf32, #tpu.memory_space<vmem>>[vector<16xi32>, vector<16xi32>, vector<16xi32>, vector<16xi32>], vector<16xf32>,
        %add3A_767 = vector.broadcast %add3A_654 : i32 to vector<16xi32>
        %add3A_768 = arith.addi %add3A_337, %add3A_767 : vector<16xi32>
        %mul3A_769 = arith.constant 8.000000e+00 : f32
        %mul3A_770 = vector.broadcast %mul3A_769 : f32 to vector<16xf32>
        %mul3A_771 = arith.mulf %gather3A_695, %mul3A_770 : vector<16xf32>
        tpu.vector_store_idx %arg11[%mul3A_3, %mul3A_3, %mul3A_3, %add3A_768], %mul3A_771 : memref<8x1x8x128xf32, #tpu.memory_space<vmem>>[vector<16xi32>, vector<16xi32>, vector<16xi32>, vector<16xi32>], vector<16xf32>,
        %add3A_772 = vector.broadcast %add3A_654 : i32 to vector<16xi32>
        %add3A_773 = arith.addi %add3A_361, %add3A_772 : vector<16xi32>
        %mul3A_774 = arith.constant 8.000000e+00 : f32
        %mul3A_775 = vector.broadcast %mul3A_774 : f32 to vector<16xf32>
        %mul3A_776 = arith.mulf %gather3A_698, %mul3A_775 : vector<16xf32>
        tpu.vector_store_idx %arg11[%mul3A_3, %mul3A_3, %mul3A_3, %add3A_773], %mul3A_776 : memref<8x1x8x128xf32, #tpu.memory_space<vmem>>[vector<16xi32>, vector<16xi32>, vector<16xi32>, vector<16xi32>], vector<16xf32>,
        %add3A_777 = vector.broadcast %add3A_654 : i32 to vector<16xi32>
        %add3A_778 = arith.addi %add3A_385, %add3A_777 : vector<16xi32>
        %mul3A_779 = arith.constant 8.000000e+00 : f32
        %mul3A_780 = vector.broadcast %mul3A_779 : f32 to vector<16xf32>
        %mul3A_781 = arith.mulf %gather3A_701, %mul3A_780 : vector<16xf32>
        tpu.vector_store_idx %arg11[%mul3A_3, %mul3A_3, %mul3A_3, %add3A_778], %mul3A_781 : memref<8x1x8x128xf32, #tpu.memory_space<vmem>>[vector<16xi32>, vector<16xi32>, vector<16xi32>, vector<16xi32>], vector<16xf32>,
      }
      %scan3A_528 = arith.constant 32 : i32
      %dma_start3A_529 = arith.constant 0 : i32
      %dma_start3A_530 = arith.constant 0 : i32
      %dma_start3A_531 = arith.constant 0 : i32
      %dma_start3A_532 = tpu.memref_slice %arg4[%add3A_508, %dma_start3A_529, %add3A, %dma_start3A_530, %dma_start3A_531] : memref<200x8x32x8x128xf32, #tpu.memory_space<hbm>> -> memref<1x8x1x8x128xf32, #tpu.memory_space<hbm>>
      %dma_start3A_533 = tpu.memref_squeeze %dma_start3A_532 : memref<1x8x1x8x128xf32, #tpu.memory_space<hbm>> -> memref<8x1x8x128xf32, #tpu.memory_space<hbm>>
      %dma_start3A_534 = arith.constant 0 : i32
      %dma_start3A_535 = arith.constant 0 : i32
      %dma_start3A_536 = arith.constant 0 : i32
      %dma_start3A_537 = tpu.memref_slice %arg4[%add3A_508, %dma_start3A_534, %add3A, %dma_start3A_535, %dma_start3A_536] : memref<200x8x32x8x128xf32, #tpu.memory_space<hbm>> -> memref<1x8x1x8x128xf32, #tpu.memory_space<hbm>>
      %dma_start3A_538 = tpu.memref_squeeze %dma_start3A_537 : memref<1x8x1x8x128xf32, #tpu.memory_space<hbm>> -> memref<8x1x8x128xf32, #tpu.memory_space<hbm>>
      tpu.enqueue_dma source(%arg11 : memref<8x1x8x128xf32, #tpu.memory_space<vmem>>) target(%dma_start3A_538 : memref<8x1x8x128xf32, #tpu.memory_space<hbm>>) target_semaphore(%arg15 : memref<!tpu.dma_semaphore, #tpu.memory_space<semaphore_mem>>)
      %add3A_539 = arith.constant 4 : i32
      %add3A_540 = arith.addi %add3A_508, %add3A_539 : i32
      %lt3A_541 = arith.constant 200 : i32
      %lt3A_542 = arith.cmpi slt, %add3A_540, %lt3A_541 : i32
      %convert_element_type3A_543 = arith.extui %lt3A_542 : i1 to i32
      %cond3A_544 = arith.constant 0 : i32
      %cond3A_545 = arith.cmpi ne, %convert_element_type3A_543, %cond3A_544 : i32
      scf.if %cond3A_545 {
        %add3A_624 = arith.constant 4 : i32
        %add3A_625 = arith.addi %add3A_508, %add3A_624 : i32
        %jit3A = arith.constant 8 : i32
        %div3A_626 = arith.divsi %add3A_625, %jit3A : i32
        %sign3A = arith.constant 0 : i32
        %sign3A_627 = arith.cmpi sgt, %add3A_625, %sign3A : i32
        %sign3A_628 = arith.extui %sign3A_627 : i1 to i32
        %sign3A_629 = arith.constant 0 : i32
        %sign3A_630 = arith.cmpi slt, %add3A_625, %sign3A_629 : i32
        %sign3A_631 = arith.extui %sign3A_630 : i1 to i32
        %sign3A_632 = arith.subi %sign3A_628, %sign3A_631 : i32
        %sign3A_633 = arith.constant 0 : i32
        %sign3A_634 = arith.cmpi sgt, %jit3A, %sign3A_633 : i32
        %sign3A_635 = arith.extui %sign3A_634 : i1 to i32
        %sign3A_636 = arith.constant 0 : i32
        %sign3A_637 = arith.cmpi slt, %jit3A, %sign3A_636 : i32
        %sign3A_638 = arith.extui %sign3A_637 : i1 to i32
        %sign3A_639 = arith.subi %sign3A_635, %sign3A_638 : i32
        %ne3A = arith.cmpi ne, %sign3A_632, %sign3A_639 : i32
        %rem3A_640 = arith.remsi %add3A_625, %jit3A : i32
        %ne3A_641 = arith.constant 0 : i32
        %ne3A_642 = arith.cmpi ne, %rem3A_640, %ne3A_641 : i32
        %and3A = arith.andi %ne3A, %ne3A_642 : i1
        %sub3A = arith.constant 1 : i32
        %sub3A_643 = arith.subi %div3A_626, %sub3A : i32
        %select_n3A = arith.select %and3A, %sub3A_643, %div3A_626 : i32
        %jit3A_644 = arith.constant 8 : i32
        %eq3A = arith.constant 0 : i32
        %eq3A_645 = arith.cmpi eq, %jit3A_644, %eq3A : i32
        %jit3A_646 = arith.constant 1 : i32
        %select_n3A_647 = arith.select %eq3A_645, %jit3A_646, %jit3A_644 : i32
        %rem3A_648 = arith.remsi %add3A_625, %select_n3A_647 : i32
        %ne3A_649 = arith.constant 0 : i32
        %ne3A_650 = arith.cmpi ne, %rem3A_648, %ne3A_649 : i32
        %lt3A_651 = arith.constant 0 : i32
        %lt3A_652 = arith.cmpi slt, %rem3A_648, %lt3A_651 : i32
        %lt3A_653 = arith.constant 0 : i32
        %lt3A_654 = arith.cmpi slt, %select_n3A_647, %lt3A_653 : i32
        %ne3A_655 = arith.xori %lt3A_652, %lt3A_654 : i1
        %and3A_656 = arith.andi %ne3A_655, %ne3A_650 : i1
        %add3A_657 = arith.addi %rem3A_648, %select_n3A_647 : i32
        %select_n3A_658 = arith.select %and3A_656, %add3A_657, %rem3A_648 : i32
        %dma_start3A_659 = arith.constant 0 : i32
        %dma_start3A_660 = arith.constant 0 : i32
        %dma_start3A_661 = tpu.memref_slice %arg5[%select_n3A, %dma_start3A_659, %select_n3A_658, %dma_start3A_660] : memref<25x1x8x128xi32, #tpu.memory_space<vmem>> -> memref<1x1x1x128xi32, #tpu.memory_space<vmem>>
        %dma_start3A_662 = tpu.memref_squeeze %dma_start3A_661 : memref<1x1x1x128xi32, #tpu.memory_space<vmem>> -> memref<128xi32, #tpu.memory_space<vmem>>
        %dma_start3A_663 = arith.constant 0 : i32
        %dma_start3A_664 = arith.constant 0 : i32
        %dma_start3A_665 = tpu.memref_slice %arg3[%dma_start3A_663, %dma_start3A_664] : memref<1000000x64xf32, #tpu.memory_space<hbm>> -> memref<1000000x64xf32, #tpu.memory_space<hbm>>
        tpu.enqueue_indirect_dma source(%dma_start3A_665 : memref<1000000x64xf32, #tpu.memory_space<hbm>>) target(%arg7 : memref<128x64xf32, #tpu.memory_space<vmem>>) offsets(%dma_start3A_662 : memref<128xi32, #tpu.memory_space<vmem>>) semaphore(%arg14 : memref<!tpu.dma_semaphore, #tpu.memory_space<semaphore_mem>>)
      } else {
      }
      %add3A_546 = arith.constant 2 : i32
      %add3A_547 = arith.addi %mul3A_471, %add3A_546 : i32
      %dma_wait3A_548 = arith.constant 0 : i32
      %dma_wait3A_549 = arith.constant 0 : i32
      %dma_wait3A_550 = arith.constant 0 : i32
      %dma_wait3A_551 = arith.constant 0 : i32
      %dma_wait3A_552 = tpu.memref_slice %arg5[%dma_wait3A_548, %dma_wait3A_549, %dma_wait3A_550, %dma_wait3A_551] : memref<25x1x8x128xi32, #tpu.memory_space<vmem>> -> memref<1x1x1x128xi32, #tpu.memory_space<vmem>>
      %dma_wait3A_553 = tpu.memref_squeeze %dma_wait3A_552 : memref<1x1x1x128xi32, #tpu.memory_space<vmem>> -> memref<128xi32, #tpu.memory_space<vmem>>
      %dma_wait3A_554 = arith.constant 0 : i32
      %dma_wait3A_555 = arith.constant 0 : i32
      %dma_wait3A_556 = tpu.memref_slice %arg3[%dma_wait3A_554, %dma_wait3A_555] : memref<1000000x64xf32, #tpu.memory_space<hbm>> -> memref<1000000x64xf32, #tpu.memory_space<hbm>>
      tpu.wait_indirect_dma semaphore(%arg14 : memref<!tpu.dma_semaphore, #tpu.memory_space<semaphore_mem>>) src(%dma_wait3A_556 : memref<1000000x64xf32, #tpu.memory_space<hbm>>) dst(%arg8 : memref<128x64xf32, #tpu.memory_space<vmem>>)
      %ge3A_557 = arith.constant 4 : i32
      %ge3A_558 = arith.cmpi sge, %add3A_547, %ge3A_557 : i32
      %convert_element_type3A_559 = arith.extui %ge3A_558 : i1 to i32
      %cond3A_560 = arith.constant 0 : i32
      %cond3A_561 = arith.cmpi ne, %convert_element_type3A_559, %cond3A_560 : i32
      scf.if %cond3A_561 {
        %dma_wait3A_624 = arith.constant 0 : i32
        %dma_wait3A_625 = arith.constant 0 : i32
        %dma_wait3A_626 = arith.constant 0 : i32
        %dma_wait3A_627 = arith.constant 0 : i32
        %dma_wait3A_628 = tpu.memref_slice %arg4[%dma_wait3A_624, %dma_wait3A_625, %add3A, %dma_wait3A_626, %dma_wait3A_627] : memref<200x8x32x8x128xf32, #tpu.memory_space<hbm>> -> memref<1x8x1x8x128xf32, #tpu.memory_space<hbm>>
        %dma_wait3A_629 = tpu.memref_squeeze %dma_wait3A_628 : memref<1x8x1x8x128xf32, #tpu.memory_space<hbm>> -> memref<8x1x8x128xf32, #tpu.memory_space<hbm>>
        %dma_wait3A_630 = arith.constant 0 : i32
        %dma_wait3A_631 = arith.constant 0 : i32
        %dma_wait3A_632 = arith.constant 0 : i32
        %dma_wait3A_633 = tpu.memref_slice %arg4[%dma_wait3A_624, %dma_wait3A_630, %add3A, %dma_wait3A_631, %dma_wait3A_632] : memref<200x8x32x8x128xf32, #tpu.memory_space<hbm>> -> memref<1x8x1x8x128xf32, #tpu.memory_space<hbm>>
        %dma_wait3A_634 = tpu.memref_squeeze %dma_wait3A_633 : memref<1x8x1x8x128xf32, #tpu.memory_space<hbm>> -> memref<8x1x8x128xf32, #tpu.memory_space<hbm>>
        tpu.wait_dma2 semaphore(%arg15 : memref<!tpu.dma_semaphore, #tpu.memory_space<semaphore_mem>>) src(%arg12 : memref<8x1x8x128xf32, #tpu.memory_space<vmem>>) dst(%dma_wait3A_634 : memref<8x1x8x128xf32, #tpu.memory_space<hbm>>)
      } else {
      }
      %scan3A_562 = arith.constant 0 : i32
      %scan3A_563 = arith.constant 0 : i32
      %scan3A_564 = arith.constant 32 : i32
      %scan3A_565 = arith.addi %scan3A_563, %scan3A_564 : i32
      %scan3A_566 = arith.constant 1 : i32
      scf.for %scan3A_624 = %scan3A_563 to %scan3A_565 step %scan3A_566  : i32 {
        %jit3A = arith.constant 4 : i32
        %div3A_625 = arith.divsi %scan3A_624, %jit3A : i32
        %sign3A = arith.constant 0 : i32
        %sign3A_626 = arith.cmpi sgt, %scan3A_624, %sign3A : i32
        %sign3A_627 = arith.extui %sign3A_626 : i1 to i32
        %sign3A_628 = arith.constant 0 : i32
        %sign3A_629 = arith.cmpi slt, %scan3A_624, %sign3A_628 : i32
        %sign3A_630 = arith.extui %sign3A_629 : i1 to i32
        %sign3A_631 = arith.subi %sign3A_627, %sign3A_630 : i32
        %sign3A_632 = arith.constant 0 : i32
        %sign3A_633 = arith.cmpi sgt, %jit3A, %sign3A_632 : i32
        %sign3A_634 = arith.extui %sign3A_633 : i1 to i32
        %sign3A_635 = arith.constant 0 : i32
        %sign3A_636 = arith.cmpi slt, %jit3A, %sign3A_635 : i32
        %sign3A_637 = arith.extui %sign3A_636 : i1 to i32
        %sign3A_638 = arith.subi %sign3A_634, %sign3A_637 : i32
        %ne3A = arith.cmpi ne, %sign3A_631, %sign3A_638 : i32
        %rem3A_639 = arith.remsi %scan3A_624, %jit3A : i32
        %ne3A_640 = arith.constant 0 : i32
        %ne3A_641 = arith.cmpi ne, %rem3A_639, %ne3A_640 : i32
        %and3A = arith.andi %ne3A, %ne3A_641 : i1
        %sub3A = arith.constant 1 : i32
        %sub3A_642 = arith.subi %div3A_625, %sub3A : i32
        %select_n3A = arith.select %and3A, %sub3A_642, %div3A_625 : i32
        %rem3A_643 = arith.constant 4 : i32
        %rem3A_644 = arith.remsi %scan3A_624, %rem3A_643 : i32
        %mul3A_645 = arith.constant 1024 : i32
        %mul3A_646 = arith.muli %select_n3A, %mul3A_645 : i32
        %mul3A_647 = arith.constant 16 : i32
        %mul3A_648 = arith.muli %rem3A_644, %mul3A_647 : i32
        %add3A_649 = arith.addi %mul3A_646, %mul3A_648 : i32
        %mul3A_650 = arith.constant 2048 : i32
        %mul3A_651 = arith.muli %rem3A_644, %mul3A_650 : i32
        %mul3A_652 = arith.constant 16 : i32
        %mul3A_653 = arith.muli %select_n3A, %mul3A_652 : i32
        %add3A_654 = arith.addi %mul3A_651, %mul3A_653 : i32
        %add3A_655 = vector.broadcast %add3A_649 : i32 to vector<16xi32>
        %add3A_656 = arith.addi %add3A_12, %add3A_655 : vector<16xi32>
        %gather3A = tpu.vector_load_idx %arg8[%mul3A_3, %add3A_656] : memref<128x64xf32, #tpu.memory_space<vmem>>[vector<16xi32>, vector<16xi32>], vector<16xf32>,
        %add3A_657 = vector.broadcast %add3A_649 : i32 to vector<16xi32>
        %add3A_658 = arith.addi %add3A_35, %add3A_657 : vector<16xi32>
        %gather3A_659 = tpu.vector_load_idx %arg8[%mul3A_3, %add3A_658] : memref<128x64xf32, #tpu.memory_space<vmem>>[vector<16xi32>, vector<16xi32>], vector<16xf32>,
        %add3A_660 = vector.broadcast %add3A_649 : i32 to vector<16xi32>
        %add3A_661 = arith.addi %add3A_59, %add3A_660 : vector<16xi32>
        %gather3A_662 = tpu.vector_load_idx %arg8[%mul3A_3, %add3A_661] : memref<128x64xf32, #tpu.memory_space<vmem>>[vector<16xi32>, vector<16xi32>], vector<16xf32>,
        %add3A_663 = vector.broadcast %add3A_649 : i32 to vector<16xi32>
        %add3A_664 = arith.addi %add3A_83, %add3A_663 : vector<16xi32>
        %gather3A_665 = tpu.vector_load_idx %arg8[%mul3A_3, %add3A_664] : memref<128x64xf32, #tpu.memory_space<vmem>>[vector<16xi32>, vector<16xi32>], vector<16xf32>,
        %add3A_666 = vector.broadcast %add3A_649 : i32 to vector<16xi32>
        %add3A_667 = arith.addi %add3A_107, %add3A_666 : vector<16xi32>
        %gather3A_668 = tpu.vector_load_idx %arg8[%mul3A_3, %add3A_667] : memref<128x64xf32, #tpu.memory_space<vmem>>[vector<16xi32>, vector<16xi32>], vector<16xf32>,
        %add3A_669 = vector.broadcast %add3A_649 : i32 to vector<16xi32>
        %add3A_670 = arith.addi %add3A_131, %add3A_669 : vector<16xi32>
        %gather3A_671 = tpu.vector_load_idx %arg8[%mul3A_3, %add3A_670] : memref<128x64xf32, #tpu.memory_space<vmem>>[vector<16xi32>, vector<16xi32>], vector<16xf32>,
        %add3A_672 = vector.broadcast %add3A_649 : i32 to vector<16xi32>
        %add3A_673 = arith.addi %add3A_155, %add3A_672 : vector<16xi32>
        %gather3A_674 = tpu.vector_load_idx %arg8[%mul3A_3, %add3A_673] : memref<128x64xf32, #tpu.memory_space<vmem>>[vector<16xi32>, vector<16xi32>], vector<16xf32>,
        %add3A_675 = vector.broadcast %add3A_649 : i32 to vector<16xi32>
        %add3A_676 = arith.addi %add3A_179, %add3A_675 : vector<16xi32>
        %gather3A_677 = tpu.vector_load_idx %arg8[%mul3A_3, %add3A_676] : memref<128x64xf32, #tpu.memory_space<vmem>>[vector<16xi32>, vector<16xi32>], vector<16xf32>,
        %add3A_678 = vector.broadcast %add3A_649 : i32 to vector<16xi32>
        %add3A_679 = arith.addi %add3A_203, %add3A_678 : vector<16xi32>
        %gather3A_680 = tpu.vector_load_idx %arg8[%mul3A_3, %add3A_679] : memref<128x64xf32, #tpu.memory_space<vmem>>[vector<16xi32>, vector<16xi32>], vector<16xf32>,
        %add3A_681 = vector.broadcast %add3A_649 : i32 to vector<16xi32>
        %add3A_682 = arith.addi %add3A_227, %add3A_681 : vector<16xi32>
        %gather3A_683 = tpu.vector_load_idx %arg8[%mul3A_3, %add3A_682] : memref<128x64xf32, #tpu.memory_space<vmem>>[vector<16xi32>, vector<16xi32>], vector<16xf32>,
        %add3A_684 = vector.broadcast %add3A_649 : i32 to vector<16xi32>
        %add3A_685 = arith.addi %add3A_251, %add3A_684 : vector<16xi32>
        %gather3A_686 = tpu.vector_load_idx %arg8[%mul3A_3, %add3A_685] : memref<128x64xf32, #tpu.memory_space<vmem>>[vector<16xi32>, vector<16xi32>], vector<16xf32>,
        %add3A_687 = vector.broadcast %add3A_649 : i32 to vector<16xi32>
        %add3A_688 = arith.addi %add3A_275, %add3A_687 : vector<16xi32>
        %gather3A_689 = tpu.vector_load_idx %arg8[%mul3A_3, %add3A_688] : memref<128x64xf32, #tpu.memory_space<vmem>>[vector<16xi32>, vector<16xi32>], vector<16xf32>,
        %add3A_690 = vector.broadcast %add3A_649 : i32 to vector<16xi32>
        %add3A_691 = arith.addi %add3A_299, %add3A_690 : vector<16xi32>
        %gather3A_692 = tpu.vector_load_idx %arg8[%mul3A_3, %add3A_691] : memref<128x64xf32, #tpu.memory_space<vmem>>[vector<16xi32>, vector<16xi32>], vector<16xf32>,
        %add3A_693 = vector.broadcast %add3A_649 : i32 to vector<16xi32>
        %add3A_694 = arith.addi %add3A_323, %add3A_693 : vector<16xi32>
        %gather3A_695 = tpu.vector_load_idx %arg8[%mul3A_3, %add3A_694] : memref<128x64xf32, #tpu.memory_space<vmem>>[vector<16xi32>, vector<16xi32>], vector<16xf32>,
        %add3A_696 = vector.broadcast %add3A_649 : i32 to vector<16xi32>
        %add3A_697 = arith.addi %add3A_347, %add3A_696 : vector<16xi32>
        %gather3A_698 = tpu.vector_load_idx %arg8[%mul3A_3, %add3A_697] : memref<128x64xf32, #tpu.memory_space<vmem>>[vector<16xi32>, vector<16xi32>], vector<16xf32>,
        %add3A_699 = vector.broadcast %add3A_649 : i32 to vector<16xi32>
        %add3A_700 = arith.addi %add3A_371, %add3A_699 : vector<16xi32>
        %gather3A_701 = tpu.vector_load_idx %arg8[%mul3A_3, %add3A_700] : memref<128x64xf32, #tpu.memory_space<vmem>>[vector<16xi32>, vector<16xi32>], vector<16xf32>,
        %add3A_702 = vector.broadcast %add3A_654 : i32 to vector<16xi32>
        %add3A_703 = arith.addi %add3A_25, %add3A_702 : vector<16xi32>
        %mul3A_704 = arith.constant 8.000000e+00 : f32
        %mul3A_705 = vector.broadcast %mul3A_704 : f32 to vector<16xf32>
        %mul3A_706 = arith.mulf %gather3A, %mul3A_705 : vector<16xf32>
        tpu.vector_store_idx %arg12[%mul3A_3, %mul3A_3, %mul3A_3, %add3A_703], %mul3A_706 : memref<8x1x8x128xf32, #tpu.memory_space<vmem>>[vector<16xi32>, vector<16xi32>, vector<16xi32>, vector<16xi32>], vector<16xf32>,
        %add3A_707 = vector.broadcast %add3A_654 : i32 to vector<16xi32>
        %add3A_708 = arith.addi %add3A_49, %add3A_707 : vector<16xi32>
        %mul3A_709 = arith.constant 8.000000e+00 : f32
        %mul3A_710 = vector.broadcast %mul3A_709 : f32 to vector<16xf32>
        %mul3A_711 = arith.mulf %gather3A_659, %mul3A_710 : vector<16xf32>
        tpu.vector_store_idx %arg12[%mul3A_3, %mul3A_3, %mul3A_3, %add3A_708], %mul3A_711 : memref<8x1x8x128xf32, #tpu.memory_space<vmem>>[vector<16xi32>, vector<16xi32>, vector<16xi32>, vector<16xi32>], vector<16xf32>,
        %add3A_712 = vector.broadcast %add3A_654 : i32 to vector<16xi32>
        %add3A_713 = arith.addi %add3A_73, %add3A_712 : vector<16xi32>
        %mul3A_714 = arith.constant 8.000000e+00 : f32
        %mul3A_715 = vector.broadcast %mul3A_714 : f32 to vector<16xf32>
        %mul3A_716 = arith.mulf %gather3A_662, %mul3A_715 : vector<16xf32>
        tpu.vector_store_idx %arg12[%mul3A_3, %mul3A_3, %mul3A_3, %add3A_713], %mul3A_716 : memref<8x1x8x128xf32, #tpu.memory_space<vmem>>[vector<16xi32>, vector<16xi32>, vector<16xi32>, vector<16xi32>], vector<16xf32>,
        %add3A_717 = vector.broadcast %add3A_654 : i32 to vector<16xi32>
        %add3A_718 = arith.addi %add3A_97, %add3A_717 : vector<16xi32>
        %mul3A_719 = arith.constant 8.000000e+00 : f32
        %mul3A_720 = vector.broadcast %mul3A_719 : f32 to vector<16xf32>
        %mul3A_721 = arith.mulf %gather3A_665, %mul3A_720 : vector<16xf32>
        tpu.vector_store_idx %arg12[%mul3A_3, %mul3A_3, %mul3A_3, %add3A_718], %mul3A_721 : memref<8x1x8x128xf32, #tpu.memory_space<vmem>>[vector<16xi32>, vector<16xi32>, vector<16xi32>, vector<16xi32>], vector<16xf32>,
        %add3A_722 = vector.broadcast %add3A_654 : i32 to vector<16xi32>
        %add3A_723 = arith.addi %add3A_121, %add3A_722 : vector<16xi32>
        %mul3A_724 = arith.constant 8.000000e+00 : f32
        %mul3A_725 = vector.broadcast %mul3A_724 : f32 to vector<16xf32>
        %mul3A_726 = arith.mulf %gather3A_668, %mul3A_725 : vector<16xf32>
        tpu.vector_store_idx %arg12[%mul3A_3, %mul3A_3, %mul3A_3, %add3A_723], %mul3A_726 : memref<8x1x8x128xf32, #tpu.memory_space<vmem>>[vector<16xi32>, vector<16xi32>, vector<16xi32>, vector<16xi32>], vector<16xf32>,
        %add3A_727 = vector.broadcast %add3A_654 : i32 to vector<16xi32>
        %add3A_728 = arith.addi %add3A_145, %add3A_727 : vector<16xi32>
        %mul3A_729 = arith.constant 8.000000e+00 : f32
        %mul3A_730 = vector.broadcast %mul3A_729 : f32 to vector<16xf32>
        %mul3A_731 = arith.mulf %gather3A_671, %mul3A_730 : vector<16xf32>
        tpu.vector_store_idx %arg12[%mul3A_3, %mul3A_3, %mul3A_3, %add3A_728], %mul3A_731 : memref<8x1x8x128xf32, #tpu.memory_space<vmem>>[vector<16xi32>, vector<16xi32>, vector<16xi32>, vector<16xi32>], vector<16xf32>,
        %add3A_732 = vector.broadcast %add3A_654 : i32 to vector<16xi32>
        %add3A_733 = arith.addi %add3A_169, %add3A_732 : vector<16xi32>
        %mul3A_734 = arith.constant 8.000000e+00 : f32
        %mul3A_735 = vector.broadcast %mul3A_734 : f32 to vector<16xf32>
        %mul3A_736 = arith.mulf %gather3A_674, %mul3A_735 : vector<16xf32>
        tpu.vector_store_idx %arg12[%mul3A_3, %mul3A_3, %mul3A_3, %add3A_733], %mul3A_736 : memref<8x1x8x128xf32, #tpu.memory_space<vmem>>[vector<16xi32>, vector<16xi32>, vector<16xi32>, vector<16xi32>], vector<16xf32>,
        %add3A_737 = vector.broadcast %add3A_654 : i32 to vector<16xi32>
        %add3A_738 = arith.addi %add3A_193, %add3A_737 : vector<16xi32>
        %mul3A_739 = arith.constant 8.000000e+00 : f32
        %mul3A_740 = vector.broadcast %mul3A_739 : f32 to vector<16xf32>
        %mul3A_741 = arith.mulf %gather3A_677, %mul3A_740 : vector<16xf32>
        tpu.vector_store_idx %arg12[%mul3A_3, %mul3A_3, %mul3A_3, %add3A_738], %mul3A_741 : memref<8x1x8x128xf32, #tpu.memory_space<vmem>>[vector<16xi32>, vector<16xi32>, vector<16xi32>, vector<16xi32>], vector<16xf32>,
        %add3A_742 = vector.broadcast %add3A_654 : i32 to vector<16xi32>
        %add3A_743 = arith.addi %add3A_217, %add3A_742 : vector<16xi32>
        %mul3A_744 = arith.constant 8.000000e+00 : f32
        %mul3A_745 = vector.broadcast %mul3A_744 : f32 to vector<16xf32>
        %mul3A_746 = arith.mulf %gather3A_680, %mul3A_745 : vector<16xf32>
        tpu.vector_store_idx %arg12[%mul3A_3, %mul3A_3, %mul3A_3, %add3A_743], %mul3A_746 : memref<8x1x8x128xf32, #tpu.memory_space<vmem>>[vector<16xi32>, vector<16xi32>, vector<16xi32>, vector<16xi32>], vector<16xf32>,
        %add3A_747 = vector.broadcast %add3A_654 : i32 to vector<16xi32>
        %add3A_748 = arith.addi %add3A_241, %add3A_747 : vector<16xi32>
        %mul3A_749 = arith.constant 8.000000e+00 : f32
        %mul3A_750 = vector.broadcast %mul3A_749 : f32 to vector<16xf32>
        %mul3A_751 = arith.mulf %gather3A_683, %mul3A_750 : vector<16xf32>
        tpu.vector_store_idx %arg12[%mul3A_3, %mul3A_3, %mul3A_3, %add3A_748], %mul3A_751 : memref<8x1x8x128xf32, #tpu.memory_space<vmem>>[vector<16xi32>, vector<16xi32>, vector<16xi32>, vector<16xi32>], vector<16xf32>,
        %add3A_752 = vector.broadcast %add3A_654 : i32 to vector<16xi32>
        %add3A_753 = arith.addi %add3A_265, %add3A_752 : vector<16xi32>
        %mul3A_754 = arith.constant 8.000000e+00 : f32
        %mul3A_755 = vector.broadcast %mul3A_754 : f32 to vector<16xf32>
        %mul3A_756 = arith.mulf %gather3A_686, %mul3A_755 : vector<16xf32>
        tpu.vector_store_idx %arg12[%mul3A_3, %mul3A_3, %mul3A_3, %add3A_753], %mul3A_756 : memref<8x1x8x128xf32, #tpu.memory_space<vmem>>[vector<16xi32>, vector<16xi32>, vector<16xi32>, vector<16xi32>], vector<16xf32>,
        %add3A_757 = vector.broadcast %add3A_654 : i32 to vector<16xi32>
        %add3A_758 = arith.addi %add3A_289, %add3A_757 : vector<16xi32>
        %mul3A_759 = arith.constant 8.000000e+00 : f32
        %mul3A_760 = vector.broadcast %mul3A_759 : f32 to vector<16xf32>
        %mul3A_761 = arith.mulf %gather3A_689, %mul3A_760 : vector<16xf32>
        tpu.vector_store_idx %arg12[%mul3A_3, %mul3A_3, %mul3A_3, %add3A_758], %mul3A_761 : memref<8x1x8x128xf32, #tpu.memory_space<vmem>>[vector<16xi32>, vector<16xi32>, vector<16xi32>, vector<16xi32>], vector<16xf32>,
        %add3A_762 = vector.broadcast %add3A_654 : i32 to vector<16xi32>
        %add3A_763 = arith.addi %add3A_313, %add3A_762 : vector<16xi32>
        %mul3A_764 = arith.constant 8.000000e+00 : f32
        %mul3A_765 = vector.broadcast %mul3A_764 : f32 to vector<16xf32>
        %mul3A_766 = arith.mulf %gather3A_692, %mul3A_765 : vector<16xf32>
        tpu.vector_store_idx %arg12[%mul3A_3, %mul3A_3, %mul3A_3, %add3A_763], %mul3A_766 : memref<8x1x8x128xf32, #tpu.memory_space<vmem>>[vector<16xi32>, vector<16xi32>, vector<16xi32>, vector<16xi32>], vector<16xf32>,
        %add3A_767 = vector.broadcast %add3A_654 : i32 to vector<16xi32>
        %add3A_768 = arith.addi %add3A_337, %add3A_767 : vector<16xi32>
        %mul3A_769 = arith.constant 8.000000e+00 : f32
        %mul3A_770 = vector.broadcast %mul3A_769 : f32 to vector<16xf32>
        %mul3A_771 = arith.mulf %gather3A_695, %mul3A_770 : vector<16xf32>
        tpu.vector_store_idx %arg12[%mul3A_3, %mul3A_3, %mul3A_3, %add3A_768], %mul3A_771 : memref<8x1x8x128xf32, #tpu.memory_space<vmem>>[vector<16xi32>, vector<16xi32>, vector<16xi32>, vector<16xi32>], vector<16xf32>,
        %add3A_772 = vector.broadcast %add3A_654 : i32 to vector<16xi32>
        %add3A_773 = arith.addi %add3A_361, %add3A_772 : vector<16xi32>
        %mul3A_774 = arith.constant 8.000000e+00 : f32
        %mul3A_775 = vector.broadcast %mul3A_774 : f32 to vector<16xf32>
        %mul3A_776 = arith.mulf %gather3A_698, %mul3A_775 : vector<16xf32>
        tpu.vector_store_idx %arg12[%mul3A_3, %mul3A_3, %mul3A_3, %add3A_773], %mul3A_776 : memref<8x1x8x128xf32, #tpu.memory_space<vmem>>[vector<16xi32>, vector<16xi32>, vector<16xi32>, vector<16xi32>], vector<16xf32>,
        %add3A_777 = vector.broadcast %add3A_654 : i32 to vector<16xi32>
        %add3A_778 = arith.addi %add3A_385, %add3A_777 : vector<16xi32>
        %mul3A_779 = arith.constant 8.000000e+00 : f32
        %mul3A_780 = vector.broadcast %mul3A_779 : f32 to vector<16xf32>
        %mul3A_781 = arith.mulf %gather3A_701, %mul3A_780 : vector<16xf32>
        tpu.vector_store_idx %arg12[%mul3A_3, %mul3A_3, %mul3A_3, %add3A_778], %mul3A_781 : memref<8x1x8x128xf32, #tpu.memory_space<vmem>>[vector<16xi32>, vector<16xi32>, vector<16xi32>, vector<16xi32>], vector<16xf32>,
      }
      %scan3A_567 = arith.constant 32 : i32
      %dma_start3A_568 = arith.constant 0 : i32
      %dma_start3A_569 = arith.constant 0 : i32
      %dma_start3A_570 = arith.constant 0 : i32
      %dma_start3A_571 = tpu.memref_slice %arg4[%add3A_547, %dma_start3A_568, %add3A, %dma_start3A_569, %dma_start3A_570] : memref<200x8x32x8x128xf32, #tpu.memory_space<hbm>> -> memref<1x8x1x8x128xf32, #tpu.memory_space<hbm>>
      %dma_start3A_572 = tpu.memref_squeeze %dma_start3A_571 : memref<1x8x1x8x128xf32, #tpu.memory_space<hbm>> -> memref<8x1x8x128xf32, #tpu.memory_space<hbm>>
      %dma_start3A_573 = arith.constant 0 : i32
      %dma_start3A_574 = arith.constant 0 : i32
      %dma_start3A_575 = arith.constant 0 : i32
      %dma_start3A_576 = tpu.memref_slice %arg4[%add3A_547, %dma_start3A_573, %add3A, %dma_start3A_574, %dma_start3A_575] : memref<200x8x32x8x128xf32, #tpu.memory_space<hbm>> -> memref<1x8x1x8x128xf32, #tpu.memory_space<hbm>>
      %dma_start3A_577 = tpu.memref_squeeze %dma_start3A_576 : memref<1x8x1x8x128xf32, #tpu.memory_space<hbm>> -> memref<8x1x8x128xf32, #tpu.memory_space<hbm>>
      tpu.enqueue_dma source(%arg12 : memref<8x1x8x128xf32, #tpu.memory_space<vmem>>) target(%dma_start3A_577 : memref<8x1x8x128xf32, #tpu.memory_space<hbm>>) target_semaphore(%arg15 : memref<!tpu.dma_semaphore, #tpu.memory_space<semaphore_mem>>)
      %add3A_578 = arith.constant 4 : i32
      %add3A_579 = arith.addi %add3A_547, %add3A_578 : i32
      %lt3A_580 = arith.constant 200 : i32
      %lt3A_581 = arith.cmpi slt, %add3A_579, %lt3A_580 : i32
      %convert_element_type3A_582 = arith.extui %lt3A_581 : i1 to i32
      %cond3A_583 = arith.constant 0 : i32
      %cond3A_584 = arith.cmpi ne, %convert_element_type3A_582, %cond3A_583 : i32
      scf.if %cond3A_584 {
        %add3A_624 = arith.constant 4 : i32
        %add3A_625 = arith.addi %add3A_547, %add3A_624 : i32
        %jit3A = arith.constant 8 : i32
        %div3A_626 = arith.divsi %add3A_625, %jit3A : i32
        %sign3A = arith.constant 0 : i32
        %sign3A_627 = arith.cmpi sgt, %add3A_625, %sign3A : i32
        %sign3A_628 = arith.extui %sign3A_627 : i1 to i32
        %sign3A_629 = arith.constant 0 : i32
        %sign3A_630 = arith.cmpi slt, %add3A_625, %sign3A_629 : i32
        %sign3A_631 = arith.extui %sign3A_630 : i1 to i32
        %sign3A_632 = arith.subi %sign3A_628, %sign3A_631 : i32
        %sign3A_633 = arith.constant 0 : i32
        %sign3A_634 = arith.cmpi sgt, %jit3A, %sign3A_633 : i32
        %sign3A_635 = arith.extui %sign3A_634 : i1 to i32
        %sign3A_636 = arith.constant 0 : i32
        %sign3A_637 = arith.cmpi slt, %jit3A, %sign3A_636 : i32
        %sign3A_638 = arith.extui %sign3A_637 : i1 to i32
        %sign3A_639 = arith.subi %sign3A_635, %sign3A_638 : i32
        %ne3A = arith.cmpi ne, %sign3A_632, %sign3A_639 : i32
        %rem3A_640 = arith.remsi %add3A_625, %jit3A : i32
        %ne3A_641 = arith.constant 0 : i32
        %ne3A_642 = arith.cmpi ne, %rem3A_640, %ne3A_641 : i32
        %and3A = arith.andi %ne3A, %ne3A_642 : i1
        %sub3A = arith.constant 1 : i32
        %sub3A_643 = arith.subi %div3A_626, %sub3A : i32
        %select_n3A = arith.select %and3A, %sub3A_643, %div3A_626 : i32
        %jit3A_644 = arith.constant 8 : i32
        %eq3A = arith.constant 0 : i32
        %eq3A_645 = arith.cmpi eq, %jit3A_644, %eq3A : i32
        %jit3A_646 = arith.constant 1 : i32
        %select_n3A_647 = arith.select %eq3A_645, %jit3A_646, %jit3A_644 : i32
        %rem3A_648 = arith.remsi %add3A_625, %select_n3A_647 : i32
        %ne3A_649 = arith.constant 0 : i32
        %ne3A_650 = arith.cmpi ne, %rem3A_648, %ne3A_649 : i32
        %lt3A_651 = arith.constant 0 : i32
        %lt3A_652 = arith.cmpi slt, %rem3A_648, %lt3A_651 : i32
        %lt3A_653 = arith.constant 0 : i32
        %lt3A_654 = arith.cmpi slt, %select_n3A_647, %lt3A_653 : i32
        %ne3A_655 = arith.xori %lt3A_652, %lt3A_654 : i1
        %and3A_656 = arith.andi %ne3A_655, %ne3A_650 : i1
        %add3A_657 = arith.addi %rem3A_648, %select_n3A_647 : i32
        %select_n3A_658 = arith.select %and3A_656, %add3A_657, %rem3A_648 : i32
        %dma_start3A_659 = arith.constant 0 : i32
        %dma_start3A_660 = arith.constant 0 : i32
        %dma_start3A_661 = tpu.memref_slice %arg5[%select_n3A, %dma_start3A_659, %select_n3A_658, %dma_start3A_660] : memref<25x1x8x128xi32, #tpu.memory_space<vmem>> -> memref<1x1x1x128xi32, #tpu.memory_space<vmem>>
        %dma_start3A_662 = tpu.memref_squeeze %dma_start3A_661 : memref<1x1x1x128xi32, #tpu.memory_space<vmem>> -> memref<128xi32, #tpu.memory_space<vmem>>
        %dma_start3A_663 = arith.constant 0 : i32
        %dma_start3A_664 = arith.constant 0 : i32
        %dma_start3A_665 = tpu.memref_slice %arg3[%dma_start3A_663, %dma_start3A_664] : memref<1000000x64xf32, #tpu.memory_space<hbm>> -> memref<1000000x64xf32, #tpu.memory_space<hbm>>
        tpu.enqueue_indirect_dma source(%dma_start3A_665 : memref<1000000x64xf32, #tpu.memory_space<hbm>>) target(%arg8 : memref<128x64xf32, #tpu.memory_space<vmem>>) offsets(%dma_start3A_662 : memref<128xi32, #tpu.memory_space<vmem>>) semaphore(%arg14 : memref<!tpu.dma_semaphore, #tpu.memory_space<semaphore_mem>>)
      } else {
      }
      %add3A_585 = arith.constant 3 : i32
      %add3A_586 = arith.addi %mul3A_471, %add3A_585 : i32
      %dma_wait3A_587 = arith.constant 0 : i32
      %dma_wait3A_588 = arith.constant 0 : i32
      %dma_wait3A_589 = arith.constant 0 : i32
      %dma_wait3A_590 = arith.constant 0 : i32
      %dma_wait3A_591 = tpu.memref_slice %arg5[%dma_wait3A_587, %dma_wait3A_588, %dma_wait3A_589, %dma_wait3A_590] : memref<25x1x8x128xi32, #tpu.memory_space<vmem>> -> memref<1x1x1x128xi32, #tpu.memory_space<vmem>>
      %dma_wait3A_592 = tpu.memref_squeeze %dma_wait3A_591 : memref<1x1x1x128xi32, #tpu.memory_space<vmem>> -> memref<128xi32, #tpu.memory_space<vmem>>
      %dma_wait3A_593 = arith.constant 0 : i32
      %dma_wait3A_594 = arith.constant 0 : i32
      %dma_wait3A_595 = tpu.memref_slice %arg3[%dma_wait3A_593, %dma_wait3A_594] : memref<1000000x64xf32, #tpu.memory_space<hbm>> -> memref<1000000x64xf32, #tpu.memory_space<hbm>>
      tpu.wait_indirect_dma semaphore(%arg14 : memref<!tpu.dma_semaphore, #tpu.memory_space<semaphore_mem>>) src(%dma_wait3A_595 : memref<1000000x64xf32, #tpu.memory_space<hbm>>) dst(%arg9 : memref<128x64xf32, #tpu.memory_space<vmem>>)
      %ge3A_596 = arith.constant 4 : i32
      %ge3A_597 = arith.cmpi sge, %add3A_586, %ge3A_596 : i32
      %convert_element_type3A_598 = arith.extui %ge3A_597 : i1 to i32
      %cond3A_599 = arith.constant 0 : i32
      %cond3A_600 = arith.cmpi ne, %convert_element_type3A_598, %cond3A_599 : i32
      scf.if %cond3A_600 {
        %dma_wait3A_624 = arith.constant 0 : i32
        %dma_wait3A_625 = arith.constant 0 : i32
        %dma_wait3A_626 = arith.constant 0 : i32
        %dma_wait3A_627 = arith.constant 0 : i32
        %dma_wait3A_628 = tpu.memref_slice %arg4[%dma_wait3A_624, %dma_wait3A_625, %add3A, %dma_wait3A_626, %dma_wait3A_627] : memref<200x8x32x8x128xf32, #tpu.memory_space<hbm>> -> memref<1x8x1x8x128xf32, #tpu.memory_space<hbm>>
        %dma_wait3A_629 = tpu.memref_squeeze %dma_wait3A_628 : memref<1x8x1x8x128xf32, #tpu.memory_space<hbm>> -> memref<8x1x8x128xf32, #tpu.memory_space<hbm>>
        %dma_wait3A_630 = arith.constant 0 : i32
        %dma_wait3A_631 = arith.constant 0 : i32
        %dma_wait3A_632 = arith.constant 0 : i32
        %dma_wait3A_633 = tpu.memref_slice %arg4[%dma_wait3A_624, %dma_wait3A_630, %add3A, %dma_wait3A_631, %dma_wait3A_632] : memref<200x8x32x8x128xf32, #tpu.memory_space<hbm>> -> memref<1x8x1x8x128xf32, #tpu.memory_space<hbm>>
        %dma_wait3A_634 = tpu.memref_squeeze %dma_wait3A_633 : memref<1x8x1x8x128xf32, #tpu.memory_space<hbm>> -> memref<8x1x8x128xf32, #tpu.memory_space<hbm>>
        tpu.wait_dma2 semaphore(%arg15 : memref<!tpu.dma_semaphore, #tpu.memory_space<semaphore_mem>>) src(%arg13 : memref<8x1x8x128xf32, #tpu.memory_space<vmem>>) dst(%dma_wait3A_634 : memref<8x1x8x128xf32, #tpu.memory_space<hbm>>)
      } else {
      }
      %scan3A_601 = arith.constant 0 : i32
      %scan3A_602 = arith.constant 0 : i32
      %scan3A_603 = arith.constant 32 : i32
      %scan3A_604 = arith.addi %scan3A_602, %scan3A_603 : i32
      %scan3A_605 = arith.constant 1 : i32
      scf.for %scan3A_624 = %scan3A_602 to %scan3A_604 step %scan3A_605  : i32 {
        %jit3A = arith.constant 4 : i32
        %div3A_625 = arith.divsi %scan3A_624, %jit3A : i32
        %sign3A = arith.constant 0 : i32
        %sign3A_626 = arith.cmpi sgt, %scan3A_624, %sign3A : i32
        %sign3A_627 = arith.extui %sign3A_626 : i1 to i32
        %sign3A_628 = arith.constant 0 : i32
        %sign3A_629 = arith.cmpi slt, %scan3A_624, %sign3A_628 : i32
        %sign3A_630 = arith.extui %sign3A_629 : i1 to i32
        %sign3A_631 = arith.subi %sign3A_627, %sign3A_630 : i32
        %sign3A_632 = arith.constant 0 : i32
        %sign3A_633 = arith.cmpi sgt, %jit3A, %sign3A_632 : i32
        %sign3A_634 = arith.extui %sign3A_633 : i1 to i32
        %sign3A_635 = arith.constant 0 : i32
        %sign3A_636 = arith.cmpi slt, %jit3A, %sign3A_635 : i32
        %sign3A_637 = arith.extui %sign3A_636 : i1 to i32
        %sign3A_638 = arith.subi %sign3A_634, %sign3A_637 : i32
        %ne3A = arith.cmpi ne, %sign3A_631, %sign3A_638 : i32
        %rem3A_639 = arith.remsi %scan3A_624, %jit3A : i32
        %ne3A_640 = arith.constant 0 : i32
        %ne3A_641 = arith.cmpi ne, %rem3A_639, %ne3A_640 : i32
        %and3A = arith.andi %ne3A, %ne3A_641 : i1
        %sub3A = arith.constant 1 : i32
        %sub3A_642 = arith.subi %div3A_625, %sub3A : i32
        %select_n3A = arith.select %and3A, %sub3A_642, %div3A_625 : i32
        %rem3A_643 = arith.constant 4 : i32
        %rem3A_644 = arith.remsi %scan3A_624, %rem3A_643 : i32
        %mul3A_645 = arith.constant 1024 : i32
        %mul3A_646 = arith.muli %select_n3A, %mul3A_645 : i32
        %mul3A_647 = arith.constant 16 : i32
        %mul3A_648 = arith.muli %rem3A_644, %mul3A_647 : i32
        %add3A_649 = arith.addi %mul3A_646, %mul3A_648 : i32
        %mul3A_650 = arith.constant 2048 : i32
        %mul3A_651 = arith.muli %rem3A_644, %mul3A_650 : i32
        %mul3A_652 = arith.constant 16 : i32
        %mul3A_653 = arith.muli %select_n3A, %mul3A_652 : i32
        %add3A_654 = arith.addi %mul3A_651, %mul3A_653 : i32
        %add3A_655 = vector.broadcast %add3A_649 : i32 to vector<16xi32>
        %add3A_656 = arith.addi %add3A_12, %add3A_655 : vector<16xi32>
        %gather3A = tpu.vector_load_idx %arg9[%mul3A_3, %add3A_656] : memref<128x64xf32, #tpu.memory_space<vmem>>[vector<16xi32>, vector<16xi32>], vector<16xf32>,
        %add3A_657 = vector.broadcast %add3A_649 : i32 to vector<16xi32>
        %add3A_658 = arith.addi %add3A_35, %add3A_657 : vector<16xi32>
        %gather3A_659 = tpu.vector_load_idx %arg9[%mul3A_3, %add3A_658] : memref<128x64xf32, #tpu.memory_space<vmem>>[vector<16xi32>, vector<16xi32>], vector<16xf32>,
        %add3A_660 = vector.broadcast %add3A_649 : i32 to vector<16xi32>
        %add3A_661 = arith.addi %add3A_59, %add3A_660 : vector<16xi32>
        %gather3A_662 = tpu.vector_load_idx %arg9[%mul3A_3, %add3A_661] : memref<128x64xf32, #tpu.memory_space<vmem>>[vector<16xi32>, vector<16xi32>], vector<16xf32>,
        %add3A_663 = vector.broadcast %add3A_649 : i32 to vector<16xi32>
        %add3A_664 = arith.addi %add3A_83, %add3A_663 : vector<16xi32>
        %gather3A_665 = tpu.vector_load_idx %arg9[%mul3A_3, %add3A_664] : memref<128x64xf32, #tpu.memory_space<vmem>>[vector<16xi32>, vector<16xi32>], vector<16xf32>,
        %add3A_666 = vector.broadcast %add3A_649 : i32 to vector<16xi32>
        %add3A_667 = arith.addi %add3A_107, %add3A_666 : vector<16xi32>
        %gather3A_668 = tpu.vector_load_idx %arg9[%mul3A_3, %add3A_667] : memref<128x64xf32, #tpu.memory_space<vmem>>[vector<16xi32>, vector<16xi32>], vector<16xf32>,
        %add3A_669 = vector.broadcast %add3A_649 : i32 to vector<16xi32>
        %add3A_670 = arith.addi %add3A_131, %add3A_669 : vector<16xi32>
        %gather3A_671 = tpu.vector_load_idx %arg9[%mul3A_3, %add3A_670] : memref<128x64xf32, #tpu.memory_space<vmem>>[vector<16xi32>, vector<16xi32>], vector<16xf32>,
        %add3A_672 = vector.broadcast %add3A_649 : i32 to vector<16xi32>
        %add3A_673 = arith.addi %add3A_155, %add3A_672 : vector<16xi32>
        %gather3A_674 = tpu.vector_load_idx %arg9[%mul3A_3, %add3A_673] : memref<128x64xf32, #tpu.memory_space<vmem>>[vector<16xi32>, vector<16xi32>], vector<16xf32>,
        %add3A_675 = vector.broadcast %add3A_649 : i32 to vector<16xi32>
        %add3A_676 = arith.addi %add3A_179, %add3A_675 : vector<16xi32>
        %gather3A_677 = tpu.vector_load_idx %arg9[%mul3A_3, %add3A_676] : memref<128x64xf32, #tpu.memory_space<vmem>>[vector<16xi32>, vector<16xi32>], vector<16xf32>,
        %add3A_678 = vector.broadcast %add3A_649 : i32 to vector<16xi32>
        %add3A_679 = arith.addi %add3A_203, %add3A_678 : vector<16xi32>
        %gather3A_680 = tpu.vector_load_idx %arg9[%mul3A_3, %add3A_679] : memref<128x64xf32, #tpu.memory_space<vmem>>[vector<16xi32>, vector<16xi32>], vector<16xf32>,
        %add3A_681 = vector.broadcast %add3A_649 : i32 to vector<16xi32>
        %add3A_682 = arith.addi %add3A_227, %add3A_681 : vector<16xi32>
        %gather3A_683 = tpu.vector_load_idx %arg9[%mul3A_3, %add3A_682] : memref<128x64xf32, #tpu.memory_space<vmem>>[vector<16xi32>, vector<16xi32>], vector<16xf32>,
        %add3A_684 = vector.broadcast %add3A_649 : i32 to vector<16xi32>
        %add3A_685 = arith.addi %add3A_251, %add3A_684 : vector<16xi32>
        %gather3A_686 = tpu.vector_load_idx %arg9[%mul3A_3, %add3A_685] : memref<128x64xf32, #tpu.memory_space<vmem>>[vector<16xi32>, vector<16xi32>], vector<16xf32>,
        %add3A_687 = vector.broadcast %add3A_649 : i32 to vector<16xi32>
        %add3A_688 = arith.addi %add3A_275, %add3A_687 : vector<16xi32>
        %gather3A_689 = tpu.vector_load_idx %arg9[%mul3A_3, %add3A_688] : memref<128x64xf32, #tpu.memory_space<vmem>>[vector<16xi32>, vector<16xi32>], vector<16xf32>,
        %add3A_690 = vector.broadcast %add3A_649 : i32 to vector<16xi32>
        %add3A_691 = arith.addi %add3A_299, %add3A_690 : vector<16xi32>
        %gather3A_692 = tpu.vector_load_idx %arg9[%mul3A_3, %add3A_691] : memref<128x64xf32, #tpu.memory_space<vmem>>[vector<16xi32>, vector<16xi32>], vector<16xf32>,
        %add3A_693 = vector.broadcast %add3A_649 : i32 to vector<16xi32>
        %add3A_694 = arith.addi %add3A_323, %add3A_693 : vector<16xi32>
        %gather3A_695 = tpu.vector_load_idx %arg9[%mul3A_3, %add3A_694] : memref<128x64xf32, #tpu.memory_space<vmem>>[vector<16xi32>, vector<16xi32>], vector<16xf32>,
        %add3A_696 = vector.broadcast %add3A_649 : i32 to vector<16xi32>
        %add3A_697 = arith.addi %add3A_347, %add3A_696 : vector<16xi32>
        %gather3A_698 = tpu.vector_load_idx %arg9[%mul3A_3, %add3A_697] : memref<128x64xf32, #tpu.memory_space<vmem>>[vector<16xi32>, vector<16xi32>], vector<16xf32>,
        %add3A_699 = vector.broadcast %add3A_649 : i32 to vector<16xi32>
        %add3A_700 = arith.addi %add3A_371, %add3A_699 : vector<16xi32>
        %gather3A_701 = tpu.vector_load_idx %arg9[%mul3A_3, %add3A_700] : memref<128x64xf32, #tpu.memory_space<vmem>>[vector<16xi32>, vector<16xi32>], vector<16xf32>,
        %add3A_702 = vector.broadcast %add3A_654 : i32 to vector<16xi32>
        %add3A_703 = arith.addi %add3A_25, %add3A_702 : vector<16xi32>
        %mul3A_704 = arith.constant 8.000000e+00 : f32
        %mul3A_705 = vector.broadcast %mul3A_704 : f32 to vector<16xf32>
        %mul3A_706 = arith.mulf %gather3A, %mul3A_705 : vector<16xf32>
        tpu.vector_store_idx %arg13[%mul3A_3, %mul3A_3, %mul3A_3, %add3A_703], %mul3A_706 : memref<8x1x8x128xf32, #tpu.memory_space<vmem>>[vector<16xi32>, vector<16xi32>, vector<16xi32>, vector<16xi32>], vector<16xf32>,
        %add3A_707 = vector.broadcast %add3A_654 : i32 to vector<16xi32>
        %add3A_708 = arith.addi %add3A_49, %add3A_707 : vector<16xi32>
        %mul3A_709 = arith.constant 8.000000e+00 : f32
        %mul3A_710 = vector.broadcast %mul3A_709 : f32 to vector<16xf32>
        %mul3A_711 = arith.mulf %gather3A_659, %mul3A_710 : vector<16xf32>
        tpu.vector_store_idx %arg13[%mul3A_3, %mul3A_3, %mul3A_3, %add3A_708], %mul3A_711 : memref<8x1x8x128xf32, #tpu.memory_space<vmem>>[vector<16xi32>, vector<16xi32>, vector<16xi32>, vector<16xi32>], vector<16xf32>,
        %add3A_712 = vector.broadcast %add3A_654 : i32 to vector<16xi32>
        %add3A_713 = arith.addi %add3A_73, %add3A_712 : vector<16xi32>
        %mul3A_714 = arith.constant 8.000000e+00 : f32
        %mul3A_715 = vector.broadcast %mul3A_714 : f32 to vector<16xf32>
        %mul3A_716 = arith.mulf %gather3A_662, %mul3A_715 : vector<16xf32>
        tpu.vector_store_idx %arg13[%mul3A_3, %mul3A_3, %mul3A_3, %add3A_713], %mul3A_716 : memref<8x1x8x128xf32, #tpu.memory_space<vmem>>[vector<16xi32>, vector<16xi32>, vector<16xi32>, vector<16xi32>], vector<16xf32>,
        %add3A_717 = vector.broadcast %add3A_654 : i32 to vector<16xi32>
        %add3A_718 = arith.addi %add3A_97, %add3A_717 : vector<16xi32>
        %mul3A_719 = arith.constant 8.000000e+00 : f32
        %mul3A_720 = vector.broadcast %mul3A_719 : f32 to vector<16xf32>
        %mul3A_721 = arith.mulf %gather3A_665, %mul3A_720 : vector<16xf32>
        tpu.vector_store_idx %arg13[%mul3A_3, %mul3A_3, %mul3A_3, %add3A_718], %mul3A_721 : memref<8x1x8x128xf32, #tpu.memory_space<vmem>>[vector<16xi32>, vector<16xi32>, vector<16xi32>, vector<16xi32>], vector<16xf32>,
        %add3A_722 = vector.broadcast %add3A_654 : i32 to vector<16xi32>
        %add3A_723 = arith.addi %add3A_121, %add3A_722 : vector<16xi32>
        %mul3A_724 = arith.constant 8.000000e+00 : f32
        %mul3A_725 = vector.broadcast %mul3A_724 : f32 to vector<16xf32>
        %mul3A_726 = arith.mulf %gather3A_668, %mul3A_725 : vector<16xf32>
        tpu.vector_store_idx %arg13[%mul3A_3, %mul3A_3, %mul3A_3, %add3A_723], %mul3A_726 : memref<8x1x8x128xf32, #tpu.memory_space<vmem>>[vector<16xi32>, vector<16xi32>, vector<16xi32>, vector<16xi32>], vector<16xf32>,
        %add3A_727 = vector.broadcast %add3A_654 : i32 to vector<16xi32>
        %add3A_728 = arith.addi %add3A_145, %add3A_727 : vector<16xi32>
        %mul3A_729 = arith.constant 8.000000e+00 : f32
        %mul3A_730 = vector.broadcast %mul3A_729 : f32 to vector<16xf32>
        %mul3A_731 = arith.mulf %gather3A_671, %mul3A_730 : vector<16xf32>
        tpu.vector_store_idx %arg13[%mul3A_3, %mul3A_3, %mul3A_3, %add3A_728], %mul3A_731 : memref<8x1x8x128xf32, #tpu.memory_space<vmem>>[vector<16xi32>, vector<16xi32>, vector<16xi32>, vector<16xi32>], vector<16xf32>,
        %add3A_732 = vector.broadcast %add3A_654 : i32 to vector<16xi32>
        %add3A_733 = arith.addi %add3A_169, %add3A_732 : vector<16xi32>
        %mul3A_734 = arith.constant 8.000000e+00 : f32
        %mul3A_735 = vector.broadcast %mul3A_734 : f32 to vector<16xf32>
        %mul3A_736 = arith.mulf %gather3A_674, %mul3A_735 : vector<16xf32>
        tpu.vector_store_idx %arg13[%mul3A_3, %mul3A_3, %mul3A_3, %add3A_733], %mul3A_736 : memref<8x1x8x128xf32, #tpu.memory_space<vmem>>[vector<16xi32>, vector<16xi32>, vector<16xi32>, vector<16xi32>], vector<16xf32>,
        %add3A_737 = vector.broadcast %add3A_654 : i32 to vector<16xi32>
        %add3A_738 = arith.addi %add3A_193, %add3A_737 : vector<16xi32>
        %mul3A_739 = arith.constant 8.000000e+00 : f32
        %mul3A_740 = vector.broadcast %mul3A_739 : f32 to vector<16xf32>
        %mul3A_741 = arith.mulf %gather3A_677, %mul3A_740 : vector<16xf32>
        tpu.vector_store_idx %arg13[%mul3A_3, %mul3A_3, %mul3A_3, %add3A_738], %mul3A_741 : memref<8x1x8x128xf32, #tpu.memory_space<vmem>>[vector<16xi32>, vector<16xi32>, vector<16xi32>, vector<16xi32>], vector<16xf32>,
        %add3A_742 = vector.broadcast %add3A_654 : i32 to vector<16xi32>
        %add3A_743 = arith.addi %add3A_217, %add3A_742 : vector<16xi32>
        %mul3A_744 = arith.constant 8.000000e+00 : f32
        %mul3A_745 = vector.broadcast %mul3A_744 : f32 to vector<16xf32>
        %mul3A_746 = arith.mulf %gather3A_680, %mul3A_745 : vector<16xf32>
        tpu.vector_store_idx %arg13[%mul3A_3, %mul3A_3, %mul3A_3, %add3A_743], %mul3A_746 : memref<8x1x8x128xf32, #tpu.memory_space<vmem>>[vector<16xi32>, vector<16xi32>, vector<16xi32>, vector<16xi32>], vector<16xf32>,
        %add3A_747 = vector.broadcast %add3A_654 : i32 to vector<16xi32>
        %add3A_748 = arith.addi %add3A_241, %add3A_747 : vector<16xi32>
        %mul3A_749 = arith.constant 8.000000e+00 : f32
        %mul3A_750 = vector.broadcast %mul3A_749 : f32 to vector<16xf32>
        %mul3A_751 = arith.mulf %gather3A_683, %mul3A_750 : vector<16xf32>
        tpu.vector_store_idx %arg13[%mul3A_3, %mul3A_3, %mul3A_3, %add3A_748], %mul3A_751 : memref<8x1x8x128xf32, #tpu.memory_space<vmem>>[vector<16xi32>, vector<16xi32>, vector<16xi32>, vector<16xi32>], vector<16xf32>,
        %add3A_752 = vector.broadcast %add3A_654 : i32 to vector<16xi32>
        %add3A_753 = arith.addi %add3A_265, %add3A_752 : vector<16xi32>
        %mul3A_754 = arith.constant 8.000000e+00 : f32
        %mul3A_755 = vector.broadcast %mul3A_754 : f32 to vector<16xf32>
        %mul3A_756 = arith.mulf %gather3A_686, %mul3A_755 : vector<16xf32>
        tpu.vector_store_idx %arg13[%mul3A_3, %mul3A_3, %mul3A_3, %add3A_753], %mul3A_756 : memref<8x1x8x128xf32, #tpu.memory_space<vmem>>[vector<16xi32>, vector<16xi32>, vector<16xi32>, vector<16xi32>], vector<16xf32>,
        %add3A_757 = vector.broadcast %add3A_654 : i32 to vector<16xi32>
        %add3A_758 = arith.addi %add3A_289, %add3A_757 : vector<16xi32>
        %mul3A_759 = arith.constant 8.000000e+00 : f32
        %mul3A_760 = vector.broadcast %mul3A_759 : f32 to vector<16xf32>
        %mul3A_761 = arith.mulf %gather3A_689, %mul3A_760 : vector<16xf32>
        tpu.vector_store_idx %arg13[%mul3A_3, %mul3A_3, %mul3A_3, %add3A_758], %mul3A_761 : memref<8x1x8x128xf32, #tpu.memory_space<vmem>>[vector<16xi32>, vector<16xi32>, vector<16xi32>, vector<16xi32>], vector<16xf32>,
        %add3A_762 = vector.broadcast %add3A_654 : i32 to vector<16xi32>
        %add3A_763 = arith.addi %add3A_313, %add3A_762 : vector<16xi32>
        %mul3A_764 = arith.constant 8.000000e+00 : f32
        %mul3A_765 = vector.broadcast %mul3A_764 : f32 to vector<16xf32>
        %mul3A_766 = arith.mulf %gather3A_692, %mul3A_765 : vector<16xf32>
        tpu.vector_store_idx %arg13[%mul3A_3, %mul3A_3, %mul3A_3, %add3A_763], %mul3A_766 : memref<8x1x8x128xf32, #tpu.memory_space<vmem>>[vector<16xi32>, vector<16xi32>, vector<16xi32>, vector<16xi32>], vector<16xf32>,
        %add3A_767 = vector.broadcast %add3A_654 : i32 to vector<16xi32>
        %add3A_768 = arith.addi %add3A_337, %add3A_767 : vector<16xi32>
        %mul3A_769 = arith.constant 8.000000e+00 : f32
        %mul3A_770 = vector.broadcast %mul3A_769 : f32 to vector<16xf32>
        %mul3A_771 = arith.mulf %gather3A_695, %mul3A_770 : vector<16xf32>
        tpu.vector_store_idx %arg13[%mul3A_3, %mul3A_3, %mul3A_3, %add3A_768], %mul3A_771 : memref<8x1x8x128xf32, #tpu.memory_space<vmem>>[vector<16xi32>, vector<16xi32>, vector<16xi32>, vector<16xi32>], vector<16xf32>,
        %add3A_772 = vector.broadcast %add3A_654 : i32 to vector<16xi32>
        %add3A_773 = arith.addi %add3A_361, %add3A_772 : vector<16xi32>
        %mul3A_774 = arith.constant 8.000000e+00 : f32
        %mul3A_775 = vector.broadcast %mul3A_774 : f32 to vector<16xf32>
        %mul3A_776 = arith.mulf %gather3A_698, %mul3A_775 : vector<16xf32>
        tpu.vector_store_idx %arg13[%mul3A_3, %mul3A_3, %mul3A_3, %add3A_773], %mul3A_776 : memref<8x1x8x128xf32, #tpu.memory_space<vmem>>[vector<16xi32>, vector<16xi32>, vector<16xi32>, vector<16xi32>], vector<16xf32>,
        %add3A_777 = vector.broadcast %add3A_654 : i32 to vector<16xi32>
        %add3A_778 = arith.addi %add3A_385, %add3A_777 : vector<16xi32>
        %mul3A_779 = arith.constant 8.000000e+00 : f32
        %mul3A_780 = vector.broadcast %mul3A_779 : f32 to vector<16xf32>
        %mul3A_781 = arith.mulf %gather3A_701, %mul3A_780 : vector<16xf32>
        tpu.vector_store_idx %arg13[%mul3A_3, %mul3A_3, %mul3A_3, %add3A_778], %mul3A_781 : memref<8x1x8x128xf32, #tpu.memory_space<vmem>>[vector<16xi32>, vector<16xi32>, vector<16xi32>, vector<16xi32>], vector<16xf32>,
      }
      %scan3A_606 = arith.constant 32 : i32
      %dma_start3A_607 = arith.constant 0 : i32
      %dma_start3A_608 = arith.constant 0 : i32
      %dma_start3A_609 = arith.constant 0 : i32
      %dma_start3A_610 = tpu.memref_slice %arg4[%add3A_586, %dma_start3A_607, %add3A, %dma_start3A_608, %dma_start3A_609] : memref<200x8x32x8x128xf32, #tpu.memory_space<hbm>> -> memref<1x8x1x8x128xf32, #tpu.memory_space<hbm>>
      %dma_start3A_611 = tpu.memref_squeeze %dma_start3A_610 : memref<1x8x1x8x128xf32, #tpu.memory_space<hbm>> -> memref<8x1x8x128xf32, #tpu.memory_space<hbm>>
      %dma_start3A_612 = arith.constant 0 : i32
      %dma_start3A_613 = arith.constant 0 : i32
      %dma_start3A_614 = arith.constant 0 : i32
      %dma_start3A_615 = tpu.memref_slice %arg4[%add3A_586, %dma_start3A_612, %add3A, %dma_start3A_613, %dma_start3A_614] : memref<200x8x32x8x128xf32, #tpu.memory_space<hbm>> -> memref<1x8x1x8x128xf32, #tpu.memory_space<hbm>>
      %dma_start3A_616 = tpu.memref_squeeze %dma_start3A_615 : memref<1x8x1x8x128xf32, #tpu.memory_space<hbm>> -> memref<8x1x8x128xf32, #tpu.memory_space<hbm>>
      tpu.enqueue_dma source(%arg13 : memref<8x1x8x128xf32, #tpu.memory_space<vmem>>) target(%dma_start3A_616 : memref<8x1x8x128xf32, #tpu.memory_space<hbm>>) target_semaphore(%arg15 : memref<!tpu.dma_semaphore, #tpu.memory_space<semaphore_mem>>)
      %add3A_617 = arith.constant 4 : i32
      %add3A_618 = arith.addi %add3A_586, %add3A_617 : i32
      %lt3A_619 = arith.constant 200 : i32
      %lt3A_620 = arith.cmpi slt, %add3A_618, %lt3A_619 : i32
      %convert_element_type3A_621 = arith.extui %lt3A_620 : i1 to i32
      %cond3A_622 = arith.constant 0 : i32
      %cond3A_623 = arith.cmpi ne, %convert_element_type3A_621, %cond3A_622 : i32
      scf.if %cond3A_623 {
        %add3A_624 = arith.constant 4 : i32
        %add3A_625 = arith.addi %add3A_586, %add3A_624 : i32
        %jit3A = arith.constant 8 : i32
        %div3A_626 = arith.divsi %add3A_625, %jit3A : i32
        %sign3A = arith.constant 0 : i32
        %sign3A_627 = arith.cmpi sgt, %add3A_625, %sign3A : i32
        %sign3A_628 = arith.extui %sign3A_627 : i1 to i32
        %sign3A_629 = arith.constant 0 : i32
        %sign3A_630 = arith.cmpi slt, %add3A_625, %sign3A_629 : i32
        %sign3A_631 = arith.extui %sign3A_630 : i1 to i32
        %sign3A_632 = arith.subi %sign3A_628, %sign3A_631 : i32
        %sign3A_633 = arith.constant 0 : i32
        %sign3A_634 = arith.cmpi sgt, %jit3A, %sign3A_633 : i32
        %sign3A_635 = arith.extui %sign3A_634 : i1 to i32
        %sign3A_636 = arith.constant 0 : i32
        %sign3A_637 = arith.cmpi slt, %jit3A, %sign3A_636 : i32
        %sign3A_638 = arith.extui %sign3A_637 : i1 to i32
        %sign3A_639 = arith.subi %sign3A_635, %sign3A_638 : i32
        %ne3A = arith.cmpi ne, %sign3A_632, %sign3A_639 : i32
        %rem3A_640 = arith.remsi %add3A_625, %jit3A : i32
        %ne3A_641 = arith.constant 0 : i32
        %ne3A_642 = arith.cmpi ne, %rem3A_640, %ne3A_641 : i32
        %and3A = arith.andi %ne3A, %ne3A_642 : i1
        %sub3A = arith.constant 1 : i32
        %sub3A_643 = arith.subi %div3A_626, %sub3A : i32
        %select_n3A = arith.select %and3A, %sub3A_643, %div3A_626 : i32
        %jit3A_644 = arith.constant 8 : i32
        %eq3A = arith.constant 0 : i32
        %eq3A_645 = arith.cmpi eq, %jit3A_644, %eq3A : i32
        %jit3A_646 = arith.constant 1 : i32
        %select_n3A_647 = arith.select %eq3A_645, %jit3A_646, %jit3A_644 : i32
        %rem3A_648 = arith.remsi %add3A_625, %select_n3A_647 : i32
        %ne3A_649 = arith.constant 0 : i32
        %ne3A_650 = arith.cmpi ne, %rem3A_648, %ne3A_649 : i32
        %lt3A_651 = arith.constant 0 : i32
        %lt3A_652 = arith.cmpi slt, %rem3A_648, %lt3A_651 : i32
        %lt3A_653 = arith.constant 0 : i32
        %lt3A_654 = arith.cmpi slt, %select_n3A_647, %lt3A_653 : i32
        %ne3A_655 = arith.xori %lt3A_652, %lt3A_654 : i1
        %and3A_656 = arith.andi %ne3A_655, %ne3A_650 : i1
        %add3A_657 = arith.addi %rem3A_648, %select_n3A_647 : i32
        %select_n3A_658 = arith.select %and3A_656, %add3A_657, %rem3A_648 : i32
        %dma_start3A_659 = arith.constant 0 : i32
        %dma_start3A_660 = arith.constant 0 : i32
        %dma_start3A_661 = tpu.memref_slice %arg5[%select_n3A, %dma_start3A_659, %select_n3A_658, %dma_start3A_660] : memref<25x1x8x128xi32, #tpu.memory_space<vmem>> -> memref<1x1x1x128xi32, #tpu.memory_space<vmem>>
        %dma_start3A_662 = tpu.memref_squeeze %dma_start3A_661 : memref<1x1x1x128xi32, #tpu.memory_space<vmem>> -> memref<128xi32, #tpu.memory_space<vmem>>
        %dma_start3A_663 = arith.constant 0 : i32
        %dma_start3A_664 = arith.constant 0 : i32
        %dma_start3A_665 = tpu.memref_slice %arg3[%dma_start3A_663, %dma_start3A_664] : memref<1000000x64xf32, #tpu.memory_space<hbm>> -> memref<1000000x64xf32, #tpu.memory_space<hbm>>
        tpu.enqueue_indirect_dma source(%dma_start3A_665 : memref<1000000x64xf32, #tpu.memory_space<hbm>>) target(%arg9 : memref<128x64xf32, #tpu.memory_space<vmem>>) offsets(%dma_start3A_662 : memref<128xi32, #tpu.memory_space<vmem>>) semaphore(%arg14 : memref<!tpu.dma_semaphore, #tpu.memory_space<semaphore_mem>>)
      } else {
      }
    }
    %scan3A_425 = arith.constant 50 : i32
    %dma_wait3A = arith.constant 0 : i32
    %dma_wait3A_426 = arith.constant 0 : i32
    %dma_wait3A_427 = arith.constant 0 : i32
    %dma_wait3A_428 = arith.constant 0 : i32
    %dma_wait3A_429 = tpu.memref_slice %arg4[%dma_wait3A, %dma_wait3A_426, %add3A, %dma_wait3A_427, %dma_wait3A_428] : memref<200x8x32x8x128xf32, #tpu.memory_space<hbm>> -> memref<1x8x1x8x128xf32, #tpu.memory_space<hbm>>
    %dma_wait3A_430 = tpu.memref_squeeze %dma_wait3A_429 : memref<1x8x1x8x128xf32, #tpu.memory_space<hbm>> -> memref<8x1x8x128xf32, #tpu.memory_space<hbm>>
    %dma_wait3A_431 = arith.constant 0 : i32
    %dma_wait3A_432 = arith.constant 0 : i32
    %dma_wait3A_433 = arith.constant 0 : i32
    %dma_wait3A_434 = tpu.memref_slice %arg4[%dma_wait3A, %dma_wait3A_431, %add3A, %dma_wait3A_432, %dma_wait3A_433] : memref<200x8x32x8x128xf32, #tpu.memory_space<hbm>> -> memref<1x8x1x8x128xf32, #tpu.memory_space<hbm>>
    %dma_wait3A_435 = tpu.memref_squeeze %dma_wait3A_434 : memref<1x8x1x8x128xf32, #tpu.memory_space<hbm>> -> memref<8x1x8x128xf32, #tpu.memory_space<hbm>>
    tpu.wait_dma2 semaphore(%arg15 : memref<!tpu.dma_semaphore, #tpu.memory_space<semaphore_mem>>) src(%arg10 : memref<8x1x8x128xf32, #tpu.memory_space<vmem>>) dst(%dma_wait3A_435 : memref<8x1x8x128xf32, #tpu.memory_space<hbm>>)
    %dma_wait3A_436 = arith.constant 0 : i32
    %dma_wait3A_437 = arith.constant 0 : i32
    %dma_wait3A_438 = arith.constant 0 : i32
    %dma_wait3A_439 = arith.constant 0 : i32
    %dma_wait3A_440 = tpu.memref_slice %arg4[%dma_wait3A_436, %dma_wait3A_437, %add3A, %dma_wait3A_438, %dma_wait3A_439] : memref<200x8x32x8x128xf32, #tpu.memory_space<hbm>> -> memref<1x8x1x8x128xf32, #tpu.memory_space<hbm>>
    %dma_wait3A_441 = tpu.memref_squeeze %dma_wait3A_440 : memref<1x8x1x8x128xf32, #tpu.memory_space<hbm>> -> memref<8x1x8x128xf32, #tpu.memory_space<hbm>>
    %dma_wait3A_442 = arith.constant 0 : i32
    %dma_wait3A_443 = arith.constant 0 : i32
    %dma_wait3A_444 = arith.constant 0 : i32
    %dma_wait3A_445 = tpu.memref_slice %arg4[%dma_wait3A_436, %dma_wait3A_442, %add3A, %dma_wait3A_443, %dma_wait3A_444] : memref<200x8x32x8x128xf32, #tpu.memory_space<hbm>> -> memref<1x8x1x8x128xf32, #tpu.memory_space<hbm>>
    %dma_wait3A_446 = tpu.memref_squeeze %dma_wait3A_445 : memref<1x8x1x8x128xf32, #tpu.memory_space<hbm>> -> memref<8x1x8x128xf32, #tpu.memory_space<hbm>>
    tpu.wait_dma2 semaphore(%arg15 : memref<!tpu.dma_semaphore, #tpu.memory_space<semaphore_mem>>) src(%arg11 : memref<8x1x8x128xf32, #tpu.memory_space<vmem>>) dst(%dma_wait3A_446 : memref<8x1x8x128xf32, #tpu.memory_space<hbm>>)
    %dma_wait3A_447 = arith.constant 0 : i32
    %dma_wait3A_448 = arith.constant 0 : i32
    %dma_wait3A_449 = arith.constant 0 : i32
    %dma_wait3A_450 = arith.constant 0 : i32
    %dma_wait3A_451 = tpu.memref_slice %arg4[%dma_wait3A_447, %dma_wait3A_448, %add3A, %dma_wait3A_449, %dma_wait3A_450] : memref<200x8x32x8x128xf32, #tpu.memory_space<hbm>> -> memref<1x8x1x8x128xf32, #tpu.memory_space<hbm>>
    %dma_wait3A_452 = tpu.memref_squeeze %dma_wait3A_451 : memref<1x8x1x8x128xf32, #tpu.memory_space<hbm>> -> memref<8x1x8x128xf32, #tpu.memory_space<hbm>>
    %dma_wait3A_453 = arith.constant 0 : i32
    %dma_wait3A_454 = arith.constant 0 : i32
    %dma_wait3A_455 = arith.constant 0 : i32
    %dma_wait3A_456 = tpu.memref_slice %arg4[%dma_wait3A_447, %dma_wait3A_453, %add3A, %dma_wait3A_454, %dma_wait3A_455] : memref<200x8x32x8x128xf32, #tpu.memory_space<hbm>> -> memref<1x8x1x8x128xf32, #tpu.memory_space<hbm>>
    %dma_wait3A_457 = tpu.memref_squeeze %dma_wait3A_456 : memref<1x8x1x8x128xf32, #tpu.memory_space<hbm>> -> memref<8x1x8x128xf32, #tpu.memory_space<hbm>>
    tpu.wait_dma2 semaphore(%arg15 : memref<!tpu.dma_semaphore, #tpu.memory_space<semaphore_mem>>) src(%arg12 : memref<8x1x8x128xf32, #tpu.memory_space<vmem>>) dst(%dma_wait3A_457 : memref<8x1x8x128xf32, #tpu.memory_space<hbm>>)
    %dma_wait3A_458 = arith.constant 0 : i32
    %dma_wait3A_459 = arith.constant 0 : i32
    %dma_wait3A_460 = arith.constant 0 : i32
    %dma_wait3A_461 = arith.constant 0 : i32
    %dma_wait3A_462 = tpu.memref_slice %arg4[%dma_wait3A_458, %dma_wait3A_459, %add3A, %dma_wait3A_460, %dma_wait3A_461] : memref<200x8x32x8x128xf32, #tpu.memory_space<hbm>> -> memref<1x8x1x8x128xf32, #tpu.memory_space<hbm>>
    %dma_wait3A_463 = tpu.memref_squeeze %dma_wait3A_462 : memref<1x8x1x8x128xf32, #tpu.memory_space<hbm>> -> memref<8x1x8x128xf32, #tpu.memory_space<hbm>>
    %dma_wait3A_464 = arith.constant 0 : i32
    %dma_wait3A_465 = arith.constant 0 : i32
    %dma_wait3A_466 = arith.constant 0 : i32
    %dma_wait3A_467 = tpu.memref_slice %arg4[%dma_wait3A_458, %dma_wait3A_464, %add3A, %dma_wait3A_465, %dma_wait3A_466] : memref<200x8x32x8x128xf32, #tpu.memory_space<hbm>> -> memref<1x8x1x8x128xf32, #tpu.memory_space<hbm>>
    %dma_wait3A_468 = tpu.memref_squeeze %dma_wait3A_467 : memref<1x8x1x8x128xf32, #tpu.memory_space<hbm>> -> memref<8x1x8x128xf32, #tpu.memory_space<hbm>>
    tpu.wait_dma2 semaphore(%arg15 : memref<!tpu.dma_semaphore, #tpu.memory_space<semaphore_mem>>) src(%arg13 : memref<8x1x8x128xf32, #tpu.memory_space<vmem>>) dst(%dma_wait3A_468 : memref<8x1x8x128xf32, #tpu.memory_space<hbm>>)
    return
  }
}

</mosaic_0001>

<sc_bundles>
// kernel: kernel.3.cloned.1.call-start
scs
__scs_entry_jumppad:
0x0: {  	(pc) =	sbr.rel $0x88, $3  }
0x1: {  	(tag) =	ssettag $0x0;
	lr =	simm.s32 $0x1  }
0x2: {  	[smem:$0x3F9F] =	sst lr;
	_ =	strace $0xD0000000  }
0x3: {  	_ = 	snop  }
0x4: {  	_ = 	snop  }
0x5: {  	_ = 	snop  }
0x6: {  	_ = 	snop  }
0x7: {  	_ = 	snop  }
__scs_overlays_trampoline_lowered:
0x8: {  	[smem:$0x3FAE] =	sst s0  }
0x9: {  	[smem:$0x3FAF] =	sst s1  }
0xa: {  	[smem:$0x3FB0] =	sst s2  }
0xb: {  	[smem:$0x3FB1] =	sst s3  }
0xc: {  	[smem:$0x3FB2] =	sst s4  }
0xd: {  	[smem:$0x3FB3] =	sst s5  }
0xe: {  	[smem:$0x3FB4] =	sst s6  }
0xf: {  	[smem:$0x3FB5] =	sst s7  }
0x10: {  	[smem:$0x3FB6] =	sst s8  }
0x11: {  	[smem:$0x3FB7] =	sst s9;
	s0 =	simm.s32 @!p0 $0x0  }
0x12: {  	s1 =	sld [smem:$0x3F9D];
	s0 =	simm.s32 @p0 $0x1  }
0x13: {  	[smem:$0x3FB8] =	sst s0;
	s0 =	simm.s32 @!p1 $0x0  }
0x14: {  	s2 =	sld [smem:$0x3F9C];
	s0 =	simm.s32 @p1 $0x1  }
0x15: {  	[smem:$0x3FB9] =	sst s0;
	s0 =	simm.s32 @!p2 $0x0  }
0x16: {  	s3 =	sld [smem:$0x3FDB];
	s0 =	simm.s32 @p2 $0x1  }
0x17: {  	s4 =	simm.s32 $0x1BF5;
	[smem:$0x3FBB] =	sst s0  }
0x18: {  	s0 =	sld [smem:$0x3F9E];
	_ =	swait.ge [sflag:s4], $0x0  }
0x19: {  	s7 =	sld [smem:$0x3F9F]  }
0x1a: {  	s8 =	sadd.s32 $0xFFFFE003, lr  }
0x1b: {  	s9 =	sadd.s32 $0xFFFFFEF7, lr;
	s5 =	simm.s32 $0xFFFFFFFF;
	p2 =	slt.u32 s8, $0xFFFFF086  }
0x1c: {  	p1 =	slt.u32 s9, $0xF7A;
	s5 =	simm.s32 @!p2 $0x0  }
0x1d: {  	s5 =	simm.s32 @p1 $0x1;
	p0 =	seq.s32 s7, s2  }
0x1e: {  	s7 =	smul.u32 @!p0 $0xF7A, s2;
	p2 =	seq.s32 @!p0 s5, $0x0  }
0x1f: {  	s9 =	smul.u32 $0xF7A, s1;
	s8 =	simm.s32 @!p0 $0x1BF5;
	p2 =	por !p2, p0  }
0x20: {  	[sflag:s8] =	ssyncset.s32 @!p0 $0xFFFFF086;
	s6 =	sadd.s32 @!p0 s3, s7;
	s7 =	simm.s32 @!p0 $0x108  }
0x21: {  	s3 =	sadd.s32 s3, s9;
	s6 =	sadd.s32 @!p0 $0x88, s6;
	s7 =	simm.s32 @p2 $0x1082  }
0x22: {  	[simem:s7], [sflag:s8] =	dma.local @!p0 [hbm:s6], $0xF7A  }
0x23: {  	s9 =	sor.u32 $0xD0000000, s2;
	s6 =	simm.s32 $0x108;
	_ =	swait.ge @!p0 [sflag:s8], $0x0  }
0x24: {  	s3 =	sadd.s32 $0x88, s3;
	s6 =	simm.s32 @!p1 $0x1082;
	[sflag:s4] =	ssyncset.s32 $0xFFFFF086  }
0x25: {  	[simem:s6], [sflag:s4] =	dma.local [hbm:s3], $0xF7A  }
0x26: {  	[smem:$0x3F9F] =	sst s1;
	(tag) =	ssettag s2;
	_ =	strace s9  }
0x27: {  	s1 =	sld [smem:$0x3FAF]  }
0x28: {  	s2 =	sld [smem:$0x3FB0]  }
0x29: {  	s4 =	sld [smem:$0x3FB2]  }
0x2a: {  	p0 =	seq.s32 s5, $0x0;
	s5 =	sld [smem:$0x3FB3]  }
0x2b: {  	s6 =	sld [smem:$0x3FB4]  }
0x2c: {  	s7 =	sld [smem:$0x3FB5]  }
0x2d: {  	s3 =	simm.s32 $0x108;
	s8 =	sld [smem:$0x3FB6]  }
0x2e: {  	s3 =	simm.s32 @!p0 $0x1082;
	s9 =	sld [smem:$0x3FB7]  }
0x2f: {  	lr =	sadd.s32 s0, s3;
	s0 =	sld [smem:$0x3FAE]  }
0x30: {  	s3 =	sld [smem:$0x3FB1]  }
0x31: {  	[smem:$0x3FBA] =	sst s10  }
0x32: {  	s10 =	sld [smem:$0x3FB8];
	_ =	sdelay $0x3  }
0x33: {  	p0 =	seq.s32 s10, $0x1;
	s10 =	sld [smem:$0x3FBA];
	_ =	sdelay $0x3  }
0x34: {  	[smem:$0x3FBA] =	sst s10  }
0x35: {  	s10 =	sld [smem:$0x3FB9];
	_ =	sdelay $0x3  }
0x36: {  	p1 =	seq.s32 s10, $0x1;
	s10 =	sld [smem:$0x3FBA];
	_ =	sdelay $0x3  }
0x37: {  	[smem:$0x3FBA] =	sst s10  }
0x38: {  	s10 =	sld [smem:$0x3FBB]  }
0x39: {  	_ = 	snop;
	(pc) =	sbr.ind lr, $3  }
0x3a: {  	_ = 	snop  }
0x3b: {  	_ = 	snop  }
0x3c: {  	p2 =	seq.s32 s10, $0x1;
	s10 =	sld [smem:$0x3FBA]  }
0x3d: {  	_ =	shalt  }
0x3e: {  	_ =	shalt  }
0x3f: {  	_ =	shalt  }
0x40: {  	_ =	shalt  }
0x41: {  	_ =	shalt  }
0x42: {  	_ =	shalt  }
0x43: {  	_ =	shalt  }
0x44: {  	_ =	shalt  }
0x45: {  	_ =	shalt  }
0x46: {  	_ =	shalt  }
0x47: {  	_ =	shalt  }
0x48: {  	_ =	shalt  }
0x49: {  	_ =	shalt  }
0x4a: {  	_ =	shalt  }
0x4b: {  	_ =	shalt  }
0x4c: {  	_ =	shalt  }
0x4d: {  	_ =	shalt  }
0x4e: {  	_ =	shalt  }
0x4f: {  	_ =	shalt  }
0x50: {  	_ =	shalt  }
0x51: {  	_ =	shalt  }
0x52: {  	_ =	shalt  }
0x53: {  	_ =	shalt  }
0x54: {  	_ =	shalt  }
0x55: {  	_ =	shalt  }
0x56: {  	_ =	shalt  }
0x57: {  	_ =	shalt  }
0x58: {  	_ =	shalt  }
0x59: {  	_ =	shalt  }
0x5a: {  	_ =	shalt  }
0x5b: {  	_ =	shalt  }
0x5c: {  	_ =	shalt  }
0x5d: {  	_ =	shalt  }
0x5e: {  	_ =	shalt  }
0x5f: {  	_ =	shalt  }
0x60: {  	_ =	shalt  }
0x61: {  	_ =	shalt  }
0x62: {  	_ =	shalt  }
0x63: {  	_ =	shalt  }
0x64: {  	_ =	shalt  }
0x65: {  	_ =	shalt  }
0x66: {  	_ =	shalt  }
0x67: {  	_ =	shalt  }
0x68: {  	_ =	shalt  }
0x69: {  	_ =	shalt  }
0x6a: {  	_ =	shalt  }
0x6b: {  	_ =	shalt  }
0x6c: {  	_ =	shalt  }
0x6d: {  	_ =	shalt  }
0x6e: {  	_ =	shalt  }
0x6f: {  	_ =	shalt  }
0x70: {  	_ =	shalt  }
0x71: {  	_ =	shalt  }
0x72: {  	_ =	shalt  }
0x73: {  	_ =	shalt  }
0x74: {  	_ =	shalt  }
0x75: {  	_ =	shalt  }
0x76: {  	_ =	shalt  }
0x77: {  	_ =	shalt  }
0x78: {  	_ =	shalt  }
0x79: {  	_ =	shalt  }
0x7a: {  	_ =	shalt  }
0x7b: {  	_ =	shalt  }
0x7c: {  	_ =	shalt  }
0x7d: {  	_ =	shalt  }
0x7e: {  	_ =	shalt  }
0x7f: {  	_ =	shalt  }
0x80: {  	_ =	shalt  }
0x81: {  	_ =	shalt  }
0x82: {  	_ =	shalt  }
0x83: {  	_ =	shalt  }
0x84: {  	_ =	shalt  }
0x85: {  	_ =	shalt  }
0x86: {  	_ =	shalt  }
0x87: {  	_ =	shalt  }
.Lfunc_end0:
.L_simem_size_0:
called_computation_lowered:
.L_overlay_start_0:
0x88: {  	s2 =	sld [smem:$0x3FD9]  }
0x89: {  	s3 =	sld [smem:$0x3FFE];
	_ =	sdelay $0x1  }
0x8a: {  	s1 =	srdreg.scid  }
0x8b: {  	s0 =	sand.u32 $0x1, s1  }
0x8c: {  	s17 =	sshll.u32 s0, $0xA;
	s2 =	sadd.s32 s3, s2  }
0x8d: {  	s2 =	sadd.s32 s2, s17  }
0x8e: {  	[smem:$0x3FC6] =	sst s2  }
0x8f: {  	_ = 	snop  }
0x90: {  	s2 =	sld [smem:$0x3FC9]  }
0x91: {  	s18 =	sld [smem:$0x3FD0];
	(tm) =	ssettm $0x1  }
0x92: {  	s4 =	sld [smem:$0x3FFB];
	_ =	sdelay $0x3  }
0x93: {  	_ =	strace s4  }
0x94: {  	s4 =	sld [smem:$0x3FFC];
	_ =	sdelay $0x3  }
0x95: {  	_ =	strace s4  }
0x96: {  	s4 =	sld [smem:$0x3FFD];
	_ =	sdelay $0x3  }
0x97: {  	_ =	strace s4  }
0x98: {  	_ =	strace $0x8FFFFFFF  }
0x99: {  	s19 =	sld [smem:$0x3FDB];
	_ =	sdelay $0x1  }
0x9a: {  	s5 =	simm.s32 $_scs_section_size  }
0x9b: {  	s6 =	simm.s32 $_size__tile_overlayer_lowered;
	s7 =	simm.s32 $_tile_overlayer_lowered  }
0x9c: {  	s22 =	simm.s32 $0x1BFF;
	s21 =	sshll.u32 s7, $0x1;
	s4 =	sadd.s32 s5, s19  }
0x9d: {  	s8 =	simm.s32 $0x0;
	s20 =	sshll.u32 s6, $0x1;
	s6 =	sadd.s32 s21, s4  }
0x9e: {  	[timem:s8], [sflag:s22] =	dma.local [hbm:s6], s20  }
0x9f: {  	_ =	swait.ge [sflag:s22], s20  }
0xa0: {  	s5 =	ssub.s32 $0x0, s20;
	[sflag:s22] =	ssyncset.done $0x0  }
0xa1: {  	[sflag:s22] =	ssyncadd.s32 s5;
	_ =	sdelay $0x1  }
0xa2: {  	s23 =	simm.s32 $0x1B8B  }
0xa3: {  	_ =	swait.ge [sflag:s23], $0x1  }
0xa4: {  	[sflag:s23] =	ssyncset.done $0x0  }
0xa5: {  	s25 =	simm.s32 $0x1B8E;
	s24 =	sld [smem:$0x3FFE];
	[sflag:s23] =	ssyncadd.s32 $0xFFFFFFFF  }
0xa6: {  	s26 =	simm.s32 $execute0_lowered;
	[smem:$0x3FD2] =	sst s25  }
0xa7: {  	s6 =	sshll.u32 s26, $0x1;
	_ =	strace $0x80000046;
	[dreg:$0x1] =	wrdreg $0xFFFFFFFF  }
0xa8: {  	s28 =	simm.s32 $_size_execute0_lowered;
	s4 =	sadd.s32 s4, s6;
	[dreg:$0x0] =	wrdreg $0x0  }
0xa9: {  	s6 =	sshll.u32 s28, $0x1;
	[dreg:$0x2] =	wrdreg s4  }
0xaa: {  	[dreg:$0x3] =	wrdreg s6  }
0xab: {  	[dreg:$0x4] =	wrdreg $0xC0  }
0xac: {  	_ =	task [dreg:s8], $0x5FFFF  }
0xad: {  	[dreg:$0x1] =	wrdreg $0xFFFFFFFF  }
0xae: {  	[dreg:$0x0] =	wrdreg $0x60  }
0xaf: {  	[dreg:$0x2] =	wrdreg s2  }
0xb0: {  	[dreg:$0x3] =	wrdreg s24  }
0xb1: {  	[dreg:$0x4] =	wrdreg s18  }
0xb2: {  	[dreg:$0x5] =	wrdreg $0x9  }
0xb3: {  	_ =	task.clear_ibuf [dreg:s8], $0x6FFFF;
	_ =	strace $0x90000046  }
0xb4: {  	s29 =	simm.s32 $0x9;
	_ =	strace $0x80000048  }
0xb5: {  	_ =	swait.ge [sflag:s29], $0x1  }
0xb6: {  	[sflag:s29] =	ssyncadd.s32 $0xFFFFFFFF  }
0xb7: {  	_ =	strace $0x90000048  }
0xb8: {  	_ =	sfence  }
0xb9: {  	s30 =	sld [smem:$0x0];
	_ =	sdelay $0x2  }
0xba: {  	s31 =	sshll.u32 s1, $0xD;
	s1 =	sshrl.u32 s1, $0x2  }
0xbb: {  	s3 =	sand.u32 $0x4000, s31;
	s1 =	sadd.s32 s1, s30  }
0xbc: {  	s0 =	sor.u32 s3, s0;
	s1 =	sshll.u32 s1, $0x11  }
0xbd: {  	s0 =	sor.u32 s1, s0  }
0xbe: {  	s0 =	sadd.s32 $0x8F2B, s0  }
0xbf: {  	[sflag:s0] =	ssyncadd.remote.s32 $0x1  }
0xc0: {  	_ =	sfence.sel $0xFFFF  }
0xc1: {  	[dreg:$0x0] =	wrdreg $0xFFFFFFFF;
	(pc) =	sbr.abs _section_cstart, $3  }
0xc2: {  	[dreg:$0x1] =	wrdreg $0xFFFFFFFF  }
0xc3: {  	_ =	task.clear_ibuf [dreg:s8], $0x2FFFF;
	_ =	strace $0x9FFFFFFF  }
0xc4: {  	(tm) =	ssettm $0x7FFFFFFF  }
0xc5: {  	_ =	shalt  }
tec
execute0_lowered:
.L_overlay_start_1:
0x0: {  	(tag) =	ssettag $0x1  }
0x1: {  	v0 =	vimm.s32 $0xC4834201  }
0x2: {  	vm11 =	vcmask $0xF00;
	vm10 =	vcmask $0x1310;
	vm9 =	vcmask $0x1714  }
0x3: {  	vm8 =	vcmask $0x1B18;
	vm7 =	vcmask $0x1F1C;
	v1 =	vimm.s32 $0xC5844302  }
0x4: {  	vm6 =	vcmask $0x2320;
	v16 =	vlaneseq.u32;
	vm5 =	vcmask $0x2724  }
0x5: {  	vm2 =	vcmask $0x2B28;
	vm0 =	vcmask $0x2F2C;
	vm1 =	vcmask $0x3330  }
0x6: {  	vm3 =	vcmask $0x3734;
	vm4 =	vcmask $0x3B38;
	v4 =	vimm.s32 $0xC7864504  }
0x7: {  	v6 =	vimm.s32 $0xC9884706;
	v7 =	vimm.s32 $0xCA894807;
	v8 =	vimm.s32 $0xCB8A4908  }
0x8: {  	v9 =	vimm.s32 $0xCC8B4A09;
	v10 =	vimm.s32 $0xCD8C4B0A;
	v11 =	vimm.s32 $0xCE8D4C0B  }
0x9: {  	v12 =	vimm.s32 $0xCF8E4D0C;
	v13 =	vimm.s32 $0xC08F4E0D;
	v14 =	vimm.s32 $0xC1804F0E  }
0xa: {  	v15 =	vimm.s32 $0xC281400F;
	v17 =	vimm.s32 $0xF;
	vm14 =	vcmask $0x300  }
0xb: {  	vm13 =	vcmask $0x704;
	v18 =	vimm.s32 $0x8F;
	v19 =	vimm.s32 $0x10F  }
0xc: {  	vm12 =	vcmask $0xF0C;
	v20 =	vimm.s32 $0x18F;
	v21 =	vimm.s32 $0x20F  }
0xd: {  	v22 =	vimm.s32 $0x28F;
	v23 =	vimm.s32 $0x30F;
	v24 =	vimm.s32 $0x38F  }
0xe: {  	v25 =	vimm.s32 $0x40F;
	v26 =	vimm.s32 $0x48F;
	v27 =	vimm.s32 $0x50F  }
0xf: {  	v28 =	vimm.s32 $0x58F;
	v29 =	vimm.s32 $0x60F;
	v30 =	vimm.s32 $0x68F  }
0x10: {  	v31 =	vimm.s32 $0x70F;
	v0 =	vunpack.c.0.s8.s32 v0;
	v1 =	vunpack.c.0.s8.s32 v1  }
0x11: {  	v4 =	vunpack.c.0.s8.s32 v4;
	v6 =	vunpack.c.0.s8.s32 v6;
	v7 =	vunpack.c.0.s8.s32 v7  }
0x12: {  	v8 =	vunpack.c.0.s8.s32 v8;
	v9 =	vunpack.c.0.s8.s32 v9;
	v10 =	vunpack.c.0.s8.s32 v10  }
0x13: {  	v11 =	vunpack.c.0.s8.s32 v11;
	v12 =	vunpack.c.0.s8.s32 v12;
	v13 =	vunpack.c.0.s8.s32 v13  }
0x14: {  	v14 =	vunpack.c.0.s8.s32 v14;
	v15 =	vunpack.c.0.s8.s32 v15;
	v17 =	vsel vm14, $0x80, v17  }
0x15: {  	v18 =	vsel vm14, $0x100, v18;
	v19 =	vsel vm14, $0x180, v19;
	v20 =	vsel vm14, $0x200, v20  }
0x16: {  	v21 =	vsel vm14, $0x280, v21;
	v22 =	vsel vm14, $0x300, v22;
	v23 =	vsel vm14, $0x380, v23  }
0x17: {  	v24 =	vsel vm14, $0x400, v24;
	v25 =	vsel vm14, $0x480, v25;
	v26 =	vsel vm14, $0x500, v26  }
0x18: {  	v27 =	vsel vm14, $0x580, v27;
	v28 =	vsel vm14, $0x600, v28;
	v29 =	vsel vm14, $0x680, v29  }
0x19: {  	v30 =	vsel vm14, $0x700, v30;
	v31 =	vsel vm14, $0x780, v31;
	v17 =	vsel vm13, $0x101, v17  }
0x1a: {  	v18 =	vsel vm13, $0x181, v18;
	v19 =	vsel vm13, $0x201, v19;
	v20 =	vsel vm13, $0x281, v20  }
0x1b: {  	v21 =	vsel vm13, $0x301, v21;
	v22 =	vsel vm13, $0x381, v22;
	v23 =	vsel vm13, $0x401, v23  }
0x1c: {  	v24 =	vsel vm13, $0x481, v24;
	v25 =	vsel vm13, $0x501, v25;
	v26 =	vsel vm13, $0x581, v26  }
0x1d: {  	v27 =	vsel vm13, $0x601, v27;
	v28 =	vsel vm13, $0x681, v28;
	v29 =	vsel vm13, $0x701, v29  }
0x1e: {  	v30 =	vsel vm13, $0x781, v30;
	v31 =	vsel vm13, $0x1, v31;
	v0 =	vand.u32 $0xFF, v0  }
0x1f: {  	v1 =	vand.u32 $0xFF, v1;
	v4 =	vand.u32 $0xFF, v4;
	v6 =	vand.u32 $0xFF, v6  }
0x20: {  	v7 =	vand.u32 $0xFF, v7;
	v8 =	vand.u32 $0xFF, v8;
	v9 =	vand.u32 $0xFF, v9  }
0x21: {  	v10 =	vand.u32 $0xFF, v10;
	v11 =	vand.u32 $0xFF, v11;
	v12 =	vand.u32 $0xFF, v12  }
0x22: {  	v13 =	vand.u32 $0xFF, v13;
	v14 =	vand.u32 $0xFF, v14;
	v15 =	vand.u32 $0xFF, v15  }
0x23: {  	v0 =	vnsel vm11, $0x3C0, v0;
	v4 =	vnsel vm11, $0x3C3, v4;
	v6 =	vnsel vm11, $0x3C5, v6  }
0x24: {  	v7 =	vnsel vm11, $0x3C6, v7;
	v8 =	vnsel vm11, $0x3C7, v8;
	v9 =	vnsel vm11, $0x3C8, v9  }
0x25: {  	v10 =	vnsel vm11, $0x3C9, v10;
	v11 =	vnsel vm11, $0x3CA, v11;
	v12 =	vnsel vm11, $0x3CB, v12  }
0x26: {  	v13 =	vnsel vm11, $0x3CC, v13;
	v14 =	vnsel vm11, $0x3CD, v14;
	v15 =	vnsel vm11, $0x3CE, v15  }
0x27: {  	v0 =	vsel vm10, $0x105, v0;
	v4 =	vsel vm10, $0x108, v4;
	v6 =	vsel vm10, $0x10A, v6  }
0x28: {  	v7 =	vsel vm10, $0x10B, v7;
	v8 =	vsel vm10, $0x10C, v8;
	v9 =	vsel vm10, $0x10D, v9  }
0x29: {  	v10 =	vsel vm10, $0x10E, v10;
	v11 =	vsel vm10, $0x10F, v11;
	v12 =	vsel vm10, $0x100, v12  }
0x2a: {  	v13 =	vsel vm10, $0x101, v13;
	v14 =	vsel vm10, $0x102, v14;
	v15 =	vsel vm10, $0x103, v15  }
0x2b: {  	v0 =	vsel vm9, $0x146, v0;
	v4 =	vsel vm9, $0x149, v4;
	v6 =	vsel vm9, $0x14B, v6  }
0x2c: {  	v7 =	vsel vm9, $0x14C, v7;
	v8 =	vsel vm9, $0x14D, v8;
	v9 =	vsel vm9, $0x14E, v9  }
0x2d: {  	v10 =	vsel vm9, $0x14F, v10;
	v11 =	vsel vm9, $0x140, v11;
	v12 =	vsel vm9, $0x141, v12  }
0x2e: {  	v13 =	vsel vm9, $0x142, v13;
	v14 =	vsel vm9, $0x143, v14;
	v15 =	vsel vm9, $0x144, v15  }
0x2f: {  	v0 =	vsel vm8, $0x187, v0;
	v4 =	vsel vm8, $0x18A, v4;
	v6 =	vsel vm8, $0x18C, v6  }
0x30: {  	v7 =	vsel vm8, $0x18D, v7;
	v8 =	vsel vm8, $0x18E, v8;
	v9 =	vsel vm8, $0x18F, v9  }
0x31: {  	v10 =	vsel vm8, $0x180, v10;
	v11 =	vsel vm8, $0x181, v11;
	v12 =	vsel vm8, $0x182, v12  }
0x32: {  	v13 =	vsel vm8, $0x183, v13;
	v14 =	vsel vm8, $0x184, v14;
	v15 =	vsel vm8, $0x185, v15  }
0x33: {  	v0 =	vsel vm7, $0x1C8, v0;
	v4 =	vsel vm7, $0x1CB, v4;
	v6 =	vsel vm7, $0x1CD, v6  }
0x34: {  	v7 =	vsel vm7, $0x1CE, v7;
	v8 =	vsel vm7, $0x1CF, v8;
	v9 =	vsel vm7, $0x1C0, v9  }
0x35: {  	v10 =	vsel vm7, $0x1C1, v10;
	v11 =	vsel vm7, $0x1C2, v11;
	v12 =	vsel vm7, $0x1C3, v12  }
0x36: {  	v13 =	vsel vm7, $0x1C4, v13;
	v14 =	vsel vm7, $0x1C5, v14;
	v15 =	vsel vm7, $0x1C6, v15  }
0x37: {  	v0 =	vsel vm6, $0x209, v0;
	v4 =	vsel vm6, $0x20C, v4;
	v6 =	vsel vm6, $0x20E, v6  }
0x38: {  	v7 =	vsel vm6, $0x20F, v7;
	v8 =	vsel vm6, $0x200, v8;
	v9 =	vsel vm6, $0x201, v9  }
0x39: {  	v10 =	vsel vm6, $0x202, v10;
	v11 =	vsel vm6, $0x203, v11;
	v12 =	vsel vm6, $0x204, v12  }
0x3a: {  	v13 =	vsel vm6, $0x205, v13;
	v14 =	vsel vm6, $0x206, v14;
	v15 =	vsel vm6, $0x207, v15  }
0x3b: {  	v0 =	vsel vm5, $0x24A, v0;
	v4 =	vsel vm5, $0x24D, v4;
	v6 =	vsel vm5, $0x24F, v6  }
0x3c: {  	v7 =	vsel vm5, $0x240, v7;
	v8 =	vsel vm5, $0x241, v8;
	v9 =	vsel vm5, $0x242, v9  }
0x3d: {  	v10 =	vsel vm5, $0x243, v10;
	v11 =	vsel vm5, $0x244, v11;
	v12 =	vsel vm5, $0x245, v12  }
0x3e: {  	v13 =	vsel vm5, $0x246, v13;
	v14 =	vsel vm5, $0x247, v14;
	v15 =	vsel vm5, $0x248, v15  }
0x3f: {  	v2 =	vsel vm2, $0x28B, v0;
	v0 =	vnsel vm11, $0x3C1, v1;
	v1 =	vimm.s32 $0xC6854403  }
0x40: {  	v4 =	vsel vm2, $0x28E, v4;
	v6 =	vsel vm2, $0x280, v6;
	v7 =	vsel vm2, $0x281, v7  }
0x41: {  	v8 =	vsel vm2, $0x282, v8;
	v9 =	vsel vm2, $0x283, v9;
	v10 =	vsel vm2, $0x284, v10  }
0x42: {  	v11 =	vsel vm2, $0x285, v11;
	v12 =	vsel vm2, $0x286, v12;
	v13 =	vsel vm2, $0x287, v13  }
0x43: {  	v14 =	vsel vm2, $0x288, v14;
	v15 =	vsel vm2, $0x289, v15;
	v3 =	vsel vm10, $0x106, v0  }
0x44: {  	v1 =	vunpack.c.0.s8.s32 v1;
	v0 =	vmul.u32 $0x41, v16;
	v2 =	vsel vm0, $0x2CC, v2  }
0x45: {  	v4 =	vsel vm0, $0x2CF, v4;
	v6 =	vsel vm0, $0x2C1, v6;
	v7 =	vsel vm0, $0x2C2, v7  }
0x46: {  	v8 =	vsel vm0, $0x2C3, v8;
	v9 =	vsel vm0, $0x2C4, v9;
	v10 =	vsel vm0, $0x2C5, v10  }
0x47: {  	v11 =	vsel vm0, $0x2C6, v11;
	v12 =	vsel vm0, $0x2C7, v12;
	v13 =	vsel vm0, $0x2C8, v13  }
0x48: {  	v14 =	vsel vm0, $0x2C9, v14;
	v15 =	vsel vm0, $0x2CA, v15;
	v16 =	vmul.u32 $0x81, v16  }
0x49: {  	v3 =	vsel vm9, $0x147, v3;
	v2 =	vsel vm1, $0x30D, v2;
	v4 =	vsel vm1, $0x300, v4  }
0x4a: {  	v6 =	vsel vm1, $0x302, v6;
	v7 =	vsel vm1, $0x303, v7;
	v8 =	vsel vm1, $0x304, v8  }
0x4b: {  	v9 =	vsel vm1, $0x305, v9;
	v10 =	vsel vm1, $0x306, v10;
	v11 =	vsel vm1, $0x307, v11  }
0x4c: {  	v12 =	vsel vm1, $0x308, v12;
	v13 =	vsel vm1, $0x309, v13;
	v14 =	vsel vm1, $0x30A, v14  }
0x4d: {  	v15 =	vsel vm1, $0x30B, v15;
	v3 =	vsel vm8, $0x188, v3;
	v1 =	vand.u32 $0xFF, v1  }
0x4e: {  	v2 =	vsel vm3, $0x34E, v2;
	v4 =	vsel vm3, $0x341, v4;
	v6 =	vsel vm3, $0x343, v6  }
0x4f: {  	v7 =	vsel vm3, $0x344, v7;
	v8 =	vsel vm3, $0x345, v8;
	v9 =	vsel vm3, $0x346, v9  }
0x50: {  	v10 =	vsel vm3, $0x347, v10;
	v11 =	vsel vm3, $0x348, v11;
	v12 =	vsel vm3, $0x349, v12  }
0x51: {  	v13 =	vsel vm3, $0x34A, v13;
	v14 =	vsel vm3, $0x34B, v14;
	v15 =	vsel vm3, $0x34C, v15  }
0x52: {  	v3 =	vsel vm7, $0x1C9, v3;
	v1 =	vnsel vm11, $0x3C2, v1;
	v4 =	vsel vm4, $0x382, v4  }
0x53: {  	v6 =	vsel vm4, $0x384, v6;
	v7 =	vsel vm4, $0x385, v7;
	v8 =	vsel vm4, $0x386, v8  }
0x54: {  	v9 =	vsel vm4, $0x387, v9;
	v3 =	vsel vm6, $0x20A, v3;
	v1 =	vsel vm10, $0x107, v1  }
0x55: {  	v10 =	vsel vm4, $0x388, v10;
	v3 =	vsel vm5, $0x24B, v3;
	v1 =	vsel vm9, $0x148, v1  }
0x56: {  	v11 =	vsel vm4, $0x389, v11;
	v3 =	vsel vm2, $0x28C, v3;
	v1 =	vsel vm8, $0x189, v1  }
0x57: {  	v12 =	vsel vm4, $0x38A, v12;
	v3 =	vsel vm0, $0x2CD, v3;
	v1 =	vsel vm7, $0x1CA, v1  }
0x58: {  	v3 =	vsel vm1, $0x30E, v3;
	v5 =	vsel vm6, $0x20B, v1;
	v1 =	vsel vm4, $0x38F, v2  }
0x59: {  	v2 =	vsel vm3, $0x34F, v3;
	v3 =	vsel vm5, $0x24C, v5;
	v5 =	vimm.s32 $0xC8874605  }
0x5a: {  	v13 =	vsel vm4, $0x38B, v13;
	v3 =	vsel vm2, $0x28D, v3;
	v5 =	vunpack.c.0.s8.s32 v5  }
0x5b: {  	v14 =	vsel vm4, $0x38C, v14;
	v15 =	vsel vm4, $0x38D, v15;
	v3 =	vsel vm0, $0x2CE, v3  }
0x5c: {  	v2 =	vsel vm4, $0x380, v2;
	v3 =	vsel vm1, $0x30F, v3;
	v5 =	vand.u32 $0xFF, v5  }
0x5d: {  	v3 =	vsel vm3, $0x340, v3;
	v5 =	vnsel vm11, $0x3C4, v5;
	vm11 =	vcmask $0xB08  }
0x5e: {  	v3 =	vsel vm4, $0x381, v3;
	v5 =	vsel vm10, $0x109, v5;
	v17 =	vsel vm11, $0x182, v17  }
0x5f: {  	v18 =	vsel vm11, $0x202, v18;
	v19 =	vsel vm11, $0x282, v19;
	v20 =	vsel vm11, $0x302, v20  }
0x60: {  	v21 =	vsel vm11, $0x382, v21;
	v22 =	vsel vm11, $0x402, v22;
	v23 =	vsel vm11, $0x482, v23  }
0x61: {  	v24 =	vsel vm11, $0x502, v24;
	v25 =	vsel vm11, $0x582, v25;
	v26 =	vsel vm11, $0x602, v26  }
0x62: {  	v27 =	vsel vm11, $0x682, v27;
	v28 =	vsel vm11, $0x702, v28;
	v29 =	vsel vm11, $0x782, v29  }
0x63: {  	v30 =	vsel vm11, $0x2, v30;
	v31 =	vsel vm11, $0x82, v31;
	v5 =	vsel vm9, $0x14A, v5  }
0x64: {  	v17 =	vsel vm12, $0x203, v17;
	v18 =	vsel vm12, $0x283, v18;
	v19 =	vsel vm12, $0x303, v19  }
0x65: {  	v20 =	vsel vm12, $0x383, v20;
	v21 =	vsel vm12, $0x403, v21;
	v22 =	vsel vm12, $0x483, v22  }
0x66: {  	v23 =	vsel vm12, $0x503, v23;
	v24 =	vsel vm12, $0x583, v24;
	v25 =	vsel vm12, $0x603, v25  }
0x67: {  	v26 =	vsel vm12, $0x683, v26;
	v27 =	vsel vm12, $0x703, v27;
	v28 =	vsel vm12, $0x783, v28  }
0x68: {  	v29 =	vsel vm12, $0x3, v29;
	v30 =	vsel vm12, $0x83, v30;
	v31 =	vsel vm12, $0x103, v31  }
0x69: {  	v5 =	vsel vm8, $0x18B, v5;
	v17 =	vsel vm10, $0x284, v17;
	v18 =	vsel vm10, $0x304, v18  }
0x6a: {  	v19 =	vsel vm10, $0x384, v19;
	v20 =	vsel vm10, $0x404, v20;
	v21 =	vsel vm10, $0x484, v21  }
0x6b: {  	v22 =	vsel vm10, $0x504, v22;
	v23 =	vsel vm10, $0x584, v23;
	v24 =	vsel vm10, $0x604, v24  }
0x6c: {  	v25 =	vsel vm10, $0x684, v25;
	v26 =	vsel vm10, $0x704, v26;
	v27 =	vsel vm10, $0x784, v27  }
0x6d: {  	v28 =	vsel vm10, $0x4, v28;
	v29 =	vsel vm10, $0x84, v29;
	v30 =	vsel vm10, $0x104, v30  }
0x6e: {  	v31 =	vsel vm10, $0x184, v31;
	v5 =	vsel vm7, $0x1CC, v5;
	v17 =	vsel vm9, $0x305, v17  }
0x6f: {  	v18 =	vsel vm9, $0x385, v18;
	v19 =	vsel vm9, $0x405, v19;
	v20 =	vsel vm9, $0x485, v20  }
0x70: {  	v21 =	vsel vm9, $0x505, v21;
	v22 =	vsel vm9, $0x585, v22;
	v23 =	vsel vm9, $0x605, v23  }
0x71: {  	v24 =	vsel vm9, $0x685, v24;
	v25 =	vsel vm9, $0x705, v25;
	v26 =	vsel vm9, $0x785, v26  }
0x72: {  	v27 =	vsel vm9, $0x5, v27;
	v28 =	vsel vm9, $0x85, v28;
	v29 =	vsel vm9, $0x105, v29  }
0x73: {  	v30 =	vsel vm9, $0x185, v30;
	v31 =	vsel vm9, $0x205, v31;
	v5 =	vsel vm6, $0x20D, v5  }
0x74: {  	v17 =	vsel vm8, $0x386, v17;
	v18 =	vsel vm8, $0x406, v18;
	v19 =	vsel vm8, $0x486, v19  }
0x75: {  	v20 =	vsel vm8, $0x506, v20;
	v21 =	vsel vm8, $0x586, v21;
	v22 =	vsel vm8, $0x606, v22  }
0x76: {  	v23 =	vsel vm8, $0x686, v23;
	v24 =	vsel vm8, $0x706, v24;
	v25 =	vsel vm8, $0x786, v25  }
0x77: {  	v26 =	vsel vm8, $0x6, v26;
	v27 =	vsel vm8, $0x86, v27;
	v28 =	vsel vm8, $0x106, v28  }
0x78: {  	v29 =	vsel vm8, $0x186, v29;
	v30 =	vsel vm8, $0x206, v30;
	v31 =	vsel vm8, $0x286, v31  }
0x79: {  	v5 =	vsel vm5, $0x24E, v5;
	v17 =	vsel vm7, $0x407, v17;
	v18 =	vsel vm7, $0x487, v18  }
0x7a: {  	v19 =	vsel vm7, $0x507, v19;
	v20 =	vsel vm7, $0x587, v20;
	v21 =	vsel vm7, $0x607, v21  }
0x7b: {  	v22 =	vsel vm7, $0x687, v22;
	v23 =	vsel vm7, $0x707, v23;
	v24 =	vsel vm7, $0x787, v24  }
0x7c: {  	v25 =	vsel vm7, $0x7, v25;
	v26 =	vsel vm7, $0x87, v26;
	v27 =	vsel vm7, $0x107, v27  }
0x7d: {  	v28 =	vsel vm7, $0x187, v28;
	v29 =	vsel vm7, $0x207, v29;
	v30 =	vsel vm7, $0x287, v30  }
0x7e: {  	v31 =	vsel vm7, $0x307, v31;
	v5 =	vsel vm2, $0x28F, v5;
	v17 =	vsel vm6, $0x488, v17  }
0x7f: {  	v18 =	vsel vm6, $0x508, v18;
	v19 =	vsel vm6, $0x588, v19;
	v20 =	vsel vm6, $0x608, v20  }
0x80: {  	v21 =	vsel vm6, $0x688, v21;
	v22 =	vsel vm6, $0x708, v22;
	v23 =	vsel vm6, $0x788, v23  }
0x81: {  	v24 =	vsel vm6, $0x8, v24;
	v25 =	vsel vm6, $0x88, v25;
	v26 =	vsel vm6, $0x108, v26  }
0x82: {  	v27 =	vsel vm6, $0x188, v27;
	v28 =	vsel vm6, $0x208, v28;
	v29 =	vsel vm6, $0x288, v29  }
0x83: {  	v30 =	vsel vm6, $0x308, v30;
	v31 =	vsel vm6, $0x388, v31;
	v5 =	vsel vm0, $0x2C0, v5  }
0x84: {  	v17 =	vsel vm5, $0x509, v17;
	v18 =	vsel vm5, $0x589, v18;
	v19 =	vsel vm5, $0x609, v19  }
0x85: {  	v20 =	vsel vm5, $0x689, v20;
	v21 =	vsel vm5, $0x709, v21;
	v22 =	vsel vm5, $0x789, v22  }
0x86: {  	v23 =	vsel vm5, $0x9, v23;
	v24 =	vsel vm5, $0x89, v24;
	v25 =	vsel vm5, $0x109, v25  }
0x87: {  	v26 =	vsel vm5, $0x189, v26;
	v27 =	vsel vm5, $0x209, v27;
	v28 =	vsel vm5, $0x289, v28  }
0x88: {  	v29 =	vsel vm5, $0x309, v29;
	v30 =	vsel vm5, $0x389, v30;
	v31 =	vsel vm5, $0x409, v31  }
0x89: {  	v5 =	vsel vm1, $0x301, v5;
	v17 =	vsel vm2, $0x58A, v17;
	v18 =	vsel vm2, $0x60A, v18  }
0x8a: {  	v19 =	vsel vm2, $0x68A, v19;
	v20 =	vsel vm2, $0x70A, v20;
	v21 =	vsel vm2, $0x78A, v21  }
0x8b: {  	v22 =	vsel vm2, $0xA, v22;
	v23 =	vsel vm2, $0x8A, v23;
	v24 =	vsel vm2, $0x10A, v24  }
0x8c: {  	v25 =	vsel vm2, $0x18A, v25;
	v26 =	vsel vm2, $0x20A, v26;
	v27 =	vsel vm2, $0x28A, v27  }
0x8d: {  	v28 =	vsel vm2, $0x30A, v28;
	v29 =	vsel vm2, $0x38A, v29;
	v30 =	vsel vm2, $0x40A, v30  }
0x8e: {  	v31 =	vsel vm2, $0x48A, v31;
	v5 =	vsel vm3, $0x342, v5;
	v17 =	vsel vm0, $0x60B, v17  }
0x8f: {  	v18 =	vsel vm0, $0x68B, v18;
	v19 =	vsel vm0, $0x70B, v19;
	v20 =	vsel vm0, $0x78B, v20  }
0x90: {  	v21 =	vsel vm0, $0xB, v21;
	v22 =	vsel vm0, $0x8B, v22;
	v23 =	vsel vm0, $0x10B, v23  }
0x91: {  	v24 =	vsel vm0, $0x18B, v24;
	v25 =	vsel vm0, $0x20B, v25;
	v26 =	vsel vm0, $0x28B, v26  }
0x92: {  	v27 =	vsel vm0, $0x30B, v27;
	v28 =	vsel vm0, $0x38B, v28;
	v29 =	vsel vm0, $0x40B, v29  }
0x93: {  	v30 =	vsel vm0, $0x48B, v30;
	v31 =	vsel vm0, $0x50B, v31;
	v5 =	vsel vm4, $0x383, v5  }
0x94: {  	s0 =	rddreg [dreg:$0x0];
	v17 =	vsel vm1, $0x68C, v17;
	v18 =	vsel vm1, $0x70C, v18;
	v19 =	vsel vm1, $0x78C, v19  }
0x95: {  	s2 =	rddreg [dreg:$0x1];
	v20 =	vsel vm1, $0xC, v20;
	v21 =	vsel vm1, $0x8C, v21;
	v22 =	vsel vm1, $0x10C, v22  }
0x96: {  	s1 =	rddreg [dreg:$0x2];
	v23 =	vsel vm1, $0x18C, v23;
	v24 =	vsel vm1, $0x20C, v24;
	v25 =	vsel vm1, $0x28C, v25  }
0x97: {  	s3 =	srdreg.scid;
	s5 =	stileid.u32;
	s29 =	simm.s32 $0x0;
	v26 =	vsel vm1, $0x30C, v26;
	v27 =	vsel vm1, $0x38C, v27;
	v28 =	vsel vm1, $0x40C, v28  }
0x98: {  	s11 =	simm.s32 $0x400;
	s12 =	simm.s32 $0x8000;
	s13 =	simm.s32 $0x3;
	v29 =	vsel vm1, $0x48C, v29;
	v30 =	vsel vm1, $0x50C, v30;
	v31 =	vsel vm1, $0x58C, v31  }
0x99: {  	s14 =	simm.s32 $0x80;
	s15 =	simm.s32 $0x6400;
	s16 =	simm.s32 $0x8400;
	v17 =	vsel vm3, $0x70D, v17;
	v18 =	vsel vm3, $0x78D, v18;
	v19 =	vsel vm3, $0xD, v19  }
0x9a: {  	s18 =	simm.s32 $0xA400;
	s20 =	simm.s32 $0xC400;
	s21 =	simm.s32 $0x1;
	v20 =	vsel vm3, $0x8D, v20;
	v21 =	vsel vm3, $0x10D, v21;
	v22 =	vsel vm3, $0x18D, v22  }
0x9b: {  	s22 =	simm.s32 $0xE400;
	s23 =	simm.s32 $0x2;
	s24 =	simm.s32 $0x10400;
	v23 =	vsel vm3, $0x20D, v23;
	v24 =	vsel vm3, $0x28D, v24;
	v25 =	vsel vm3, $0x30D, v25  }
0x9c: {  	s25 =	simm.s32 $0x12400;
	s26 =	simm.s32 $0x14400;
	s28 =	simm.s32 $0x0;
	v26 =	vsel vm3, $0x38D, v26;
	v27 =	vsel vm3, $0x40D, v27;
	v28 =	vsel vm3, $0x48D, v28  }
0x9d: {  	s4 =	sand.u32 $0x1, s3;
	s5 =	sshll.u32 s5, $0xB;
	[smem:$0x7FF] =	sst s29;
	v29 =	vsel vm3, $0x50D, v29;
	v30 =	vsel vm3, $0x58D, v30;
	v31 =	vsel vm3, $0x60D, v31  }
.Ltmp0:
0x9e: {  	s9 =	sadd.s32 $0x18000, s1;
	s6 =	sshll.u32 s4, $0xA;
	v17 =	vsel vm4, $0x78E, v17;
	v18 =	vsel vm4, $0xE, v18;
	v19 =	vsel vm4, $0x8E, v19;
	(pc) =	sbr.rel .LBB2_1-.Ltmp0, $4  }
0x9f: {  	s7 =	ssub.s32 $0x2, s4;
	_ =	strace $0x80000047;
	s4 =	sor.u32 s6, s5;
	v20 =	vsel vm4, $0x10E, v20;
	v21 =	vsel vm4, $0x18E, v21;
	v22 =	vsel vm4, $0x20E, v22  }
0xa0: {  	s30 =	sshrl.u32 s7, $0x1;
	s5 =	sadd.s32 $0xF42800, s2;
	s8 =	sshrl.u32 s4, $0x3;
	v23 =	vsel vm4, $0x28E, v23;
	v24 =	vsel vm4, $0x30E, v24;
	v25 =	vsel vm4, $0x38E, v25  }
0xa1: {  	s31 =	ssub.s32 s7, s30;
	s7 =	sadd.s32 $0x8000, s1;
	s0 =	sadd.s32 s0, s8;
	v26 =	vsel vm4, $0x40E, v26;
	v27 =	vsel vm4, $0x48E, v27;
	v28 =	vsel vm4, $0x50E, v28  }
0xa2: {  	s8 =	sadd.s32 $0x10000, s1;
	s10 =	smax.u32 s31, $0x1;
	[dreg:$0x4] =	wrdreg s0;
	v29 =	vsel vm4, $0x58E, v29;
	v30 =	vsel vm4, $0x60E, v30;
	v31 =	vsel vm4, $0x68E, v31  }
.LBB2_24:
0xa3: {  	_ =	swait.ge [sflag:s23], $0x2000  }
0xa4: {  	[sflag:s23] =	ssyncset.done $0x0  }
0xa5: {  	[sflag:s23] =	ssyncadd.s32 $0xFFFFE000  }
0xa6: {  	_ =	swait.ge [sflag:s23], $0x2000  }
0xa7: {  	[sflag:s23] =	ssyncset.done $0x0  }
0xa8: {  	s28 =	sadd.s32 $0x1, s28;
	[sflag:s23] =	ssyncadd.s32 $0xFFFFE000  }
0xa9: {  	p0 =	sne.s32 s28, s10;
	_ =	swait.ge [sflag:s23], $0x2000  }
.Ltmp1:
0xaa: {  	[sflag:s23] =	ssyncset.done $0x0;
	(pc) =	sbr.rel @!p0 .LBB2_25-.Ltmp1, $4  }
0xab: {  	[sflag:s23] =	ssyncadd.s32 $0xFFFFE000  }
0xac: {  	_ =	swait.ge [sflag:s23], $0x2000  }
0xad: {  	[sflag:s23] =	ssyncset.done $0x0  }
0xae: {  	[sflag:s23] =	ssyncadd.s32 $0xFFFFE000  }
.LBB2_1:
0xaf: {  	s0 =	simm.s32 $0x0;
	s2 =	rddreg [dreg:$0x4]  }
0xb0: {  	[tilespmem:s0], [sflag:$0x3] =	stream.strided.gather [hbm4b:s2+s11], $0x6400, s12, s11, $0x38;
	[tilespmem:$0x16400] =	vst v63  }
0xb1: {  	_ =	swait.ge [sflag:s13], $0x6400  }
0xb2: {  	[sflag:s13] =	ssyncset.done $0x0  }
0xb3: {  	[sflag:s13] =	ssyncadd.s32 $0xFFFF9C00  }
0xb4: {  	[tilespmem:s15], [sflag:$0x1] =	stream.indirect.gather [hbm4b:s5+s14], $0x40, s0, s14, $0xb8;
	[tilespmem:$0x16400] =	vst v63  }
0xb5: {  	_ = 	snop  }
0xb6: {  	[tilespmem:s16], [sflag:$0x1] =	stream.indirect.gather [hbm4b:s5+s14], $0x40, s14, s14, $0xb8;
	[tilespmem:$0x16400] =	vst v63  }
0xb7: {  	s30 =	simm.s32 $0x100  }
0xb8: {  	[tilespmem:s18], [sflag:$0x1] =	stream.indirect.gather [hbm4b:s5+s14], $0x40, s30, s14, $0xb8;
	[tilespmem:$0x16400] =	vst v63  }
0xb9: {  	s31 =	simm.s32 $0x180;
	s29 =	simm.s32 $0x0  }
0xba: {  	[tilespmem:s20], [sflag:$0x1] =	stream.indirect.gather [hbm4b:s5+s14], $0x40, s31, s14, $0xb8;
	[tilespmem:$0x16400] =	vst v63  }
.LBB2_2:
0xbb: {  	s0 =	simm.s32 $0x0  }
0xbc: {  	s0 =	sand.u32 $0x3, s0  }
0xbd: {  	s2 =	simm.s32 $0x0;
	s30 =	sshll.u32 s0, $0x4  }
0xbe: {  	_ =	swait.ge [sflag:s21], $0x2000;
	s2 =	sor.u32 s30, s2  }
0xbf: {  	p0 =	seq.s32 s29, $0x0;
	[sflag:s21] =	ssyncset.done $0x0;
	v32 =	vor.u32 s2, v1  }
0xc0: {  	[sflag:s21] =	ssyncadd.s32 $0xFFFFE000;
	s30 =	simm.s32 @!p0 $0x2;
	v33 =	vor.u32 s2, v5  }
0xc1: {  	_ =	swait.ge @!p0 [sflag:s30], $0x2000;
	v34 =	vor.u32 s2, v7  }
0xc2: {  	v35 =	vor.u32 s2, v8;
	[sflag:s30] =	ssyncset.done @!p0 $0x0  }
0xc3: {  	v36 =	vor.u32 s2, v9;
	[sflag:s30] =	ssyncadd.s32 @!p0 $0xFFFFE000  }
0xc4: {  	v37 =	vor.u32 s2, v6;
	v32 =	vld.idx.msk [tilespmem:v32+s15+$0x0], $0xffff  }
0xc5: {  	v38 =	vor.u32 s2, v4;
	v39 =	vld.idx.msk [tilespmem:v33+s15+$0x0], $0xffff  }
0xc6: {  	v52 =	vor.u32 s2, v3;
	v40 =	vld.idx.msk [tilespmem:v34+s15+$0x0], $0xffff  }
0xc7: {  	v53 =	vor.u32 s2, v0;
	v41 =	vld.idx.msk [tilespmem:v35+s15+$0x0], $0xffff  }
0xc8: {  	v54 =	vor.u32 s2, v2;
	v42 =	vld.idx.msk [tilespmem:v36+s15+$0x0], $0xffff  }
0xc9: {  	v55 =	vor.u32 s2, v12;
	v37 =	vld.idx.msk [tilespmem:v37+s15+$0x0], $0xffff  }
0xca: {  	v43 =	vor.u32 s2, v14;
	v38 =	vld.idx.msk [tilespmem:v38+s15+$0x0], $0xffff  }
0xcb: {  	v44 =	vor.u32 s2, v13;
	v45 =	vld.idx.msk [tilespmem:v52+s15+$0x0], $0xffff  }
0xcc: {  	s0 =	sshll.u32 s0, $0xB;
	v46 =	vor.u32 s2, v10;
	v47 =	vld.idx.msk [tilespmem:v53+s15+$0x0], $0xffff  }
0xcd: {  	s31 =	sadd.s32 $0x0, s0;
	v48 =	vor.u32 s2, v11;
	v49 =	vld.idx.msk [tilespmem:v54+s15+$0x0], $0xffff  }
0xce: {  	v56 =	vor.u32 s2, v15;
	v57 =	vor.u32 s31, v16;
	v50 =	vld.idx.msk [tilespmem:v55+s15+$0x0], $0xffff  }
0xcf: {  	v58 =	vor.u32 s31, v17;
	v33 =	vld.idx.msk [tilespmem:v43+s15+$0x0], $0xffff  }
0xd0: {  	v59 =	vor.u32 s31, v18;
	v34 =	vld.idx.msk [tilespmem:v44+s15+$0x0], $0xffff  }
0xd1: {  	v60 =	vor.u32 s31, v19;
	v51 =	vld.idx.msk [tilespmem:v46+s15+$0x0], $0xffff;
	v47 =	vmul.f32 $8.000000000e+00, v47  }
0xd2: {  	v48 =	vld.idx.msk [tilespmem:v48+s15+$0x0], $0xffff;
	v52 =	vor.u32 s31, v20;
	v32 =	vmul.f32 $8.000000000e+00, v32  }
0xd3: {  	v35 =	vld.idx.msk [tilespmem:v56+s15+$0x0], $0xffff;
	v53 =	vor.u32 s31, v21;
	v49 =	vmul.f32 $8.000000000e+00, v49;
	[tilespmem:v57+s22+$0x0] =	vst.idx.msk $0xffff, v47  }
0xd4: {  	v55 =	vor.u32 s31, v22;
	v46 =	vor.u32 s31, v24;
	v54 =	vmul.f32 $8.000000000e+00, v45;
	[tilespmem:v58+s22+$0x0] =	vst.idx.msk $0xffff, v32  }
0xd5: {  	v61 =	vmul.f32 $8.000000000e+00, v39;
	v63 =	vmul.f32 $8.000000000e+00, v38;
	v45 =	vor.u32 s31, v23;
	[tilespmem:v59+s22+$0x0] =	vst.idx.msk $0xffff, v49  }
0xd6: {  	v44 =	vor.u32 s31, v25;
	v62 =	vmul.f32 $8.000000000e+00, v37;
	v36 =	vmul.f32 $8.000000000e+00, v40;
	[tilespmem:v60+s22+$0x0] =	vst.idx.msk $0xffff, v54  }
0xd7: {  	v43 =	vor.u32 s31, v28;
	v39 =	vmul.f32 $8.000000000e+00, v41;
	v38 =	vmul.f32 $8.000000000e+00, v42;
	[tilespmem:v52+s22+$0x0] =	vst.idx.msk $0xffff, v63  }
0xd8: {  	v41 =	vor.u32 s31, v26;
	v37 =	vmul.f32 $8.000000000e+00, v48;
	v40 =	vor.u32 s31, v27;
	[tilespmem:v53+s22+$0x0] =	vst.idx.msk $0xffff, v61  }
0xd9: {  	s0 =	simm.s32 $0x1;
	s30 =	sshll.u32 s29, $0x2;
	v42 =	vmul.f32 $8.000000000e+00, v50;
	v47 =	vmul.f32 $8.000000000e+00, v51;
	v32 =	vor.u32 s31, v29;
	[tilespmem:v55+s22+$0x0] =	vst.idx.msk $0xffff, v62  }
.LBB2_3:
0xda: {  	p1 =	sne.s32 s0, $0x1F;
	[tilespmem:v45+s22+$0x0] =	vst.idx.msk $0xffff, v36;
	s2 =	smov.u32 s0;
	s0 =	sadd.s32 $0x1, s0  }
0xdb: {  	v34 =	vmul.f32 $8.000000000e+00, v34;
	v36 =	vor.u32 s31, v30;
	s17 =	sshrl.u32 s2, $0x2;
	s2 =	sand.u32 $0x3, s2;
	[tilespmem:v46+s22+$0x0] =	vst.idx.msk $0xffff, v39  }
0xdc: {  	v33 =	vmul.f32 $8.000000000e+00, v33;
	s19 =	sshll.u32 s17, $0xA;
	s3 =	sshll.u32 s2, $0x4;
	s2 =	sshll.u32 s2, $0xB;
	[tilespmem:v44+s22+$0x0] =	vst.idx.msk $0xffff, v38;
	v38 =	vor.u32 s31, v31  }
0xdd: {  	v35 =	vmul.f32 $8.000000000e+00, v35;
	s17 =	sshll.u32 s17, $0x4;
	s3 =	sor.u32 s3, s19;
	[tilespmem:v41+s22+$0x0] =	vst.idx.msk $0xffff, v47  }
0xde: {  	s31 =	sadd.s32 s17, s2;
	v39 =	vor.u32 s3, v0;
	v41 =	vor.u32 s3, v1;
	v44 =	vor.u32 s3, v2;
	[tilespmem:v40+s22+$0x0] =	vst.idx.msk $0xffff, v37  }
0xdf: {  	v37 =	vor.u32 s3, v3;
	v40 =	vor.u32 s3, v4;
	v45 =	vor.u32 s3, v5;
	[tilespmem:v43+s22+$0x0] =	vst.idx.msk $0xffff, v42  }
0xe0: {  	v46 =	vor.u32 s3, v8;
	v42 =	vor.u32 s3, v6;
	v43 =	vor.u32 s3, v7;
	[tilespmem:v32+s22+$0x0] =	vst.idx.msk $0xffff, v34  }
0xe1: {  	v47 =	vor.u32 s3, v10;
	v48 =	vor.u32 s3, v11;
	v34 =	vor.u32 s3, v9;
	[tilespmem:v36+s22+$0x0] =	vst.idx.msk $0xffff, v33  }
0xe2: {  	v49 =	vor.u32 s3, v14;
	v33 =	vor.u32 s3, v12;
	v36 =	vor.u32 s3, v13;
	[tilespmem:v38+s22+$0x0] =	vst.idx.msk $0xffff, v35  }
0xe3: {  	v32 =	vor.u32 s31, v29;
	v38 =	vor.u32 s3, v15;
	v35 =	vld.idx.msk [tilespmem:v41+s15+$0x0], $0xffff  }
0xe4: {  	v41 =	vld.idx.msk [tilespmem:v45+s15+$0x0], $0xffff  }
0xe5: {  	v43 =	vld.idx.msk [tilespmem:v43+s15+$0x0], $0xffff  }
0xe6: {  	v45 =	vld.idx.msk [tilespmem:v46+s15+$0x0], $0xffff  }
0xe7: {  	v46 =	vld.idx.msk [tilespmem:v34+s15+$0x0], $0xffff  }
0xe8: {  	v42 =	vld.idx.msk [tilespmem:v42+s15+$0x0], $0xffff  }
0xe9: {  	v40 =	vld.idx.msk [tilespmem:v40+s15+$0x0], $0xffff  }
0xea: {  	v50 =	vmul.f32 $8.000000000e+00, v35;
	v37 =	vld.idx.msk [tilespmem:v37+s15+$0x0], $0xffff  }
0xeb: {  	v35 =	vld.idx.msk [tilespmem:v39+s15+$0x0], $0xffff  }
0xec: {  	v39 =	vld.idx.msk [tilespmem:v44+s15+$0x0], $0xffff  }
0xed: {  	v44 =	vor.u32 s31, v16;
	v51 =	vld.idx.msk [tilespmem:v33+s15+$0x0], $0xffff  }
0xee: {  	v52 =	vmul.f32 $8.000000000e+00, v41;
	v33 =	vld.idx.msk [tilespmem:v49+s15+$0x0], $0xffff;
	v49 =	vor.u32 s31, v17  }
0xef: {  	v41 =	vor.u32 s31, v18;
	v42 =	vmul.f32 $8.000000000e+00, v42;
	v34 =	vld.idx.msk [tilespmem:v36+s15+$0x0], $0xffff  }
0xf0: {  	v53 =	vor.u32 s31, v19;
	v36 =	vmul.f32 $8.000000000e+00, v43;
	v47 =	vld.idx.msk [tilespmem:v47+s15+$0x0], $0xffff  }
0xf1: {  	v54 =	vor.u32 s31, v20;
	v37 =	vmul.f32 $8.000000000e+00, v37;
	v43 =	vld.idx.msk [tilespmem:v48+s15+$0x0], $0xffff;
	v48 =	vmul.f32 $8.000000000e+00, v35  }
0xf2: {  	v56 =	vor.u32 s31, v21;
	v55 =	vmul.f32 $8.000000000e+00, v39;
	v35 =	vld.idx.msk [tilespmem:v38+s15+$0x0], $0xffff  }
0xf3: {  	v40 =	vmul.f32 $8.000000000e+00, v40;
	v39 =	vmul.f32 $8.000000000e+00, v45;
	[tilespmem:v44+s22+$0x0] =	vst.idx.msk $0xffff, v48;
	v48 =	vor.u32 s31, v22  }
0xf4: {  	v45 =	vor.u32 s31, v23;
	v38 =	vmul.f32 $8.000000000e+00, v46;
	[tilespmem:v49+s22+$0x0] =	vst.idx.msk $0xffff, v50  }
.Ltmp2:
0xf5: {  	v46 =	vor.u32 s31, v24;
	[tilespmem:v41+s22+$0x0] =	vst.idx.msk $0xffff, v55;
	(pc) =	sbr.rel @p1 .LBB2_3-.Ltmp2, $4  }
0xf6: {  	v44 =	vor.u32 s31, v25;
	[tilespmem:v53+s22+$0x0] =	vst.idx.msk $0xffff, v37  }
0xf7: {  	v41 =	vor.u32 s31, v26;
	v37 =	vmul.f32 $8.000000000e+00, v43;
	[tilespmem:v54+s22+$0x0] =	vst.idx.msk $0xffff, v40  }
0xf8: {  	v40 =	vor.u32 s31, v27;
	[tilespmem:v56+s22+$0x0] =	vst.idx.msk $0xffff, v52  }
0xf9: {  	v47 =	vmul.f32 $8.000000000e+00, v47;
	v43 =	vor.u32 s31, v28;
	[tilespmem:v48+s22+$0x0] =	vst.idx.msk $0xffff, v42;
	v42 =	vmul.f32 $8.000000000e+00, v51  }
0xfa: {  	_ =	sdelay $0x3  }
0xfb: {  	[tilespmem:v45+s22+$0x0] =	vst.idx.msk $0xffff, v36  }
0xfc: {  	[tilespmem:v46+s22+$0x0] =	vst.idx.msk $0xffff, v39  }
0xfd: {  	v62 =	vor.u32 s31, v30;
	[tilespmem:v44+s22+$0x0] =	vst.idx.msk $0xffff, v38  }
0xfe: {  	v63 =	vor.u32 s31, v31;
	[tilespmem:v41+s22+$0x0] =	vst.idx.msk $0xffff, v47  }
0xff: {  	v34 =	vmul.f32 $8.000000000e+00, v34;
	p1 =	sne.s32 s29, $0x31;
	[tilespmem:v40+s22+$0x0] =	vst.idx.msk $0xffff, v37  }
.Ltmp3:
0x100: {  	v33 =	vmul.f32 $8.000000000e+00, v33;
	s0 =	sshll.u32 s29, $0x14;
	[tilespmem:v43+s22+$0x0] =	vst.idx.msk $0xffff, v42;
	(pc) =	sbr.rel @p1 .LBB2_6-.Ltmp3, $4  }
0x101: {  	v35 =	vmul.f32 $8.000000000e+00, v35;
	s0 =	sor.u32 s4, s0;
	[tilespmem:v32+s22+$0x0] =	vst.idx.msk $0xffff, v34  }
0x102: {  	s31 =	sshrl.u32 s0, $0x3;
	[tilespmem:v62+s22+$0x0] =	vst.idx.msk $0xffff, v33  }
0x103: {  	s0 =	sadd.s32 s1, s31;
	[tilespmem:v63+s22+$0x0] =	vst.idx.msk $0xffff, v35  }
0x104: {  	[hbm4b:s0+s11] =	stream.strided.scatter [tilespmem:s22], [sflag:$0x2], $0x2000, s12, s11, $0x38;
	[tilespmem:$0x16400] =	vst v63  }
.Ltmp4:
0x105: {  	(pc) =	sbr.rel .LBB2_7-.Ltmp4, $4  }
0x106: {  	_ = 	snop  }
0x107: {  	_ =	swait.ge [sflag:s21], $0x2000  }
0x108: {  	[sflag:s21] =	ssyncset.done $0x0  }
0x109: {  	[sflag:s21] =	ssyncadd.s32 $0xFFFFE000  }
.LBB2_6:
0x10a: {  	s0 =	sshll.u32 s30, $0x7  }
0x10b: {  	s0 =	sadd.s32 $0x200, s0  }
.Ltmp5:
0x10c: {  	s0 =	sand.u32 $0xFE00, s0;
	(pc) =	sbr.rel @p0 .LBB2_8-.Ltmp5, $4  }
0x10d: {  	[tilespmem:s15], [sflag:$0x1] =	stream.indirect.gather [hbm4b:s5+s14], $0x40, s0, s14, $0xb8;
	[tilespmem:$0x16400] =	vst v63  }
0x10e: {  	_ =	swait.ge [sflag:s21], $0x2000  }
0x10f: {  	[sflag:s21] =	ssyncset.done $0x0  }
0x110: {  	[sflag:s21] =	ssyncadd.s32 $0xFFFFE000  }
.LBB2_7:
0x111: {  	_ =	swait.ge [sflag:s23], $0x2000  }
0x112: {  	[sflag:s23] =	ssyncset.done $0x0  }
0x113: {  	[sflag:s23] =	ssyncadd.s32 $0xFFFFE000  }
.LBB2_8:
0x114: {  	s0 =	simm.s32 $0x0  }
0x115: {  	s0 =	sand.u32 $0x3, s0  }
0x116: {  	s2 =	simm.s32 $0x0;
	s3 =	sshll.u32 s0, $0x4  }
0x117: {  	s2 =	sor.u32 s3, s2  }
0x118: {  	v32 =	vor.u32 s2, v1  }
0x119: {  	v33 =	vor.u32 s2, v5  }
0x11a: {  	v34 =	vor.u32 s2, v7  }
0x11b: {  	v35 =	vor.u32 s2, v8  }
0x11c: {  	v36 =	vor.u32 s2, v9  }
0x11d: {  	v37 =	vor.u32 s2, v6;
	v32 =	vld.idx.msk [tilespmem:v32+s16+$0x0], $0xffff  }
0x11e: {  	v38 =	vor.u32 s2, v4;
	v39 =	vld.idx.msk [tilespmem:v33+s16+$0x0], $0xffff  }
0x11f: {  	v52 =	vor.u32 s2, v3;
	v40 =	vld.idx.msk [tilespmem:v34+s16+$0x0], $0xffff  }
0x120: {  	v53 =	vor.u32 s2, v0;
	v41 =	vld.idx.msk [tilespmem:v35+s16+$0x0], $0xffff  }
0x121: {  	v54 =	vor.u32 s2, v2;
	v42 =	vld.idx.msk [tilespmem:v36+s16+$0x0], $0xffff  }
0x122: {  	v55 =	vor.u32 s2, v12;
	v37 =	vld.idx.msk [tilespmem:v37+s16+$0x0], $0xffff  }
0x123: {  	v43 =	vor.u32 s2, v14;
	v38 =	vld.idx.msk [tilespmem:v38+s16+$0x0], $0xffff  }
0x124: {  	v44 =	vor.u32 s2, v13;
	v45 =	vld.idx.msk [tilespmem:v52+s16+$0x0], $0xffff  }
0x125: {  	s0 =	sshll.u32 s0, $0xB;
	v46 =	vor.u32 s2, v10;
	v47 =	vld.idx.msk [tilespmem:v53+s16+$0x0], $0xffff  }
0x126: {  	s0 =	sadd.s32 $0x0, s0;
	v48 =	vor.u32 s2, v11;
	v49 =	vld.idx.msk [tilespmem:v54+s16+$0x0], $0xffff  }
0x127: {  	v56 =	vor.u32 s2, v15;
	v57 =	vor.u32 s0, v16;
	v50 =	vld.idx.msk [tilespmem:v55+s16+$0x0], $0xffff  }
0x128: {  	v58 =	vor.u32 s0, v17;
	v33 =	vld.idx.msk [tilespmem:v43+s16+$0x0], $0xffff  }
0x129: {  	v59 =	vor.u32 s0, v18;
	v34 =	vld.idx.msk [tilespmem:v44+s16+$0x0], $0xffff  }
0x12a: {  	v60 =	vor.u32 s0, v19;
	v51 =	vld.idx.msk [tilespmem:v46+s16+$0x0], $0xffff;
	v47 =	vmul.f32 $8.000000000e+00, v47  }
0x12b: {  	v48 =	vld.idx.msk [tilespmem:v48+s16+$0x0], $0xffff;
	v52 =	vor.u32 s0, v20;
	v32 =	vmul.f32 $8.000000000e+00, v32  }
0x12c: {  	v35 =	vld.idx.msk [tilespmem:v56+s16+$0x0], $0xffff;
	v53 =	vor.u32 s0, v21;
	v49 =	vmul.f32 $8.000000000e+00, v49;
	[tilespmem:v57+s24+$0x0] =	vst.idx.msk $0xffff, v47  }
0x12d: {  	v55 =	vor.u32 s0, v22;
	v46 =	vor.u32 s0, v24;
	v54 =	vmul.f32 $8.000000000e+00, v45;
	[tilespmem:v58+s24+$0x0] =	vst.idx.msk $0xffff, v32  }
0x12e: {  	v61 =	vmul.f32 $8.000000000e+00, v39;
	v63 =	vmul.f32 $8.000000000e+00, v38;
	v45 =	vor.u32 s0, v23;
	[tilespmem:v59+s24+$0x0] =	vst.idx.msk $0xffff, v49  }
0x12f: {  	v44 =	vor.u32 s0, v25;
	v62 =	vmul.f32 $8.000000000e+00, v37;
	v36 =	vmul.f32 $8.000000000e+00, v40;
	[tilespmem:v60+s24+$0x0] =	vst.idx.msk $0xffff, v54  }
0x130: {  	v43 =	vor.u32 s0, v28;
	v39 =	vmul.f32 $8.000000000e+00, v41;
	v38 =	vmul.f32 $8.000000000e+00, v42;
	[tilespmem:v52+s24+$0x0] =	vst.idx.msk $0xffff, v63  }
0x131: {  	v42 =	vor.u32 s0, v26;
	v37 =	vmul.f32 $8.000000000e+00, v48;
	v40 =	vor.u32 s0, v27;
	[tilespmem:v53+s24+$0x0] =	vst.idx.msk $0xffff, v61  }
0x132: {  	s2 =	simm.s32 $0x1;
	v41 =	vmul.f32 $8.000000000e+00, v50;
	v47 =	vmul.f32 $8.000000000e+00, v51;
	v32 =	vor.u32 s0, v29;
	[tilespmem:v55+s24+$0x0] =	vst.idx.msk $0xffff, v62  }
.LBB2_9:
0x133: {  	p2 =	sne.s32 s2, $0x1F;
	[tilespmem:v45+s24+$0x0] =	vst.idx.msk $0xffff, v36;
	s3 =	smov.u32 s2;
	s2 =	sadd.s32 $0x1, s2  }
0x134: {  	v34 =	vmul.f32 $8.000000000e+00, v34;
	v36 =	vor.u32 s0, v30;
	s17 =	sshrl.u32 s3, $0x2;
	s3 =	sand.u32 $0x3, s3;
	[tilespmem:v46+s24+$0x0] =	vst.idx.msk $0xffff, v39  }
0x135: {  	v33 =	vmul.f32 $8.000000000e+00, v33;
	s19 =	sshll.u32 s17, $0xA;
	s6 =	sshll.u32 s3, $0x4;
	s3 =	sshll.u32 s3, $0xB;
	[tilespmem:v44+s24+$0x0] =	vst.idx.msk $0xffff, v38;
	v38 =	vor.u32 s0, v31  }
0x136: {  	v35 =	vmul.f32 $8.000000000e+00, v35;
	s0 =	sshll.u32 s17, $0x4;
	s6 =	sor.u32 s6, s19;
	[tilespmem:v42+s24+$0x0] =	vst.idx.msk $0xffff, v47  }
0x137: {  	s0 =	sadd.s32 s0, s3;
	v39 =	vor.u32 s6, v0;
	v42 =	vor.u32 s6, v1;
	v44 =	vor.u32 s6, v2;
	[tilespmem:v40+s24+$0x0] =	vst.idx.msk $0xffff, v37  }
0x138: {  	v37 =	vor.u32 s6, v3;
	v40 =	vor.u32 s6, v4;
	v45 =	vor.u32 s6, v5;
	[tilespmem:v43+s24+$0x0] =	vst.idx.msk $0xffff, v41  }
0x139: {  	v46 =	vor.u32 s6, v8;
	v41 =	vor.u32 s6, v6;
	v43 =	vor.u32 s6, v7;
	[tilespmem:v32+s24+$0x0] =	vst.idx.msk $0xffff, v34  }
0x13a: {  	v47 =	vor.u32 s6, v10;
	v48 =	vor.u32 s6, v11;
	v34 =	vor.u32 s6, v9;
	[tilespmem:v36+s24+$0x0] =	vst.idx.msk $0xffff, v33  }
0x13b: {  	v49 =	vor.u32 s6, v14;
	v33 =	vor.u32 s6, v12;
	v36 =	vor.u32 s6, v13;
	[tilespmem:v38+s24+$0x0] =	vst.idx.msk $0xffff, v35  }
0x13c: {  	v32 =	vor.u32 s0, v29;
	v38 =	vor.u32 s6, v15;
	v35 =	vld.idx.msk [tilespmem:v42+s16+$0x0], $0xffff  }
0x13d: {  	v42 =	vld.idx.msk [tilespmem:v45+s16+$0x0], $0xffff  }
0x13e: {  	v43 =	vld.idx.msk [tilespmem:v43+s16+$0x0], $0xffff  }
0x13f: {  	v45 =	vld.idx.msk [tilespmem:v46+s16+$0x0], $0xffff  }
0x140: {  	v46 =	vld.idx.msk [tilespmem:v34+s16+$0x0], $0xffff  }
0x141: {  	v41 =	vld.idx.msk [tilespmem:v41+s16+$0x0], $0xffff  }
0x142: {  	v40 =	vld.idx.msk [tilespmem:v40+s16+$0x0], $0xffff  }
0x143: {  	v50 =	vmul.f32 $8.000000000e+00, v35;
	v37 =	vld.idx.msk [tilespmem:v37+s16+$0x0], $0xffff  }
0x144: {  	v35 =	vld.idx.msk [tilespmem:v39+s16+$0x0], $0xffff  }
0x145: {  	v39 =	vld.idx.msk [tilespmem:v44+s16+$0x0], $0xffff  }
0x146: {  	v44 =	vor.u32 s0, v16;
	v51 =	vld.idx.msk [tilespmem:v33+s16+$0x0], $0xffff  }
0x147: {  	v52 =	vmul.f32 $8.000000000e+00, v42;
	v33 =	vld.idx.msk [tilespmem:v49+s16+$0x0], $0xffff;
	v49 =	vor.u32 s0, v17  }
0x148: {  	v42 =	vor.u32 s0, v18;
	v41 =	vmul.f32 $8.000000000e+00, v41;
	v34 =	vld.idx.msk [tilespmem:v36+s16+$0x0], $0xffff  }
0x149: {  	v53 =	vor.u32 s0, v19;
	v36 =	vmul.f32 $8.000000000e+00, v43;
	v47 =	vld.idx.msk [tilespmem:v47+s16+$0x0], $0xffff  }
0x14a: {  	v54 =	vor.u32 s0, v20;
	v37 =	vmul.f32 $8.000000000e+00, v37;
	v43 =	vld.idx.msk [tilespmem:v48+s16+$0x0], $0xffff;
	v48 =	vmul.f32 $8.000000000e+00, v35  }
0x14b: {  	v56 =	vor.u32 s0, v21;
	v55 =	vmul.f32 $8.000000000e+00, v39;
	v35 =	vld.idx.msk [tilespmem:v38+s16+$0x0], $0xffff  }
0x14c: {  	v40 =	vmul.f32 $8.000000000e+00, v40;
	v39 =	vmul.f32 $8.000000000e+00, v45;
	[tilespmem:v44+s24+$0x0] =	vst.idx.msk $0xffff, v48;
	v48 =	vor.u32 s0, v22  }
0x14d: {  	v45 =	vor.u32 s0, v23;
	v38 =	vmul.f32 $8.000000000e+00, v46;
	[tilespmem:v49+s24+$0x0] =	vst.idx.msk $0xffff, v50  }
.Ltmp6:
0x14e: {  	v46 =	vor.u32 s0, v24;
	[tilespmem:v42+s24+$0x0] =	vst.idx.msk $0xffff, v55;
	(pc) =	sbr.rel @p2 .LBB2_9-.Ltmp6, $4  }
0x14f: {  	v44 =	vor.u32 s0, v25;
	[tilespmem:v53+s24+$0x0] =	vst.idx.msk $0xffff, v37  }
0x150: {  	v42 =	vor.u32 s0, v26;
	v37 =	vmul.f32 $8.000000000e+00, v43;
	[tilespmem:v54+s24+$0x0] =	vst.idx.msk $0xffff, v40  }
0x151: {  	v40 =	vor.u32 s0, v27;
	[tilespmem:v56+s24+$0x0] =	vst.idx.msk $0xffff, v52  }
0x152: {  	v47 =	vmul.f32 $8.000000000e+00, v47;
	v43 =	vor.u32 s0, v28;
	[tilespmem:v48+s24+$0x0] =	vst.idx.msk $0xffff, v41;
	v41 =	vmul.f32 $8.000000000e+00, v51  }
0x153: {  	_ =	sdelay $0x3  }
0x154: {  	[tilespmem:v45+s24+$0x0] =	vst.idx.msk $0xffff, v36  }
0x155: {  	[tilespmem:v46+s24+$0x0] =	vst.idx.msk $0xffff, v39  }
0x156: {  	v62 =	vor.u32 s0, v30;
	[tilespmem:v44+s24+$0x0] =	vst.idx.msk $0xffff, v38  }
0x157: {  	v63 =	vor.u32 s0, v31;
	[tilespmem:v42+s24+$0x0] =	vst.idx.msk $0xffff, v47  }
0x158: {  	v34 =	vmul.f32 $8.000000000e+00, v34;
	[tilespmem:v40+s24+$0x0] =	vst.idx.msk $0xffff, v37  }
.Ltmp7:
0x159: {  	v33 =	vmul.f32 $8.000000000e+00, v33;
	[tilespmem:v43+s24+$0x0] =	vst.idx.msk $0xffff, v41;
	(pc) =	sbr.rel @p1 .LBB2_12-.Ltmp7, $4  }
0x15a: {  	v35 =	vmul.f32 $8.000000000e+00, v35;
	[tilespmem:v32+s24+$0x0] =	vst.idx.msk $0xffff, v34  }
0x15b: {  	[tilespmem:v62+s24+$0x0] =	vst.idx.msk $0xffff, v33  }
0x15c: {  	s19 =	sadd.s32 s31, s7;
	[tilespmem:v63+s24+$0x0] =	vst.idx.msk $0xffff, v35  }
0x15d: {  	[hbm4b:s19+s11] =	stream.strided.scatter [tilespmem:s24], [sflag:$0x2], $0x2000, s12, s11, $0x38;
	[tilespmem:$0x16400] =	vst v63  }
.Ltmp8:
0x15e: {  	(pc) =	sbr.rel .LBB2_13-.Ltmp8, $4  }
0x15f: {  	_ = 	snop  }
0x160: {  	_ =	swait.ge [sflag:s21], $0x2000  }
0x161: {  	[sflag:s21] =	ssyncset.done $0x0  }
0x162: {  	[sflag:s21] =	ssyncadd.s32 $0xFFFFE000  }
.LBB2_12:
0x163: {  	s0 =	sshll.u32 s30, $0x7  }
0x164: {  	s0 =	sadd.s32 $0x280, s0  }
.Ltmp9:
0x165: {  	s0 =	sand.u32 $0xFE80, s0;
	(pc) =	sbr.rel @p0 .LBB2_14-.Ltmp9, $4  }
0x166: {  	[tilespmem:s16], [sflag:$0x1] =	stream.indirect.gather [hbm4b:s5+s14], $0x40, s0, s14, $0xb8;
	[tilespmem:$0x16400] =	vst v63  }
0x167: {  	_ =	swait.ge [sflag:s21], $0x2000  }
0x168: {  	[sflag:s21] =	ssyncset.done $0x0  }
0x169: {  	[sflag:s21] =	ssyncadd.s32 $0xFFFFE000  }
.LBB2_13:
0x16a: {  	_ =	swait.ge [sflag:s23], $0x2000  }
0x16b: {  	[sflag:s23] =	ssyncset.done $0x0  }
0x16c: {  	[sflag:s23] =	ssyncadd.s32 $0xFFFFE000  }
.LBB2_14:
0x16d: {  	s0 =	simm.s32 $0x0  }
0x16e: {  	s0 =	sand.u32 $0x3, s0  }
0x16f: {  	s2 =	simm.s32 $0x0;
	s3 =	sshll.u32 s0, $0x4  }
0x170: {  	s2 =	sor.u32 s3, s2  }
0x171: {  	v32 =	vor.u32 s2, v1  }
0x172: {  	v33 =	vor.u32 s2, v5  }
0x173: {  	v34 =	vor.u32 s2, v7  }
0x174: {  	v35 =	vor.u32 s2, v8  }
0x175: {  	v36 =	vor.u32 s2, v9  }
0x176: {  	v37 =	vor.u32 s2, v6;
	v32 =	vld.idx.msk [tilespmem:v32+s18+$0x0], $0xffff  }
0x177: {  	v38 =	vor.u32 s2, v4;
	v39 =	vld.idx.msk [tilespmem:v33+s18+$0x0], $0xffff  }
0x178: {  	v52 =	vor.u32 s2, v3;
	v40 =	vld.idx.msk [tilespmem:v34+s18+$0x0], $0xffff  }
0x179: {  	v53 =	vor.u32 s2, v0;
	v41 =	vld.idx.msk [tilespmem:v35+s18+$0x0], $0xffff  }
0x17a: {  	v54 =	vor.u32 s2, v2;
	v42 =	vld.idx.msk [tilespmem:v36+s18+$0x0], $0xffff  }
0x17b: {  	v55 =	vor.u32 s2, v12;
	v37 =	vld.idx.msk [tilespmem:v37+s18+$0x0], $0xffff  }
0x17c: {  	v43 =	vor.u32 s2, v14;
	v38 =	vld.idx.msk [tilespmem:v38+s18+$0x0], $0xffff  }
0x17d: {  	v44 =	vor.u32 s2, v13;
	v45 =	vld.idx.msk [tilespmem:v52+s18+$0x0], $0xffff  }
0x17e: {  	s0 =	sshll.u32 s0, $0xB;
	v46 =	vor.u32 s2, v10;
	v47 =	vld.idx.msk [tilespmem:v53+s18+$0x0], $0xffff  }
0x17f: {  	s0 =	sadd.s32 $0x0, s0;
	v48 =	vor.u32 s2, v11;
	v49 =	vld.idx.msk [tilespmem:v54+s18+$0x0], $0xffff  }
0x180: {  	v56 =	vor.u32 s2, v15;
	v57 =	vor.u32 s0, v16;
	v50 =	vld.idx.msk [tilespmem:v55+s18+$0x0], $0xffff  }
0x181: {  	v58 =	vor.u32 s0, v17;
	v33 =	vld.idx.msk [tilespmem:v43+s18+$0x0], $0xffff  }
0x182: {  	v59 =	vor.u32 s0, v18;
	v34 =	vld.idx.msk [tilespmem:v44+s18+$0x0], $0xffff  }
0x183: {  	v60 =	vor.u32 s0, v19;
	v51 =	vld.idx.msk [tilespmem:v46+s18+$0x0], $0xffff;
	v47 =	vmul.f32 $8.000000000e+00, v47  }
0x184: {  	v48 =	vld.idx.msk [tilespmem:v48+s18+$0x0], $0xffff;
	v52 =	vor.u32 s0, v20;
	v32 =	vmul.f32 $8.000000000e+00, v32  }
0x185: {  	v35 =	vld.idx.msk [tilespmem:v56+s18+$0x0], $0xffff;
	v53 =	vor.u32 s0, v21;
	v49 =	vmul.f32 $8.000000000e+00, v49;
	[tilespmem:v57+s25+$0x0] =	vst.idx.msk $0xffff, v47  }
0x186: {  	v55 =	vor.u32 s0, v22;
	v46 =	vor.u32 s0, v24;
	v54 =	vmul.f32 $8.000000000e+00, v45;
	[tilespmem:v58+s25+$0x0] =	vst.idx.msk $0xffff, v32  }
0x187: {  	v61 =	vmul.f32 $8.000000000e+00, v39;
	v63 =	vmul.f32 $8.000000000e+00, v38;
	v45 =	vor.u32 s0, v23;
	[tilespmem:v59+s25+$0x0] =	vst.idx.msk $0xffff, v49  }
0x188: {  	v44 =	vor.u32 s0, v25;
	v62 =	vmul.f32 $8.000000000e+00, v37;
	v36 =	vmul.f32 $8.000000000e+00, v40;
	[tilespmem:v60+s25+$0x0] =	vst.idx.msk $0xffff, v54  }
0x189: {  	v43 =	vor.u32 s0, v28;
	v39 =	vmul.f32 $8.000000000e+00, v41;
	v38 =	vmul.f32 $8.000000000e+00, v42;
	[tilespmem:v52+s25+$0x0] =	vst.idx.msk $0xffff, v63  }
0x18a: {  	v42 =	vor.u32 s0, v26;
	v37 =	vmul.f32 $8.000000000e+00, v48;
	v40 =	vor.u32 s0, v27;
	[tilespmem:v53+s25+$0x0] =	vst.idx.msk $0xffff, v61  }
0x18b: {  	s2 =	simm.s32 $0x1;
	v41 =	vmul.f32 $8.000000000e+00, v50;
	v47 =	vmul.f32 $8.000000000e+00, v51;
	v32 =	vor.u32 s0, v29;
	[tilespmem:v55+s25+$0x0] =	vst.idx.msk $0xffff, v62  }
.LBB2_15:
0x18c: {  	p2 =	sne.s32 s2, $0x1F;
	[tilespmem:v45+s25+$0x0] =	vst.idx.msk $0xffff, v36;
	s3 =	smov.u32 s2;
	s2 =	sadd.s32 $0x1, s2  }
0x18d: {  	v34 =	vmul.f32 $8.000000000e+00, v34;
	v36 =	vor.u32 s0, v30;
	s6 =	sshrl.u32 s3, $0x2;
	s3 =	sand.u32 $0x3, s3;
	[tilespmem:v46+s25+$0x0] =	vst.idx.msk $0xffff, v39  }
0x18e: {  	v33 =	vmul.f32 $8.000000000e+00, v33;
	s17 =	sshll.u32 s6, $0xA;
	s19 =	sshll.u32 s3, $0x4;
	s3 =	sshll.u32 s3, $0xB;
	[tilespmem:v44+s25+$0x0] =	vst.idx.msk $0xffff, v38;
	v38 =	vor.u32 s0, v31  }
0x18f: {  	v35 =	vmul.f32 $8.000000000e+00, v35;
	s0 =	sshll.u32 s6, $0x4;
	s17 =	sor.u32 s19, s17;
	[tilespmem:v42+s25+$0x0] =	vst.idx.msk $0xffff, v47  }
0x190: {  	s0 =	sadd.s32 s0, s3;
	v39 =	vor.u32 s17, v0;
	v42 =	vor.u32 s17, v1;
	v44 =	vor.u32 s17, v2;
	[tilespmem:v40+s25+$0x0] =	vst.idx.msk $0xffff, v37  }
0x191: {  	v37 =	vor.u32 s17, v3;
	v40 =	vor.u32 s17, v4;
	v45 =	vor.u32 s17, v5;
	[tilespmem:v43+s25+$0x0] =	vst.idx.msk $0xffff, v41  }
0x192: {  	v46 =	vor.u32 s17, v8;
	v41 =	vor.u32 s17, v6;
	v43 =	vor.u32 s17, v7;
	[tilespmem:v32+s25+$0x0] =	vst.idx.msk $0xffff, v34  }
0x193: {  	v47 =	vor.u32 s17, v10;
	v48 =	vor.u32 s17, v11;
	v34 =	vor.u32 s17, v9;
	[tilespmem:v36+s25+$0x0] =	vst.idx.msk $0xffff, v33  }
0x194: {  	v49 =	vor.u32 s17, v14;
	v33 =	vor.u32 s17, v12;
	v36 =	vor.u32 s17, v13;
	[tilespmem:v38+s25+$0x0] =	vst.idx.msk $0xffff, v35  }
0x195: {  	v32 =	vor.u32 s0, v29;
	v38 =	vor.u32 s17, v15;
	v35 =	vld.idx.msk [tilespmem:v42+s18+$0x0], $0xffff  }
0x196: {  	v42 =	vld.idx.msk [tilespmem:v45+s18+$0x0], $0xffff  }
0x197: {  	v43 =	vld.idx.msk [tilespmem:v43+s18+$0x0], $0xffff  }
0x198: {  	v45 =	vld.idx.msk [tilespmem:v46+s18+$0x0], $0xffff  }
0x199: {  	v46 =	vld.idx.msk [tilespmem:v34+s18+$0x0], $0xffff  }
0x19a: {  	v41 =	vld.idx.msk [tilespmem:v41+s18+$0x0], $0xffff  }
0x19b: {  	v40 =	vld.idx.msk [tilespmem:v40+s18+$0x0], $0xffff  }
0x19c: {  	v50 =	vmul.f32 $8.000000000e+00, v35;
	v37 =	vld.idx.msk [tilespmem:v37+s18+$0x0], $0xffff  }
0x19d: {  	v35 =	vld.idx.msk [tilespmem:v39+s18+$0x0], $0xffff  }
0x19e: {  	v39 =	vld.idx.msk [tilespmem:v44+s18+$0x0], $0xffff  }
0x19f: {  	v44 =	vor.u32 s0, v16;
	v51 =	vld.idx.msk [tilespmem:v33+s18+$0x0], $0xffff  }
0x1a0: {  	v52 =	vmul.f32 $8.000000000e+00, v42;
	v33 =	vld.idx.msk [tilespmem:v49+s18+$0x0], $0xffff;
	v49 =	vor.u32 s0, v17  }
0x1a1: {  	v42 =	vor.u32 s0, v18;
	v41 =	vmul.f32 $8.000000000e+00, v41;
	v34 =	vld.idx.msk [tilespmem:v36+s18+$0x0], $0xffff  }
0x1a2: {  	v53 =	vor.u32 s0, v19;
	v36 =	vmul.f32 $8.000000000e+00, v43;
	v47 =	vld.idx.msk [tilespmem:v47+s18+$0x0], $0xffff  }
0x1a3: {  	v54 =	vor.u32 s0, v20;
	v37 =	vmul.f32 $8.000000000e+00, v37;
	v43 =	vld.idx.msk [tilespmem:v48+s18+$0x0], $0xffff;
	v48 =	vmul.f32 $8.000000000e+00, v35  }
0x1a4: {  	v56 =	vor.u32 s0, v21;
	v55 =	vmul.f32 $8.000000000e+00, v39;
	v35 =	vld.idx.msk [tilespmem:v38+s18+$0x0], $0xffff  }
0x1a5: {  	v40 =	vmul.f32 $8.000000000e+00, v40;
	v39 =	vmul.f32 $8.000000000e+00, v45;
	[tilespmem:v44+s25+$0x0] =	vst.idx.msk $0xffff, v48;
	v48 =	vor.u32 s0, v22  }
0x1a6: {  	v45 =	vor.u32 s0, v23;
	v38 =	vmul.f32 $8.000000000e+00, v46;
	[tilespmem:v49+s25+$0x0] =	vst.idx.msk $0xffff, v50  }
.Ltmp10:
0x1a7: {  	v46 =	vor.u32 s0, v24;
	[tilespmem:v42+s25+$0x0] =	vst.idx.msk $0xffff, v55;
	(pc) =	sbr.rel @p2 .LBB2_15-.Ltmp10, $4  }
0x1a8: {  	v44 =	vor.u32 s0, v25;
	[tilespmem:v53+s25+$0x0] =	vst.idx.msk $0xffff, v37  }
0x1a9: {  	v42 =	vor.u32 s0, v26;
	v37 =	vmul.f32 $8.000000000e+00, v43;
	[tilespmem:v54+s25+$0x0] =	vst.idx.msk $0xffff, v40  }
0x1aa: {  	v40 =	vor.u32 s0, v27;
	[tilespmem:v56+s25+$0x0] =	vst.idx.msk $0xffff, v52  }
0x1ab: {  	v47 =	vmul.f32 $8.000000000e+00, v47;
	v43 =	vor.u32 s0, v28;
	[tilespmem:v48+s25+$0x0] =	vst.idx.msk $0xffff, v41;
	v41 =	vmul.f32 $8.000000000e+00, v51  }
0x1ac: {  	_ =	sdelay $0x3  }
0x1ad: {  	[tilespmem:v45+s25+$0x0] =	vst.idx.msk $0xffff, v36  }
0x1ae: {  	[tilespmem:v46+s25+$0x0] =	vst.idx.msk $0xffff, v39  }
0x1af: {  	v62 =	vor.u32 s0, v30;
	[tilespmem:v44+s25+$0x0] =	vst.idx.msk $0xffff, v38  }
0x1b0: {  	v63 =	vor.u32 s0, v31;
	[tilespmem:v42+s25+$0x0] =	vst.idx.msk $0xffff, v47  }
0x1b1: {  	v34 =	vmul.f32 $8.000000000e+00, v34;
	[tilespmem:v40+s25+$0x0] =	vst.idx.msk $0xffff, v37  }
.Ltmp11:
0x1b2: {  	v33 =	vmul.f32 $8.000000000e+00, v33;
	[tilespmem:v43+s25+$0x0] =	vst.idx.msk $0xffff, v41;
	(pc) =	sbr.rel @p1 .LBB2_18-.Ltmp11, $4  }
0x1b3: {  	v35 =	vmul.f32 $8.000000000e+00, v35;
	[tilespmem:v32+s25+$0x0] =	vst.idx.msk $0xffff, v34  }
0x1b4: {  	[tilespmem:v62+s25+$0x0] =	vst.idx.msk $0xffff, v33  }
0x1b5: {  	s19 =	sadd.s32 s31, s8;
	[tilespmem:v63+s25+$0x0] =	vst.idx.msk $0xffff, v35  }
0x1b6: {  	[hbm4b:s19+s11] =	stream.strided.scatter [tilespmem:s25], [sflag:$0x2], $0x2000, s12, s11, $0x38;
	[tilespmem:$0x16400] =	vst v63  }
.Ltmp12:
0x1b7: {  	(pc) =	sbr.rel .LBB2_19-.Ltmp12, $4  }
0x1b8: {  	_ = 	snop  }
0x1b9: {  	_ =	swait.ge [sflag:s21], $0x2000  }
0x1ba: {  	[sflag:s21] =	ssyncset.done $0x0  }
0x1bb: {  	[sflag:s21] =	ssyncadd.s32 $0xFFFFE000  }
.LBB2_18:
0x1bc: {  	s0 =	sshll.u32 s30, $0x7  }
0x1bd: {  	s0 =	sadd.s32 $0x300, s0  }
.Ltmp13:
0x1be: {  	s0 =	sand.u32 $0xFF00, s0;
	(pc) =	sbr.rel @p0 .LBB2_20-.Ltmp13, $4  }
0x1bf: {  	[tilespmem:s18], [sflag:$0x1] =	stream.indirect.gather [hbm4b:s5+s14], $0x40, s0, s14, $0xb8;
	[tilespmem:$0x16400] =	vst v63  }
0x1c0: {  	_ =	swait.ge [sflag:s21], $0x2000  }
0x1c1: {  	[sflag:s21] =	ssyncset.done $0x0  }
0x1c2: {  	[sflag:s21] =	ssyncadd.s32 $0xFFFFE000  }
.LBB2_19:
0x1c3: {  	_ =	swait.ge [sflag:s23], $0x2000  }
0x1c4: {  	[sflag:s23] =	ssyncset.done $0x0  }
0x1c5: {  	[sflag:s23] =	ssyncadd.s32 $0xFFFFE000  }
.LBB2_20:
0x1c6: {  	s0 =	simm.s32 $0x0  }
0x1c7: {  	s0 =	sand.u32 $0x3, s0  }
0x1c8: {  	s2 =	simm.s32 $0x0;
	s3 =	sshll.u32 s0, $0x4  }
0x1c9: {  	s2 =	sor.u32 s3, s2  }
0x1ca: {  	v32 =	vor.u32 s2, v1  }
0x1cb: {  	v33 =	vor.u32 s2, v5  }
0x1cc: {  	v34 =	vor.u32 s2, v7  }
0x1cd: {  	v35 =	vor.u32 s2, v8  }
0x1ce: {  	v36 =	vor.u32 s2, v9  }
0x1cf: {  	v37 =	vor.u32 s2, v6;
	v32 =	vld.idx.msk [tilespmem:v32+s20+$0x0], $0xffff  }
0x1d0: {  	v38 =	vor.u32 s2, v4;
	v39 =	vld.idx.msk [tilespmem:v33+s20+$0x0], $0xffff  }
0x1d1: {  	v52 =	vor.u32 s2, v3;
	v40 =	vld.idx.msk [tilespmem:v34+s20+$0x0], $0xffff  }
0x1d2: {  	v53 =	vor.u32 s2, v0;
	v41 =	vld.idx.msk [tilespmem:v35+s20+$0x0], $0xffff  }
0x1d3: {  	v54 =	vor.u32 s2, v2;
	v42 =	vld.idx.msk [tilespmem:v36+s20+$0x0], $0xffff  }
0x1d4: {  	v55 =	vor.u32 s2, v12;
	v37 =	vld.idx.msk [tilespmem:v37+s20+$0x0], $0xffff  }
0x1d5: {  	v43 =	vor.u32 s2, v14;
	v38 =	vld.idx.msk [tilespmem:v38+s20+$0x0], $0xffff  }
0x1d6: {  	v44 =	vor.u32 s2, v13;
	v45 =	vld.idx.msk [tilespmem:v52+s20+$0x0], $0xffff  }
0x1d7: {  	s0 =	sshll.u32 s0, $0xB;
	v46 =	vor.u32 s2, v10;
	v47 =	vld.idx.msk [tilespmem:v53+s20+$0x0], $0xffff  }
0x1d8: {  	s0 =	sadd.s32 $0x0, s0;
	v48 =	vor.u32 s2, v11;
	v49 =	vld.idx.msk [tilespmem:v54+s20+$0x0], $0xffff  }
0x1d9: {  	v56 =	vor.u32 s2, v15;
	v57 =	vor.u32 s0, v16;
	v50 =	vld.idx.msk [tilespmem:v55+s20+$0x0], $0xffff  }
0x1da: {  	v58 =	vor.u32 s0, v17;
	v33 =	vld.idx.msk [tilespmem:v43+s20+$0x0], $0xffff  }
0x1db: {  	v59 =	vor.u32 s0, v18;
	v34 =	vld.idx.msk [tilespmem:v44+s20+$0x0], $0xffff  }
0x1dc: {  	v60 =	vor.u32 s0, v19;
	v51 =	vld.idx.msk [tilespmem:v46+s20+$0x0], $0xffff;
	v47 =	vmul.f32 $8.000000000e+00, v47  }
0x1dd: {  	v48 =	vld.idx.msk [tilespmem:v48+s20+$0x0], $0xffff;
	v52 =	vor.u32 s0, v20;
	v32 =	vmul.f32 $8.000000000e+00, v32  }
0x1de: {  	v35 =	vld.idx.msk [tilespmem:v56+s20+$0x0], $0xffff;
	v53 =	vor.u32 s0, v21;
	v49 =	vmul.f32 $8.000000000e+00, v49;
	[tilespmem:v57+s26+$0x0] =	vst.idx.msk $0xffff, v47  }
0x1df: {  	v55 =	vor.u32 s0, v22;
	v46 =	vor.u32 s0, v24;
	v54 =	vmul.f32 $8.000000000e+00, v45;
	[tilespmem:v58+s26+$0x0] =	vst.idx.msk $0xffff, v32  }
0x1e0: {  	v61 =	vmul.f32 $8.000000000e+00, v39;
	v63 =	vmul.f32 $8.000000000e+00, v38;
	v45 =	vor.u32 s0, v23;
	[tilespmem:v59+s26+$0x0] =	vst.idx.msk $0xffff, v49  }
0x1e1: {  	v44 =	vor.u32 s0, v25;
	v62 =	vmul.f32 $8.000000000e+00, v37;
	v36 =	vmul.f32 $8.000000000e+00, v40;
	[tilespmem:v60+s26+$0x0] =	vst.idx.msk $0xffff, v54  }
0x1e2: {  	v43 =	vor.u32 s0, v28;
	v39 =	vmul.f32 $8.000000000e+00, v41;
	v38 =	vmul.f32 $8.000000000e+00, v42;
	[tilespmem:v52+s26+$0x0] =	vst.idx.msk $0xffff, v63  }
0x1e3: {  	v42 =	vor.u32 s0, v26;
	v37 =	vmul.f32 $8.000000000e+00, v48;
	v40 =	vor.u32 s0, v27;
	[tilespmem:v53+s26+$0x0] =	vst.idx.msk $0xffff, v61  }
0x1e4: {  	s2 =	simm.s32 $0x1;
	v41 =	vmul.f32 $8.000000000e+00, v50;
	v47 =	vmul.f32 $8.000000000e+00, v51;
	v32 =	vor.u32 s0, v29;
	[tilespmem:v55+s26+$0x0] =	vst.idx.msk $0xffff, v62  }
.LBB2_21:
0x1e5: {  	p0 =	sne.s32 s2, $0x1F;
	[tilespmem:v45+s26+$0x0] =	vst.idx.msk $0xffff, v36;
	s3 =	smov.u32 s2;
	s2 =	sadd.s32 $0x1, s2  }
0x1e6: {  	v34 =	vmul.f32 $8.000000000e+00, v34;
	v36 =	vor.u32 s0, v30;
	s6 =	sshrl.u32 s3, $0x2;
	s3 =	sand.u32 $0x3, s3;
	[tilespmem:v46+s26+$0x0] =	vst.idx.msk $0xffff, v39  }
0x1e7: {  	v33 =	vmul.f32 $8.000000000e+00, v33;
	s17 =	sshll.u32 s6, $0xA;
	s19 =	sshll.u32 s3, $0x4;
	s3 =	sshll.u32 s3, $0xB;
	[tilespmem:v44+s26+$0x0] =	vst.idx.msk $0xffff, v38;
	v38 =	vor.u32 s0, v31  }
0x1e8: {  	v35 =	vmul.f32 $8.000000000e+00, v35;
	s0 =	sshll.u32 s6, $0x4;
	s17 =	sor.u32 s19, s17;
	[tilespmem:v42+s26+$0x0] =	vst.idx.msk $0xffff, v47  }
0x1e9: {  	s0 =	sadd.s32 s0, s3;
	v39 =	vor.u32 s17, v0;
	v42 =	vor.u32 s17, v1;
	v44 =	vor.u32 s17, v2;
	[tilespmem:v40+s26+$0x0] =	vst.idx.msk $0xffff, v37  }
0x1ea: {  	v37 =	vor.u32 s17, v3;
	v40 =	vor.u32 s17, v4;
	v45 =	vor.u32 s17, v5;
	[tilespmem:v43+s26+$0x0] =	vst.idx.msk $0xffff, v41  }
0x1eb: {  	v46 =	vor.u32 s17, v8;
	v41 =	vor.u32 s17, v6;
	v43 =	vor.u32 s17, v7;
	[tilespmem:v32+s26+$0x0] =	vst.idx.msk $0xffff, v34  }
0x1ec: {  	v47 =	vor.u32 s17, v10;
	v48 =	vor.u32 s17, v11;
	v34 =	vor.u32 s17, v9;
	[tilespmem:v36+s26+$0x0] =	vst.idx.msk $0xffff, v33  }
0x1ed: {  	v49 =	vor.u32 s17, v14;
	v33 =	vor.u32 s17, v12;
	v36 =	vor.u32 s17, v13;
	[tilespmem:v38+s26+$0x0] =	vst.idx.msk $0xffff, v35  }
0x1ee: {  	v32 =	vor.u32 s0, v29;
	v38 =	vor.u32 s17, v15;
	v35 =	vld.idx.msk [tilespmem:v42+s20+$0x0], $0xffff  }
0x1ef: {  	v42 =	vld.idx.msk [tilespmem:v45+s20+$0x0], $0xffff  }
0x1f0: {  	v43 =	vld.idx.msk [tilespmem:v43+s20+$0x0], $0xffff  }
0x1f1: {  	v45 =	vld.idx.msk [tilespmem:v46+s20+$0x0], $0xffff  }
0x1f2: {  	v46 =	vld.idx.msk [tilespmem:v34+s20+$0x0], $0xffff  }
0x1f3: {  	v41 =	vld.idx.msk [tilespmem:v41+s20+$0x0], $0xffff  }
0x1f4: {  	v40 =	vld.idx.msk [tilespmem:v40+s20+$0x0], $0xffff  }
0x1f5: {  	v50 =	vmul.f32 $8.000000000e+00, v35;
	v37 =	vld.idx.msk [tilespmem:v37+s20+$0x0], $0xffff  }
0x1f6: {  	v35 =	vld.idx.msk [tilespmem:v39+s20+$0x0], $0xffff  }
0x1f7: {  	v39 =	vld.idx.msk [tilespmem:v44+s20+$0x0], $0xffff  }
0x1f8: {  	v44 =	vor.u32 s0, v16;
	v51 =	vld.idx.msk [tilespmem:v33+s20+$0x0], $0xffff  }
0x1f9: {  	v52 =	vmul.f32 $8.000000000e+00, v42;
	v33 =	vld.idx.msk [tilespmem:v49+s20+$0x0], $0xffff;
	v49 =	vor.u32 s0, v17  }
0x1fa: {  	v42 =	vor.u32 s0, v18;
	v41 =	vmul.f32 $8.000000000e+00, v41;
	v34 =	vld.idx.msk [tilespmem:v36+s20+$0x0], $0xffff  }
0x1fb: {  	v53 =	vor.u32 s0, v19;
	v36 =	vmul.f32 $8.000000000e+00, v43;
	v47 =	vld.idx.msk [tilespmem:v47+s20+$0x0], $0xffff  }
0x1fc: {  	v54 =	vor.u32 s0, v20;
	v37 =	vmul.f32 $8.000000000e+00, v37;
	v43 =	vld.idx.msk [tilespmem:v48+s20+$0x0], $0xffff;
	v48 =	vmul.f32 $8.000000000e+00, v35  }
0x1fd: {  	v56 =	vor.u32 s0, v21;
	v55 =	vmul.f32 $8.000000000e+00, v39;
	v35 =	vld.idx.msk [tilespmem:v38+s20+$0x0], $0xffff  }
0x1fe: {  	v40 =	vmul.f32 $8.000000000e+00, v40;
	v39 =	vmul.f32 $8.000000000e+00, v45;
	[tilespmem:v44+s26+$0x0] =	vst.idx.msk $0xffff, v48;
	v48 =	vor.u32 s0, v22  }
0x1ff: {  	v45 =	vor.u32 s0, v23;
	v38 =	vmul.f32 $8.000000000e+00, v46;
	[tilespmem:v49+s26+$0x0] =	vst.idx.msk $0xffff, v50  }
.Ltmp14:
0x200: {  	v46 =	vor.u32 s0, v24;
	[tilespmem:v42+s26+$0x0] =	vst.idx.msk $0xffff, v55;
	(pc) =	sbr.rel @p0 .LBB2_21-.Ltmp14, $4  }
0x201: {  	v44 =	vor.u32 s0, v25;
	[tilespmem:v53+s26+$0x0] =	vst.idx.msk $0xffff, v37  }
0x202: {  	v42 =	vor.u32 s0, v26;
	v37 =	vmul.f32 $8.000000000e+00, v43;
	[tilespmem:v54+s26+$0x0] =	vst.idx.msk $0xffff, v40  }
0x203: {  	v40 =	vor.u32 s0, v27;
	[tilespmem:v56+s26+$0x0] =	vst.idx.msk $0xffff, v52  }
0x204: {  	v47 =	vmul.f32 $8.000000000e+00, v47;
	v43 =	vor.u32 s0, v28;
	[tilespmem:v48+s26+$0x0] =	vst.idx.msk $0xffff, v41;
	v41 =	vmul.f32 $8.000000000e+00, v51  }
0x205: {  	_ =	sdelay $0x3  }
0x206: {  	[tilespmem:v45+s26+$0x0] =	vst.idx.msk $0xffff, v36  }
0x207: {  	[tilespmem:v46+s26+$0x0] =	vst.idx.msk $0xffff, v39  }
0x208: {  	v62 =	vor.u32 s0, v30;
	[tilespmem:v44+s26+$0x0] =	vst.idx.msk $0xffff, v38  }
0x209: {  	v63 =	vor.u32 s0, v31;
	[tilespmem:v42+s26+$0x0] =	vst.idx.msk $0xffff, v47  }
0x20a: {  	v34 =	vmul.f32 $8.000000000e+00, v34;
	p0 =	seq.s32 s29, $0x31;
	[tilespmem:v40+s26+$0x0] =	vst.idx.msk $0xffff, v37  }
.Ltmp15:
0x20b: {  	v33 =	vmul.f32 $8.000000000e+00, v33;
	[tilespmem:v43+s26+$0x0] =	vst.idx.msk $0xffff, v41;
	(pc) =	sbr.rel @p0 .LBB2_24-.Ltmp15, $4  }
0x20c: {  	v35 =	vmul.f32 $8.000000000e+00, v35;
	[tilespmem:v32+s26+$0x0] =	vst.idx.msk $0xffff, v34  }
0x20d: {  	[tilespmem:v62+s26+$0x0] =	vst.idx.msk $0xffff, v33  }
0x20e: {  	s31 =	sadd.s32 s31, s9;
	[tilespmem:v63+s26+$0x0] =	vst.idx.msk $0xffff, v35  }
0x20f: {  	[hbm4b:s31+s11] =	stream.strided.scatter [tilespmem:s26], [sflag:$0x2], $0x2000, s12, s11, $0x38;
	[tilespmem:$0x16400] =	vst v63  }
.Ltmp16:
0x210: {  	(pc) =	sbr.rel .LBB2_2-.Ltmp16, $4  }
0x211: {  	s0 =	sshll.u32 s30, $0x7  }
0x212: {  	s0 =	sadd.s32 $0x380, s0  }
0x213: {  	s29 =	sadd.s32 $0x1, s29;
	s0 =	sand.u32 $0xFF80, s0  }
0x214: {  	[tilespmem:s20], [sflag:$0x1] =	stream.indirect.gather [hbm4b:s5+s14], $0x40, s0, s14, $0xb8;
	[tilespmem:$0x16400] =	vst v63  }
.LBB2_25:
0x215: {  	_ =	sfence.sel $0x180000  }
0x216: {  	[bflag:$0x0] =	sbarrier.arrive $0xFFFF  }
0x217: {  	_ =	strace $0x90000047  }
0x218: {  	s0 =	stileid.u32;
	[bflag:$0x2] =	sbarrier.arrive $0xFFFF  }
0x219: {  	p0 =	sne.s32 s0, $0x0;
	s0 =	rddreg [dreg:$0x3]  }
0x21a: {  	s0 =	sadd.s32 @!p0 $0x100000, s0  }
0x21b: {  	[sflag:s0] =	ssyncadd.tile.s32 @!p0 $0x1;
	_ =	shalt  }
.Lfunc_end2:
_tile_overlayer_lowered:
.L_overlay_start_2:
0x21c: {  	(tag) =	ssettag $0x2  }
0x21d: {  	s0 =	rddreg [dreg:$0x0];
	s2 =	stileid.u32  }
0x21e: {  	s1 =	rddreg [dreg:$0x1];
	p0 =	sne.s32 s2, $0x0  }
0x21f: {  	s3 =	rddreg [dreg:$0x2];
	[bflag:$0x3] =	sbarrier.arrive $0xFFFF;
	s2 =	simm.s32 @!p0 $0x1C03  }
0x220: {  	[timem:s3], [sflag:s2] =	dma.local @!p0 [hbm:s0], s1  }
0x221: {  	s0 =	simm.s32 @!p0 $0x3  }
0x222: {  	_ =	swait.ge @!p0 [sflag:s0], s1  }
0x223: {  	s1 =	ssub.s32 @!p0 $0x0, s1;
	[sflag:s0] =	ssyncset.done @!p0 $0x0  }
0x224: {  	[sflag:s0] =	ssyncadd.s32 @!p0 s1  }
0x225: {  	[bflag:$0x3] =	sbarrier.arrive $0xFFFF  }
0x226: {  	_ =	shalt  }

</sc_bundles>
